<compile_context>
chip_gen: v7x
topology: tpu7x:2x2x1
jax: 0.10.2.dev20260603
libtpu: 0.0.44.dev20260713+nightly
codegen_flags: <defaults>
</compile_context>

<pallas_src>
import functools

import jax
import jax.numpy as jnp
from jax import lax
from jax.experimental import pallas as pl
from jax.experimental.pallas import tpu as pltpu
from jax.experimental.pallas import tpu_sc as plsc

N = 10000
E = 320000
D = 128
G = 64

NP = 10240
SL = NP // 16
NW = 32
C = 128
K = 80
GK = 16
CD = 128
KD = K * C // CD
EPAD = NW * K * C
BLK = 1024
NB = NP // BLK

_mesh = plsc.VectorSubcoreMesh(core_axis_name="c", subcore_axis_name="s")
_sc_params = pltpu.CompilerParams(needs_layout_passes=False)


@functools.partial(
    pl.kernel,
    out_type=jax.ShapeDtypeStruct((2, NP), jnp.float32),
    mesh=_mesh,
    scratch_types=[
        pltpu.VMEM((KD, CD), jnp.int32),
        pltpu.VMEM((KD, CD), jnp.float32),
        pltpu.VMEM((SL,), jnp.float32),
        pltpu.VMEM_SHARED((NP,), jnp.float32),
        pltpu.SemaphoreType.DMA,
    ],
)
def _deg_kernel(dst_hbm, ew_hbm, out_hbm, dst_v, ew_v, z_v, deg_sh, sd):
    c = lax.axis_index("c")
    s = lax.axis_index("s")
    w = s * 2 + c
    base = s * SL

    @pl.loop(0, SL, step=16)
    def _(i):
        z_v[pl.ds(i, 16)] = jnp.zeros((16,), jnp.float32)

    pltpu.sync_copy(z_v, deg_sh.at[pl.ds(base, SL)])
    pltpu.sync_copy(dst_hbm.at[w], dst_v)
    pltpu.sync_copy(ew_hbm.at[w], ew_v)
    plsc.subcore_barrier()

    @pl.loop(0, KD, step=8)
    def _(j):
        for u in range(8):
            pltpu.async_copy(ew_v.at[j + u], deg_sh.at[dst_v.at[j + u]], sd,
                             add=True)
        for u in range(8):
            pltpu.make_async_copy(ew_v.at[0], deg_sh.at[dst_v.at[0]],
                                  sd).wait()

    plsc.subcore_barrier()
    pltpu.sync_copy(deg_sh.at[pl.ds(base, SL)], out_hbm.at[c, pl.ds(base, SL)])


def _hs_body(x_ref, w_ref, deg_ref, hs_ref):
    deg = deg_ref[0] + deg_ref[1] + 1.0
    dinv = lax.rsqrt(deg)
    h = jnp.dot(x_ref[...], w_ref[...], preferred_element_type=jnp.float32)
    hs_ref[...] = h * dinv[:, None]


_hs_call = pl.pallas_call(
    _hs_body,
    grid=(NB,),
    in_specs=[
        pl.BlockSpec((BLK, D), lambda i: (i, 0)),
        pl.BlockSpec((D, D), lambda i: (0, 0)),
        pl.BlockSpec((2, BLK), lambda i: (0, i)),
    ],
    out_specs=pl.BlockSpec((BLK, D), lambda i: (i, 0)),
    out_shape=jax.ShapeDtypeStruct((NP, D), jnp.float32),
)


@functools.partial(
    pl.kernel,
    out_type=jax.ShapeDtypeStruct((2, NP, D), jnp.float32),
    mesh=_mesh,
    scratch_types=[
        pltpu.VMEM((GK, C), jnp.int32),
        pltpu.VMEM((GK, C), jnp.int32),
        pltpu.VMEM((GK, C), jnp.float32),
        pltpu.VMEM((C, D), jnp.float32),
        pltpu.VMEM((C, D), jnp.float32),
        pltpu.VMEM_SHARED((NP, D), jnp.float32),
        pltpu.SemaphoreType.DMA,
        pltpu.SemaphoreType.DMA,
    ],
    compiler_params=_sc_params,
)
def _agg_kernel(hs_hbm, src_hbm, dst_hbm, ew_hbm, out_hbm,
                src_v, dst_v, ew_v, rba, rbb, acc_sh, sga, sgb):
    c = lax.axis_index("c")
    s = lax.axis_index("s")
    w = s * 2 + c
    base = s * SL

    @pl.loop(0, C)
    def _(i):
        for k in range(D // 16):
            rba[i, pl.ds(k * 16, 16)] = jnp.zeros((16,), jnp.float32)

    @pl.when(c == 0)
    def _():
        pltpu.sync_copy(hs_hbm.at[pl.ds(base, SL)], acc_sh.at[pl.ds(base, SL)])

    @pl.when(c == 1)
    def _():
        for t in range(SL // C):
            pltpu.sync_copy(rba, acc_sh.at[pl.ds(base + t * C, C)])

    plsc.subcore_barrier()

    def _process(rb, j):
        @pl.loop(0, C, step=8)
        def _(i):
            jb = jnp.broadcast_to(j, (16,))
            ws = [plsc.load_gather(ew_v, [jb, jnp.broadcast_to(i + u, (16,))])
                  for u in range(8)]
            for k in range(D // 16):
                sl = pl.ds(k * 16, 16)
                for u in range(8):
                    rb[i + u, sl] = rb[i + u, sl] * ws[u]
        pltpu.sync_copy(rb, acc_sh.at[dst_v.at[j]], add=True)

    @pl.loop(0, K // GK)
    def _(g):
        gb = g * GK
        pltpu.sync_copy(src_hbm.at[w, pl.ds(gb, GK)], src_v)
        pltpu.sync_copy(dst_hbm.at[w, pl.ds(gb, GK)], dst_v)
        pltpu.sync_copy(ew_hbm.at[w, pl.ds(gb, GK)], ew_v)

        pltpu.async_copy(hs_hbm.at[src_v.at[0]], rba, sga)

        @pl.loop(0, GK, step=2)
        def _(j):
            pltpu.async_copy(hs_hbm.at[src_v.at[j + 1]], rbb, sgb)
            pltpu.make_async_copy(hs_hbm.at[src_v.at[j]], rba, sga).wait()
            _process(rba, j)

            @pl.when(j + 2 < GK)
            def _():
                pltpu.async_copy(hs_hbm.at[src_v.at[j + 2]], rba, sga)

            pltpu.make_async_copy(hs_hbm.at[src_v.at[j + 1]], rbb, sgb).wait()
            _process(rbb, j + 1)

    plsc.subcore_barrier()
    pltpu.sync_copy(acc_sh.at[pl.ds(base, SL)], out_hbm.at[c, pl.ds(base, SL)])


def _pool_body(acc_ref, deg_ref, batch_ref, b1_ref, w2_ref, b2_ref, out_ref,
               sums_scr, cnt_scr):
    i = pl.program_id(0)

    @pl.when(i == 0)
    def _():
        sums_scr[...] = jnp.zeros_like(sums_scr)
        cnt_scr[...] = jnp.zeros_like(cnt_scr)

    a = acc_ref[0] + acc_ref[1]
    deg = deg_ref[0] + deg_ref[1] + 1.0
    dinv = lax.rsqrt(deg)
    h2 = jnp.maximum(a * dinv[:, None] + b1_ref[0][None, :], 0.0)
    b = batch_ref[0, 0]
    oh = (b[:, None] == lax.broadcasted_iota(jnp.int32, (BLK, G), 1))
    oh = oh.astype(jnp.float32)
    sums_scr[...] += lax.dot_general(
        oh, h2, (((0,), (0,)), ((), ())), preferred_element_type=jnp.float32)
    cnt_scr[...] += jnp.sum(oh, axis=0)[:, None]

    @pl.when(i == NB - 1)
    def _():
        pooled = sums_scr[...] / jnp.maximum(cnt_scr[...], 1.0)
        out_ref[...] = jnp.dot(
            pooled, w2_ref[...], preferred_element_type=jnp.float32
        ) + b2_ref[...]


_pool_call = pl.pallas_call(
    _pool_body,
    grid=(NB,),
    in_specs=[
        pl.BlockSpec((2, BLK, D), lambda i: (0, i, 0)),
        pl.BlockSpec((2, BLK), lambda i: (0, i)),
        pl.BlockSpec((1, 1, BLK), lambda i: (i, 0, 0)),
        pl.BlockSpec((1, D), lambda i: (0, 0)),
        pl.BlockSpec((D, G), lambda i: (0, 0)),
        pl.BlockSpec((1, G), lambda i: (0, 0)),
    ],
    out_specs=pl.BlockSpec((G, G), lambda i: (0, 0)),
    out_shape=jax.ShapeDtypeStruct((G, G), jnp.float32),
    scratch_shapes=[
        pltpu.VMEM((G, D), jnp.float32),
        pltpu.VMEM((G, 1), jnp.float32),
    ],
)


def kernel(x, edge_index, edge_attr, batch, W1, b1, W2, b2):
    src = edge_index[0]
    dst = edge_index[1]
    npad = EPAD - E
    pad_idx = jnp.arange(npad, dtype=jnp.int32) % N
    srcp = jnp.concatenate([src, pad_idx]).reshape(NW, K, C)
    dstp = jnp.concatenate([dst, pad_idx]).reshape(NW, K, C)
    ewp = jnp.concatenate(
        [edge_attr, jnp.zeros((npad,), jnp.float32)]).reshape(NW, K, C)

    xp = jnp.pad(x, ((0, NP - N), (0, 0)))
    batch_p = jnp.pad(batch, (0, NP - N), constant_values=G).reshape(NB, 1, BLK)

    deg2 = _deg_kernel(dstp.reshape(NW, KD, CD), ewp.reshape(NW, KD, CD))
    hs = _hs_call(xp, W1, deg2)
    acc = _agg_kernel(hs, srcp, dstp, ewp)
    out = _pool_call(acc, deg2, batch_p, b1.reshape(1, D), W2,
                     b2.reshape(1, G))
    return out

# --- scband reference (transcript-rebuilt; emitter-appended) ---
"""Pipeline reference for scband-gcn-23450521436961 (READ-ONLY COPY).

The authoritative reference and input builder live on the scoring server;
editing this copy changes nothing except your own understanding.
"""

import jax, jax.numpy as jnp
import numpy as np

N = 10000
E = 320000
D_IN = 128
D_H = 128
D_OUT = 64
G = 64  # number of graphs in the batch


def setup_inputs(seed: int = 0) -> dict:
    key = jax.random.key(seed)
    k1, k2, k3, k4, k5, k6, k7, k8 = jax.random.split(key, 8)
    x = jax.random.normal(k1, (N, D_IN), dtype=jnp.float32)
    edge_index = jax.random.randint(k2, (2, E), 0, N, dtype=jnp.int32)
    edge_attr = jax.random.uniform(k3, (E,), dtype=jnp.float32)
    batch = jnp.sort(jax.random.randint(k4, (N,), 0, G, dtype=jnp.int32))
    # GCNConv params (Glorot-ish scale) and Linear params
    W1 = jax.random.normal(k5, (D_IN, D_H), dtype=jnp.float32) * (1.0 / np.sqrt(D_IN))
    b1 = jnp.zeros((D_H,), dtype=jnp.float32)
    W2 = jax.random.normal(k6, (D_H, D_OUT), dtype=jnp.float32) * (1.0 / np.sqrt(D_H))
    b2 = jnp.zeros((D_OUT,), dtype=jnp.float32)
    return {"x": x, "edge_index": edge_index, "edge_attr": edge_attr, "batch": batch,
            "W1": W1, "b1": b1, "W2": W2, "b2": b2}


def _gcn_conv(x, edge_index, edge_weight, W, b):
    # PyG GCNConv: add self-loops (weight 1), symmetric normalization, scatter-add aggregate
    src = edge_index[0]
    dst = edge_index[1]
    loop = jnp.arange(N, dtype=src.dtype)
    src_f = jnp.concatenate([src, loop])
    dst_f = jnp.concatenate([dst, loop])
    ew_f = jnp.concatenate([edge_weight, jnp.ones((N,), dtype=edge_weight.dtype)])
    deg = jnp.zeros((N,), dtype=jnp.float32).at[dst_f].add(ew_f)
    deg_inv_sqrt = jnp.where(deg > 0, deg ** -0.5, 0.0)
    norm = deg_inv_sqrt[src_f] * ew_f * deg_inv_sqrt[dst_f]
    h = x @ W  # linear transform first (memory-bound gather/scatter dominates)
    msg = h[src_f] * norm[:, None]
    out = jnp.zeros((N, h.shape[1]), dtype=h.dtype).at[dst_f].add(msg)
    return out + b


def _global_mean_pool(x, batch):
    sums = jax.ops.segment_sum(x, batch, num_segments=G)
    counts = jax.ops.segment_sum(jnp.ones((x.shape[0],), dtype=x.dtype), batch, num_segments=G)
    return sums / jnp.maximum(counts, 1.0)[:, None]


def reference(x, edge_index, edge_attr, batch, W1, b1, W2, b2):
    h = _gcn_conv(x, edge_index, edge_attr, W1, b1)
    h = jax.nn.relu(h)
    # dropout treated as identity (inference/reference determinism)
    pooled = _global_mean_pool(h, batch)
    out = pooled @ W2 + b2
    return out

if __name__ == "__main__":
    import jax
    _d = setup_inputs()
    print(jax.jit(kernel)(*tuple(_d.values())))

</pallas_src>

<mosaic_0001>
#map = affine_map<(d0, d1) -> (0, 0)>
#map1 = affine_map<(d0, d1) -> (0, 0, 0)>
module attributes {stable_mosaic.version = 14 : i64} {
  func.func @_agg_kernel(%arg0: i32, %arg1: i32, %arg2: memref<10240x128xf32, #tpu.memory_space<hbm>>, %arg3: memref<32x80x128xi32, #tpu.memory_space<hbm>>, %arg4: memref<32x80x128xi32, #tpu.memory_space<hbm>>, %arg5: memref<32x80x128xf32, #tpu.memory_space<hbm>>, %arg6: memref<2x10240x128xf32, #tpu.memory_space<hbm>>, %arg7: memref<16x128xi32, #tpu.memory_space<vmem>>, %arg8: memref<16x128xi32, #tpu.memory_space<vmem>>, %arg9: memref<16x128xf32, #tpu.memory_space<vmem>>, %arg10: memref<128x128xf32, #tpu.memory_space<vmem>>, %arg11: memref<128x128xf32, #tpu.memory_space<vmem>>, %arg12: memref<10240x128xf32, #tpu.memory_space<vmem_shared>>, %arg13: memref<!tpu.dma_semaphore, #tpu.memory_space<semaphore_mem>>, %arg14: memref<!tpu.dma_semaphore, #tpu.memory_space<semaphore_mem>>) attributes {dimension_semantics = [#tpu.dimension_semantics<core_parallel>, #tpu.dimension_semantics<subcore_parallel>], iteration_bounds = array<i64: 2, 16>, scalar_prefetch = 0 : i64, scratch_operands = 8 : i64, tpu.core_type = #tpu.core_type<sc_vector_subcore>, window_params = [{transform_indices = #map}, {transform_indices = #map1}, {transform_indices = #map1}, {transform_indices = #map1}, {transform_indices = #map1}]} {
    %mul3A = arith.constant 2 : i32
    %mul3A_0 = arith.muli %arg1, %mul3A : i32
    %add3A = arith.addi %mul3A_0, %arg0 : i32
    %mul3A_1 = arith.constant 640 : i32
    %mul3A_2 = arith.muli %arg1, %mul3A_1 : i32
    %scan3A = arith.constant 0 : i32
    %scan3A_3 = arith.constant 128 : i32
    %scan3A_4 = arith.addi %scan3A, %scan3A_3 : i32
    %scan3A_5 = arith.constant 1 : i32
    scf.for %scan3A_20 = %scan3A to %scan3A_4 step %scan3A_5  : i32 {
      %mul3A_21 = arith.constant 1 : i32
      %mul3A_22 = arith.muli %scan3A_20, %mul3A_21 : i32
      %add3A_23 = arith.constant 0 : i32
      %add3A_24 = arith.addi %add3A_23, %mul3A_22 : i32
      %broadcast_in_dim3A = arith.constant 0.000000e+00 : f32
      %broadcast_in_dim3A_25 = vector.broadcast %broadcast_in_dim3A : f32 to vector<16xf32>
      %swap3A = arith.index_cast %add3A_24 : i32 to index
      %swap3A_26 = arith.constant 0 : index
      %swap3A_27 = tpu.vector_load %arg10[%swap3A, %swap3A_26] {strides = array<i32>} : memref<128x128xf32, #tpu.memory_space<vmem>>, vector<16xf32>,
      tpu.vector_store %arg10[%swap3A, %swap3A_26], %broadcast_in_dim3A_25 {strides = array<i32>} : memref<128x128xf32, #tpu.memory_space<vmem>>, vector<16xf32>,
      %broadcast_in_dim3A_28 = arith.constant 0.000000e+00 : f32
      %broadcast_in_dim3A_29 = vector.broadcast %broadcast_in_dim3A_28 : f32 to vector<16xf32>
      %swap3A_30 = arith.index_cast %add3A_24 : i32 to index
      %swap3A_31 = arith.constant 16 : index
      %swap3A_32 = tpu.vector_load %arg10[%swap3A_30, %swap3A_31] {strides = array<i32>} : memref<128x128xf32, #tpu.memory_space<vmem>>, vector<16xf32>,
      tpu.vector_store %arg10[%swap3A_30, %swap3A_31], %broadcast_in_dim3A_29 {strides = array<i32>} : memref<128x128xf32, #tpu.memory_space<vmem>>, vector<16xf32>,
      %broadcast_in_dim3A_33 = arith.constant 0.000000e+00 : f32
      %broadcast_in_dim3A_34 = vector.broadcast %broadcast_in_dim3A_33 : f32 to vector<16xf32>
      %swap3A_35 = arith.index_cast %add3A_24 : i32 to index
      %swap3A_36 = arith.constant 32 : index
      %swap3A_37 = tpu.vector_load %arg10[%swap3A_35, %swap3A_36] {strides = array<i32>} : memref<128x128xf32, #tpu.memory_space<vmem>>, vector<16xf32>,
      tpu.vector_store %arg10[%swap3A_35, %swap3A_36], %broadcast_in_dim3A_34 {strides = array<i32>} : memref<128x128xf32, #tpu.memory_space<vmem>>, vector<16xf32>,
      %broadcast_in_dim3A_38 = arith.constant 0.000000e+00 : f32
      %broadcast_in_dim3A_39 = vector.broadcast %broadcast_in_dim3A_38 : f32 to vector<16xf32>
      %swap3A_40 = arith.index_cast %add3A_24 : i32 to index
      %swap3A_41 = arith.constant 48 : index
      %swap3A_42 = tpu.vector_load %arg10[%swap3A_40, %swap3A_41] {strides = array<i32>} : memref<128x128xf32, #tpu.memory_space<vmem>>, vector<16xf32>,
      tpu.vector_store %arg10[%swap3A_40, %swap3A_41], %broadcast_in_dim3A_39 {strides = array<i32>} : memref<128x128xf32, #tpu.memory_space<vmem>>, vector<16xf32>,
      %broadcast_in_dim3A_43 = arith.constant 0.000000e+00 : f32
      %broadcast_in_dim3A_44 = vector.broadcast %broadcast_in_dim3A_43 : f32 to vector<16xf32>
      %swap3A_45 = arith.index_cast %add3A_24 : i32 to index
      %swap3A_46 = arith.constant 64 : index
      %swap3A_47 = tpu.vector_load %arg10[%swap3A_45, %swap3A_46] {strides = array<i32>} : memref<128x128xf32, #tpu.memory_space<vmem>>, vector<16xf32>,
      tpu.vector_store %arg10[%swap3A_45, %swap3A_46], %broadcast_in_dim3A_44 {strides = array<i32>} : memref<128x128xf32, #tpu.memory_space<vmem>>, vector<16xf32>,
      %broadcast_in_dim3A_48 = arith.constant 0.000000e+00 : f32
      %broadcast_in_dim3A_49 = vector.broadcast %broadcast_in_dim3A_48 : f32 to vector<16xf32>
      %swap3A_50 = arith.index_cast %add3A_24 : i32 to index
      %swap3A_51 = arith.constant 80 : index
      %swap3A_52 = tpu.vector_load %arg10[%swap3A_50, %swap3A_51] {strides = array<i32>} : memref<128x128xf32, #tpu.memory_space<vmem>>, vector<16xf32>,
      tpu.vector_store %arg10[%swap3A_50, %swap3A_51], %broadcast_in_dim3A_49 {strides = array<i32>} : memref<128x128xf32, #tpu.memory_space<vmem>>, vector<16xf32>,
      %broadcast_in_dim3A_53 = arith.constant 0.000000e+00 : f32
      %broadcast_in_dim3A_54 = vector.broadcast %broadcast_in_dim3A_53 : f32 to vector<16xf32>
      %swap3A_55 = arith.index_cast %add3A_24 : i32 to index
      %swap3A_56 = arith.constant 96 : index
      %swap3A_57 = tpu.vector_load %arg10[%swap3A_55, %swap3A_56] {strides = array<i32>} : memref<128x128xf32, #tpu.memory_space<vmem>>, vector<16xf32>,
      tpu.vector_store %arg10[%swap3A_55, %swap3A_56], %broadcast_in_dim3A_54 {strides = array<i32>} : memref<128x128xf32, #tpu.memory_space<vmem>>, vector<16xf32>,
      %broadcast_in_dim3A_58 = arith.constant 0.000000e+00 : f32
      %broadcast_in_dim3A_59 = vector.broadcast %broadcast_in_dim3A_58 : f32 to vector<16xf32>
      %swap3A_60 = arith.index_cast %add3A_24 : i32 to index
      %swap3A_61 = arith.constant 112 : index
      %swap3A_62 = tpu.vector_load %arg10[%swap3A_60, %swap3A_61] {strides = array<i32>} : memref<128x128xf32, #tpu.memory_space<vmem>>, vector<16xf32>,
      tpu.vector_store %arg10[%swap3A_60, %swap3A_61], %broadcast_in_dim3A_59 {strides = array<i32>} : memref<128x128xf32, #tpu.memory_space<vmem>>, vector<16xf32>,
    }
    %scan3A_6 = arith.constant 128 : i32
    %eq3A = arith.constant 0 : i32
    %eq3A_7 = arith.cmpi eq, %arg0, %eq3A : i32
    %convert_element_type3A = arith.extui %eq3A_7 : i1 to i32
    %cond3A = arith.constant 0 : i32
    %cond3A_8 = arith.cmpi ne, %convert_element_type3A, %cond3A : i32
    scf.if %cond3A_8 {
      "tpu.region"() ({
        %run_scoped3A = tpu.sem_alloc : memref<!tpu.dma_semaphore, #tpu.memory_space<semaphore_mem>>
        %dma_start3A = arith.constant 0 : i32
        %dma_start3A_20 = tpu.memref_slice %arg12[%mul3A_2, %dma_start3A] : memref<10240x128xf32, #tpu.memory_space<vmem_shared>> -> memref<640x128xf32, #tpu.memory_space<vmem_shared>>
        %dma_start3A_21 = arith.constant 0 : i32
        %dma_start3A_22 = tpu.memref_slice %arg2[%mul3A_2, %dma_start3A_21] : memref<10240x128xf32, #tpu.memory_space<hbm>> -> memref<640x128xf32, #tpu.memory_space<hbm>>
        tpu.enqueue_dma source(%dma_start3A_22 : memref<640x128xf32, #tpu.memory_space<hbm>>) target(%dma_start3A_20 : memref<640x128xf32, #tpu.memory_space<vmem_shared>>) target_semaphore(%run_scoped3A : memref<!tpu.dma_semaphore, #tpu.memory_space<semaphore_mem>>)
        %dma_wait3A = arith.constant 0 : i32
        %dma_wait3A_23 = tpu.memref_slice %arg12[%mul3A_2, %dma_wait3A] : memref<10240x128xf32, #tpu.memory_space<vmem_shared>> -> memref<640x128xf32, #tpu.memory_space<vmem_shared>>
        %dma_wait3A_24 = arith.constant 0 : i32
        %dma_wait3A_25 = tpu.memref_slice %arg2[%mul3A_2, %dma_wait3A_24] : memref<10240x128xf32, #tpu.memory_space<hbm>> -> memref<640x128xf32, #tpu.memory_space<hbm>>
        tpu.wait_dma2 semaphore(%run_scoped3A : memref<!tpu.dma_semaphore, #tpu.memory_space<semaphore_mem>>) src(%dma_wait3A_25 : memref<640x128xf32, #tpu.memory_space<hbm>>) dst(%dma_wait3A_23 : memref<640x128xf32, #tpu.memory_space<vmem_shared>>)
        tpu.yield
      }) : () -> ()
    } else {
    }
    %eq3A_9 = arith.constant 1 : i32
    %eq3A_10 = arith.cmpi eq, %arg0, %eq3A_9 : i32
    %convert_element_type3A_11 = arith.extui %eq3A_10 : i1 to i32
    %cond3A_12 = arith.constant 0 : i32
    %cond3A_13 = arith.cmpi ne, %convert_element_type3A_11, %cond3A_12 : i32
    scf.if %cond3A_13 {
      %add3A_20 = arith.constant 0 : i32
      %add3A_21 = arith.addi %mul3A_2, %add3A_20 : i32
      "tpu.region"() ({
        %run_scoped3A = tpu.sem_alloc : memref<!tpu.dma_semaphore, #tpu.memory_space<semaphore_mem>>
        %dma_start3A = arith.constant 0 : i32
        %dma_start3A_30 = tpu.memref_slice %arg12[%add3A_21, %dma_start3A] : memref<10240x128xf32, #tpu.memory_space<vmem_shared>> -> memref<128x128xf32, #tpu.memory_space<vmem_shared>>
        %dma_start3A_31 = arith.constant 0 : i32
        %dma_start3A_32 = tpu.memref_slice %arg12[%add3A_21, %dma_start3A_31] : memref<10240x128xf32, #tpu.memory_space<vmem_shared>> -> memref<128x128xf32, #tpu.memory_space<vmem_shared>>
        tpu.enqueue_dma source(%arg10 : memref<128x128xf32, #tpu.memory_space<vmem>>) target(%dma_start3A_32 : memref<128x128xf32, #tpu.memory_space<vmem_shared>>) target_semaphore(%run_scoped3A : memref<!tpu.dma_semaphore, #tpu.memory_space<semaphore_mem>>)
        %dma_wait3A = arith.constant 0 : i32
        %dma_wait3A_33 = tpu.memref_slice %arg12[%add3A_21, %dma_wait3A] : memref<10240x128xf32, #tpu.memory_space<vmem_shared>> -> memref<128x128xf32, #tpu.memory_space<vmem_shared>>
        %dma_wait3A_34 = arith.constant 0 : i32
        %dma_wait3A_35 = tpu.memref_slice %arg12[%add3A_21, %dma_wait3A_34] : memref<10240x128xf32, #tpu.memory_space<vmem_shared>> -> memref<128x128xf32, #tpu.memory_space<vmem_shared>>
        tpu.wait_dma2 semaphore(%run_scoped3A : memref<!tpu.dma_semaphore, #tpu.memory_space<semaphore_mem>>) src(%arg10 : memref<128x128xf32, #tpu.memory_space<vmem>>) dst(%dma_wait3A_35 : memref<128x128xf32, #tpu.memory_space<vmem_shared>>)
        tpu.yield
      }) : () -> ()
      %add3A_22 = arith.constant 128 : i32
      %add3A_23 = arith.addi %mul3A_2, %add3A_22 : i32
      "tpu.region"() ({
        %run_scoped3A = tpu.sem_alloc : memref<!tpu.dma_semaphore, #tpu.memory_space<semaphore_mem>>
        %dma_start3A = arith.constant 0 : i32
        %dma_start3A_30 = tpu.memref_slice %arg12[%add3A_23, %dma_start3A] : memref<10240x128xf32, #tpu.memory_space<vmem_shared>> -> memref<128x128xf32, #tpu.memory_space<vmem_shared>>
        %dma_start3A_31 = arith.constant 0 : i32
        %dma_start3A_32 = tpu.memref_slice %arg12[%add3A_23, %dma_start3A_31] : memref<10240x128xf32, #tpu.memory_space<vmem_shared>> -> memref<128x128xf32, #tpu.memory_space<vmem_shared>>
        tpu.enqueue_dma source(%arg10 : memref<128x128xf32, #tpu.memory_space<vmem>>) target(%dma_start3A_32 : memref<128x128xf32, #tpu.memory_space<vmem_shared>>) target_semaphore(%run_scoped3A : memref<!tpu.dma_semaphore, #tpu.memory_space<semaphore_mem>>)
        %dma_wait3A = arith.constant 0 : i32
        %dma_wait3A_33 = tpu.memref_slice %arg12[%add3A_23, %dma_wait3A] : memref<10240x128xf32, #tpu.memory_space<vmem_shared>> -> memref<128x128xf32, #tpu.memory_space<vmem_shared>>
        %dma_wait3A_34 = arith.constant 0 : i32
        %dma_wait3A_35 = tpu.memref_slice %arg12[%add3A_23, %dma_wait3A_34] : memref<10240x128xf32, #tpu.memory_space<vmem_shared>> -> memref<128x128xf32, #tpu.memory_space<vmem_shared>>
        tpu.wait_dma2 semaphore(%run_scoped3A : memref<!tpu.dma_semaphore, #tpu.memory_space<semaphore_mem>>) src(%arg10 : memref<128x128xf32, #tpu.memory_space<vmem>>) dst(%dma_wait3A_35 : memref<128x128xf32, #tpu.memory_space<vmem_shared>>)
        tpu.yield
      }) : () -> ()
      %add3A_24 = arith.constant 256 : i32
      %add3A_25 = arith.addi %mul3A_2, %add3A_24 : i32
      "tpu.region"() ({
        %run_scoped3A = tpu.sem_alloc : memref<!tpu.dma_semaphore, #tpu.memory_space<semaphore_mem>>
        %dma_start3A = arith.constant 0 : i32
        %dma_start3A_30 = tpu.memref_slice %arg12[%add3A_25, %dma_start3A] : memref<10240x128xf32, #tpu.memory_space<vmem_shared>> -> memref<128x128xf32, #tpu.memory_space<vmem_shared>>
        %dma_start3A_31 = arith.constant 0 : i32
        %dma_start3A_32 = tpu.memref_slice %arg12[%add3A_25, %dma_start3A_31] : memref<10240x128xf32, #tpu.memory_space<vmem_shared>> -> memref<128x128xf32, #tpu.memory_space<vmem_shared>>
        tpu.enqueue_dma source(%arg10 : memref<128x128xf32, #tpu.memory_space<vmem>>) target(%dma_start3A_32 : memref<128x128xf32, #tpu.memory_space<vmem_shared>>) target_semaphore(%run_scoped3A : memref<!tpu.dma_semaphore, #tpu.memory_space<semaphore_mem>>)
        %dma_wait3A = arith.constant 0 : i32
        %dma_wait3A_33 = tpu.memref_slice %arg12[%add3A_25, %dma_wait3A] : memref<10240x128xf32, #tpu.memory_space<vmem_shared>> -> memref<128x128xf32, #tpu.memory_space<vmem_shared>>
        %dma_wait3A_34 = arith.constant 0 : i32
        %dma_wait3A_35 = tpu.memref_slice %arg12[%add3A_25, %dma_wait3A_34] : memref<10240x128xf32, #tpu.memory_space<vmem_shared>> -> memref<128x128xf32, #tpu.memory_space<vmem_shared>>
        tpu.wait_dma2 semaphore(%run_scoped3A : memref<!tpu.dma_semaphore, #tpu.memory_space<semaphore_mem>>) src(%arg10 : memref<128x128xf32, #tpu.memory_space<vmem>>) dst(%dma_wait3A_35 : memref<128x128xf32, #tpu.memory_space<vmem_shared>>)
        tpu.yield
      }) : () -> ()
      %add3A_26 = arith.constant 384 : i32
      %add3A_27 = arith.addi %mul3A_2, %add3A_26 : i32
      "tpu.region"() ({
        %run_scoped3A = tpu.sem_alloc : memref<!tpu.dma_semaphore, #tpu.memory_space<semaphore_mem>>
        %dma_start3A = arith.constant 0 : i32
        %dma_start3A_30 = tpu.memref_slice %arg12[%add3A_27, %dma_start3A] : memref<10240x128xf32, #tpu.memory_space<vmem_shared>> -> memref<128x128xf32, #tpu.memory_space<vmem_shared>>
        %dma_start3A_31 = arith.constant 0 : i32
        %dma_start3A_32 = tpu.memref_slice %arg12[%add3A_27, %dma_start3A_31] : memref<10240x128xf32, #tpu.memory_space<vmem_shared>> -> memref<128x128xf32, #tpu.memory_space<vmem_shared>>
        tpu.enqueue_dma source(%arg10 : memref<128x128xf32, #tpu.memory_space<vmem>>) target(%dma_start3A_32 : memref<128x128xf32, #tpu.memory_space<vmem_shared>>) target_semaphore(%run_scoped3A : memref<!tpu.dma_semaphore, #tpu.memory_space<semaphore_mem>>)
        %dma_wait3A = arith.constant 0 : i32
        %dma_wait3A_33 = tpu.memref_slice %arg12[%add3A_27, %dma_wait3A] : memref<10240x128xf32, #tpu.memory_space<vmem_shared>> -> memref<128x128xf32, #tpu.memory_space<vmem_shared>>
        %dma_wait3A_34 = arith.constant 0 : i32
        %dma_wait3A_35 = tpu.memref_slice %arg12[%add3A_27, %dma_wait3A_34] : memref<10240x128xf32, #tpu.memory_space<vmem_shared>> -> memref<128x128xf32, #tpu.memory_space<vmem_shared>>
        tpu.wait_dma2 semaphore(%run_scoped3A : memref<!tpu.dma_semaphore, #tpu.memory_space<semaphore_mem>>) src(%arg10 : memref<128x128xf32, #tpu.memory_space<vmem>>) dst(%dma_wait3A_35 : memref<128x128xf32, #tpu.memory_space<vmem_shared>>)
        tpu.yield
      }) : () -> ()
      %add3A_28 = arith.constant 512 : i32
      %add3A_29 = arith.addi %mul3A_2, %add3A_28 : i32
      "tpu.region"() ({
        %run_scoped3A = tpu.sem_alloc : memref<!tpu.dma_semaphore, #tpu.memory_space<semaphore_mem>>
        %dma_start3A = arith.constant 0 : i32
        %dma_start3A_30 = tpu.memref_slice %arg12[%add3A_29, %dma_start3A] : memref<10240x128xf32, #tpu.memory_space<vmem_shared>> -> memref<128x128xf32, #tpu.memory_space<vmem_shared>>
        %dma_start3A_31 = arith.constant 0 : i32
        %dma_start3A_32 = tpu.memref_slice %arg12[%add3A_29, %dma_start3A_31] : memref<10240x128xf32, #tpu.memory_space<vmem_shared>> -> memref<128x128xf32, #tpu.memory_space<vmem_shared>>
        tpu.enqueue_dma source(%arg10 : memref<128x128xf32, #tpu.memory_space<vmem>>) target(%dma_start3A_32 : memref<128x128xf32, #tpu.memory_space<vmem_shared>>) target_semaphore(%run_scoped3A : memref<!tpu.dma_semaphore, #tpu.memory_space<semaphore_mem>>)
        %dma_wait3A = arith.constant 0 : i32
        %dma_wait3A_33 = tpu.memref_slice %arg12[%add3A_29, %dma_wait3A] : memref<10240x128xf32, #tpu.memory_space<vmem_shared>> -> memref<128x128xf32, #tpu.memory_space<vmem_shared>>
        %dma_wait3A_34 = arith.constant 0 : i32
        %dma_wait3A_35 = tpu.memref_slice %arg12[%add3A_29, %dma_wait3A_34] : memref<10240x128xf32, #tpu.memory_space<vmem_shared>> -> memref<128x128xf32, #tpu.memory_space<vmem_shared>>
        tpu.wait_dma2 semaphore(%run_scoped3A : memref<!tpu.dma_semaphore, #tpu.memory_space<semaphore_mem>>) src(%arg10 : memref<128x128xf32, #tpu.memory_space<vmem>>) dst(%dma_wait3A_35 : memref<128x128xf32, #tpu.memory_space<vmem_shared>>)
        tpu.yield
      }) : () -> ()
    } else {
    }
    %barrier3A = arith.constant 0 : index
    tpu.barrier barrier_id(%barrier3A)
    %scan3A_14 = arith.constant 0 : i32
    %scan3A_15 = arith.constant 5 : i32
    %scan3A_16 = arith.addi %scan3A_14, %scan3A_15 : i32
    %scan3A_17 = arith.constant 1 : i32
    scf.for %scan3A_20 = %scan3A_14 to %scan3A_16 step %scan3A_17  : i32 {
      %mul3A_21 = arith.constant 1 : i32
      %mul3A_22 = arith.muli %scan3A_20, %mul3A_21 : i32
      %add3A_23 = arith.constant 0 : i32
      %add3A_24 = arith.addi %add3A_23, %mul3A_22 : i32
      %mul3A_25 = arith.constant 16 : i32
      %mul3A_26 = arith.muli %add3A_24, %mul3A_25 : i32
      "tpu.region"() ({
        %run_scoped3A = tpu.sem_alloc : memref<!tpu.dma_semaphore, #tpu.memory_space<semaphore_mem>>
        %dma_start3A_38 = arith.constant 0 : i32
        %dma_start3A_39 = tpu.memref_slice %arg3[%add3A, %mul3A_26, %dma_start3A_38] : memref<32x80x128xi32, #tpu.memory_space<hbm>> -> memref<1x16x128xi32, #tpu.memory_space<hbm>>
        %dma_start3A_40 = tpu.memref_squeeze %dma_start3A_39 : memref<1x16x128xi32, #tpu.memory_space<hbm>> -> memref<16x128xi32, #tpu.memory_space<hbm>>
        %dma_start3A_41 = arith.constant 0 : i32
        %dma_start3A_42 = tpu.memref_slice %arg3[%add3A, %mul3A_26, %dma_start3A_41] : memref<32x80x128xi32, #tpu.memory_space<hbm>> -> memref<1x16x128xi32, #tpu.memory_space<hbm>>
        %dma_start3A_43 = tpu.memref_squeeze %dma_start3A_42 : memref<1x16x128xi32, #tpu.memory_space<hbm>> -> memref<16x128xi32, #tpu.memory_space<hbm>>
        tpu.enqueue_dma source(%dma_start3A_43 : memref<16x128xi32, #tpu.memory_space<hbm>>) target(%arg7 : memref<16x128xi32, #tpu.memory_space<vmem>>) target_semaphore(%run_scoped3A : memref<!tpu.dma_semaphore, #tpu.memory_space<semaphore_mem>>)
        %dma_wait3A = arith.constant 0 : i32
        %dma_wait3A_44 = tpu.memref_slice %arg3[%add3A, %mul3A_26, %dma_wait3A] : memref<32x80x128xi32, #tpu.memory_space<hbm>> -> memref<1x16x128xi32, #tpu.memory_space<hbm>>
        %dma_wait3A_45 = tpu.memref_squeeze %dma_wait3A_44 : memref<1x16x128xi32, #tpu.memory_space<hbm>> -> memref<16x128xi32, #tpu.memory_space<hbm>>
        %dma_wait3A_46 = arith.constant 0 : i32
        %dma_wait3A_47 = tpu.memref_slice %arg3[%add3A, %mul3A_26, %dma_wait3A_46] : memref<32x80x128xi32, #tpu.memory_space<hbm>> -> memref<1x16x128xi32, #tpu.memory_space<hbm>>
        %dma_wait3A_48 = tpu.memref_squeeze %dma_wait3A_47 : memref<1x16x128xi32, #tpu.memory_space<hbm>> -> memref<16x128xi32, #tpu.memory_space<hbm>>
        tpu.wait_dma2 semaphore(%run_scoped3A : memref<!tpu.dma_semaphore, #tpu.memory_space<semaphore_mem>>) src(%dma_wait3A_48 : memref<16x128xi32, #tpu.memory_space<hbm>>) dst(%arg7 : memref<16x128xi32, #tpu.memory_space<vmem>>)
        tpu.yield
      }) : () -> ()
      "tpu.region"() ({
        %run_scoped3A = tpu.sem_alloc : memref<!tpu.dma_semaphore, #tpu.memory_space<semaphore_mem>>
        %dma_start3A_38 = arith.constant 0 : i32
        %dma_start3A_39 = tpu.memref_slice %arg4[%add3A, %mul3A_26, %dma_start3A_38] : memref<32x80x128xi32, #tpu.memory_space<hbm>> -> memref<1x16x128xi32, #tpu.memory_space<hbm>>
        %dma_start3A_40 = tpu.memref_squeeze %dma_start3A_39 : memref<1x16x128xi32, #tpu.memory_space<hbm>> -> memref<16x128xi32, #tpu.memory_space<hbm>>
        %dma_start3A_41 = arith.constant 0 : i32
        %dma_start3A_42 = tpu.memref_slice %arg4[%add3A, %mul3A_26, %dma_start3A_41] : memref<32x80x128xi32, #tpu.memory_space<hbm>> -> memref<1x16x128xi32, #tpu.memory_space<hbm>>
        %dma_start3A_43 = tpu.memref_squeeze %dma_start3A_42 : memref<1x16x128xi32, #tpu.memory_space<hbm>> -> memref<16x128xi32, #tpu.memory_space<hbm>>
        tpu.enqueue_dma source(%dma_start3A_43 : memref<16x128xi32, #tpu.memory_space<hbm>>) target(%arg8 : memref<16x128xi32, #tpu.memory_space<vmem>>) target_semaphore(%run_scoped3A : memref<!tpu.dma_semaphore, #tpu.memory_space<semaphore_mem>>)
        %dma_wait3A = arith.constant 0 : i32
        %dma_wait3A_44 = tpu.memref_slice %arg4[%add3A, %mul3A_26, %dma_wait3A] : memref<32x80x128xi32, #tpu.memory_space<hbm>> -> memref<1x16x128xi32, #tpu.memory_space<hbm>>
        %dma_wait3A_45 = tpu.memref_squeeze %dma_wait3A_44 : memref<1x16x128xi32, #tpu.memory_space<hbm>> -> memref<16x128xi32, #tpu.memory_space<hbm>>
        %dma_wait3A_46 = arith.constant 0 : i32
        %dma_wait3A_47 = tpu.memref_slice %arg4[%add3A, %mul3A_26, %dma_wait3A_46] : memref<32x80x128xi32, #tpu.memory_space<hbm>> -> memref<1x16x128xi32, #tpu.memory_space<hbm>>
        %dma_wait3A_48 = tpu.memref_squeeze %dma_wait3A_47 : memref<1x16x128xi32, #tpu.memory_space<hbm>> -> memref<16x128xi32, #tpu.memory_space<hbm>>
        tpu.wait_dma2 semaphore(%run_scoped3A : memref<!tpu.dma_semaphore, #tpu.memory_space<semaphore_mem>>) src(%dma_wait3A_48 : memref<16x128xi32, #tpu.memory_space<hbm>>) dst(%arg8 : memref<16x128xi32, #tpu.memory_space<vmem>>)
        tpu.yield
      }) : () -> ()
      "tpu.region"() ({
        %run_scoped3A = tpu.sem_alloc : memref<!tpu.dma_semaphore, #tpu.memory_space<semaphore_mem>>
        %dma_start3A_38 = arith.constant 0 : i32
        %dma_start3A_39 = tpu.memref_slice %arg5[%add3A, %mul3A_26, %dma_start3A_38] : memref<32x80x128xf32, #tpu.memory_space<hbm>> -> memref<1x16x128xf32, #tpu.memory_space<hbm>>
        %dma_start3A_40 = tpu.memref_squeeze %dma_start3A_39 : memref<1x16x128xf32, #tpu.memory_space<hbm>> -> memref<16x128xf32, #tpu.memory_space<hbm>>
        %dma_start3A_41 = arith.constant 0 : i32
        %dma_start3A_42 = tpu.memref_slice %arg5[%add3A, %mul3A_26, %dma_start3A_41] : memref<32x80x128xf32, #tpu.memory_space<hbm>> -> memref<1x16x128xf32, #tpu.memory_space<hbm>>
        %dma_start3A_43 = tpu.memref_squeeze %dma_start3A_42 : memref<1x16x128xf32, #tpu.memory_space<hbm>> -> memref<16x128xf32, #tpu.memory_space<hbm>>
        tpu.enqueue_dma source(%dma_start3A_43 : memref<16x128xf32, #tpu.memory_space<hbm>>) target(%arg9 : memref<16x128xf32, #tpu.memory_space<vmem>>) target_semaphore(%run_scoped3A : memref<!tpu.dma_semaphore, #tpu.memory_space<semaphore_mem>>)
        %dma_wait3A = arith.constant 0 : i32
        %dma_wait3A_44 = tpu.memref_slice %arg5[%add3A, %mul3A_26, %dma_wait3A] : memref<32x80x128xf32, #tpu.memory_space<hbm>> -> memref<1x16x128xf32, #tpu.memory_space<hbm>>
        %dma_wait3A_45 = tpu.memref_squeeze %dma_wait3A_44 : memref<1x16x128xf32, #tpu.memory_space<hbm>> -> memref<16x128xf32, #tpu.memory_space<hbm>>
        %dma_wait3A_46 = arith.constant 0 : i32
        %dma_wait3A_47 = tpu.memref_slice %arg5[%add3A, %mul3A_26, %dma_wait3A_46] : memref<32x80x128xf32, #tpu.memory_space<hbm>> -> memref<1x16x128xf32, #tpu.memory_space<hbm>>
        %dma_wait3A_48 = tpu.memref_squeeze %dma_wait3A_47 : memref<1x16x128xf32, #tpu.memory_space<hbm>> -> memref<16x128xf32, #tpu.memory_space<hbm>>
        tpu.wait_dma2 semaphore(%run_scoped3A : memref<!tpu.dma_semaphore, #tpu.memory_space<semaphore_mem>>) src(%dma_wait3A_48 : memref<16x128xf32, #tpu.memory_space<hbm>>) dst(%arg9 : memref<16x128xf32, #tpu.memory_space<vmem>>)
        tpu.yield
      }) : () -> ()
      %dma_start3A = arith.constant 0 : i32
      %dma_start3A_27 = arith.constant 0 : i32
      %dma_start3A_28 = tpu.memref_slice %arg7[%dma_start3A, %dma_start3A_27] : memref<16x128xi32, #tpu.memory_space<vmem>> -> memref<1x128xi32, #tpu.memory_space<vmem>>
      %dma_start3A_29 = tpu.memref_squeeze %dma_start3A_28 : memref<1x128xi32, #tpu.memory_space<vmem>> -> memref<128xi32, #tpu.memory_space<vmem>>
      %dma_start3A_30 = arith.constant 0 : i32
      %dma_start3A_31 = arith.constant 0 : i32
      %dma_start3A_32 = tpu.memref_slice %arg2[%dma_start3A_30, %dma_start3A_31] : memref<10240x128xf32, #tpu.memory_space<hbm>> -> memref<10240x128xf32, #tpu.memory_space<hbm>>
      tpu.enqueue_indirect_dma source(%dma_start3A_32 : memref<10240x128xf32, #tpu.memory_space<hbm>>) target(%arg10 : memref<128x128xf32, #tpu.memory_space<vmem>>) offsets(%dma_start3A_29 : memref<128xi32, #tpu.memory_space<vmem>>) semaphore(%arg13 : memref<!tpu.dma_semaphore, #tpu.memory_space<semaphore_mem>>)
      %scan3A_33 = arith.constant 0 : i32
      %scan3A_34 = arith.constant 8 : i32
      %scan3A_35 = arith.addi %scan3A_33, %scan3A_34 : i32
      %scan3A_36 = arith.constant 1 : i32
      scf.for %scan3A_38 = %scan3A_33 to %scan3A_35 step %scan3A_36  : i32 {
        %mul3A_39 = arith.constant 2 : i32
        %mul3A_40 = arith.muli %scan3A_38, %mul3A_39 : i32
        %add3A_41 = arith.constant 0 : i32
        %add3A_42 = arith.addi %add3A_41, %mul3A_40 : i32
        %add3A_43 = arith.constant 1 : i32
        %add3A_44 = arith.addi %add3A_42, %add3A_43 : i32
        %dma_start3A_45 = arith.constant 0 : i32
        %dma_start3A_46 = tpu.memref_slice %arg7[%add3A_44, %dma_start3A_45] : memref<16x128xi32, #tpu.memory_space<vmem>> -> memref<1x128xi32, #tpu.memory_space<vmem>>
        %dma_start3A_47 = tpu.memref_squeeze %dma_start3A_46 : memref<1x128xi32, #tpu.memory_space<vmem>> -> memref<128xi32, #tpu.memory_space<vmem>>
        %dma_start3A_48 = arith.constant 0 : i32
        %dma_start3A_49 = arith.constant 0 : i32
        %dma_start3A_50 = tpu.memref_slice %arg2[%dma_start3A_48, %dma_start3A_49] : memref<10240x128xf32, #tpu.memory_space<hbm>> -> memref<10240x128xf32, #tpu.memory_space<hbm>>
        tpu.enqueue_indirect_dma source(%dma_start3A_50 : memref<10240x128xf32, #tpu.memory_space<hbm>>) target(%arg11 : memref<128x128xf32, #tpu.memory_space<vmem>>) offsets(%dma_start3A_47 : memref<128xi32, #tpu.memory_space<vmem>>) semaphore(%arg14 : memref<!tpu.dma_semaphore, #tpu.memory_space<semaphore_mem>>)
        %dma_wait3A = arith.constant 0 : i32
        %dma_wait3A_51 = tpu.memref_slice %arg7[%add3A_42, %dma_wait3A] : memref<16x128xi32, #tpu.memory_space<vmem>> -> memref<1x128xi32, #tpu.memory_space<vmem>>
        %dma_wait3A_52 = tpu.memref_squeeze %dma_wait3A_51 : memref<1x128xi32, #tpu.memory_space<vmem>> -> memref<128xi32, #tpu.memory_space<vmem>>
        %dma_wait3A_53 = arith.constant 0 : i32
        %dma_wait3A_54 = arith.constant 0 : i32
        %dma_wait3A_55 = tpu.memref_slice %arg2[%dma_wait3A_53, %dma_wait3A_54] : memref<10240x128xf32, #tpu.memory_space<hbm>> -> memref<10240x128xf32, #tpu.memory_space<hbm>>
        tpu.wait_indirect_dma semaphore(%arg13 : memref<!tpu.dma_semaphore, #tpu.memory_space<semaphore_mem>>) src(%dma_wait3A_55 : memref<10240x128xf32, #tpu.memory_space<hbm>>) dst(%arg10 : memref<128x128xf32, #tpu.memory_space<vmem>>)
        %scan3A_56 = arith.constant 0 : i32
        %scan3A_57 = arith.constant 16 : i32
        %scan3A_58 = arith.addi %scan3A_56, %scan3A_57 : i32
        %scan3A_59 = arith.constant 1 : i32
        scf.for %scan3A_82 = %scan3A_56 to %scan3A_58 step %scan3A_59  : i32 {
          %mul3A_83 = arith.constant 8 : i32
          %mul3A_84 = arith.muli %scan3A_82, %mul3A_83 : i32
          %add3A_85 = arith.constant 0 : i32
          %add3A_86 = arith.addi %add3A_85, %mul3A_84 : i32
          %broadcast_in_dim3A = vector.broadcast %add3A_42 : i32 to vector<16xi32>
          %add3A_87 = arith.constant 0 : i32
          %add3A_88 = arith.addi %add3A_86, %add3A_87 : i32
          %broadcast_in_dim3A_89 = vector.broadcast %add3A_88 : i32 to vector<16xi32>
          %gather3A = tpu.vector_load_idx %arg9[%broadcast_in_dim3A, %broadcast_in_dim3A_89] : memref<16x128xf32, #tpu.memory_space<vmem>>[vector<16xi32>, vector<16xi32>], vector<16xf32>,
          %add3A_90 = arith.constant 1 : i32
          %add3A_91 = arith.addi %add3A_86, %add3A_90 : i32
          %broadcast_in_dim3A_92 = vector.broadcast %add3A_91 : i32 to vector<16xi32>
          %gather3A_93 = tpu.vector_load_idx %arg9[%broadcast_in_dim3A, %broadcast_in_dim3A_92] : memref<16x128xf32, #tpu.memory_space<vmem>>[vector<16xi32>, vector<16xi32>], vector<16xf32>,
          %add3A_94 = arith.constant 2 : i32
          %add3A_95 = arith.addi %add3A_86, %add3A_94 : i32
          %broadcast_in_dim3A_96 = vector.broadcast %add3A_95 : i32 to vector<16xi32>
          %gather3A_97 = tpu.vector_load_idx %arg9[%broadcast_in_dim3A, %broadcast_in_dim3A_96] : memref<16x128xf32, #tpu.memory_space<vmem>>[vector<16xi32>, vector<16xi32>], vector<16xf32>,
          %add3A_98 = arith.constant 3 : i32
          %add3A_99 = arith.addi %add3A_86, %add3A_98 : i32
          %broadcast_in_dim3A_100 = vector.broadcast %add3A_99 : i32 to vector<16xi32>
          %gather3A_101 = tpu.vector_load_idx %arg9[%broadcast_in_dim3A, %broadcast_in_dim3A_100] : memref<16x128xf32, #tpu.memory_space<vmem>>[vector<16xi32>, vector<16xi32>], vector<16xf32>,
          %add3A_102 = arith.constant 4 : i32
          %add3A_103 = arith.addi %add3A_86, %add3A_102 : i32
          %broadcast_in_dim3A_104 = vector.broadcast %add3A_103 : i32 to vector<16xi32>
          %gather3A_105 = tpu.vector_load_idx %arg9[%broadcast_in_dim3A, %broadcast_in_dim3A_104] : memref<16x128xf32, #tpu.memory_space<vmem>>[vector<16xi32>, vector<16xi32>], vector<16xf32>,
          %add3A_106 = arith.constant 5 : i32
          %add3A_107 = arith.addi %add3A_86, %add3A_106 : i32
          %broadcast_in_dim3A_108 = vector.broadcast %add3A_107 : i32 to vector<16xi32>
          %gather3A_109 = tpu.vector_load_idx %arg9[%broadcast_in_dim3A, %broadcast_in_dim3A_108] : memref<16x128xf32, #tpu.memory_space<vmem>>[vector<16xi32>, vector<16xi32>], vector<16xf32>,
          %add3A_110 = arith.constant 6 : i32
          %add3A_111 = arith.addi %add3A_86, %add3A_110 : i32
          %broadcast_in_dim3A_112 = vector.broadcast %add3A_111 : i32 to vector<16xi32>
          %gather3A_113 = tpu.vector_load_idx %arg9[%broadcast_in_dim3A, %broadcast_in_dim3A_112] : memref<16x128xf32, #tpu.memory_space<vmem>>[vector<16xi32>, vector<16xi32>], vector<16xf32>,
          %add3A_114 = arith.constant 7 : i32
          %add3A_115 = arith.addi %add3A_86, %add3A_114 : i32
          %broadcast_in_dim3A_116 = vector.broadcast %add3A_115 : i32 to vector<16xi32>
          %gather3A_117 = tpu.vector_load_idx %arg9[%broadcast_in_dim3A, %broadcast_in_dim3A_116] : memref<16x128xf32, #tpu.memory_space<vmem>>[vector<16xi32>, vector<16xi32>], vector<16xf32>,
          %add3A_118 = arith.constant 0 : i32
          %add3A_119 = arith.addi %add3A_86, %add3A_118 : i32
          %get3A = arith.index_cast %add3A_119 : i32 to index
          %get3A_120 = arith.constant 0 : index
          %get3A_121 = tpu.vector_load %arg10[%get3A, %get3A_120] {strides = array<i32>} : memref<128x128xf32, #tpu.memory_space<vmem>>, vector<16xf32>,
          %mul3A_122 = arith.mulf %get3A_121, %gather3A : vector<16xf32>
          %add3A_123 = arith.constant 0 : i32
          %add3A_124 = arith.addi %add3A_86, %add3A_123 : i32
          %swap3A = arith.index_cast %add3A_124 : i32 to index
          %swap3A_125 = arith.constant 0 : index
          %swap3A_126 = tpu.vector_load %arg10[%swap3A, %swap3A_125] {strides = array<i32>} : memref<128x128xf32, #tpu.memory_space<vmem>>, vector<16xf32>,
          tpu.vector_store %arg10[%swap3A, %swap3A_125], %mul3A_122 {strides = array<i32>} : memref<128x128xf32, #tpu.memory_space<vmem>>, vector<16xf32>,
          %add3A_127 = arith.constant 1 : i32
          %add3A_128 = arith.addi %add3A_86, %add3A_127 : i32
          %get3A_129 = arith.index_cast %add3A_128 : i32 to index
          %get3A_130 = arith.constant 0 : index
          %get3A_131 = tpu.vector_load %arg10[%get3A_129, %get3A_130] {strides = array<i32>} : memref<128x128xf32, #tpu.memory_space<vmem>>, vector<16xf32>,
          %mul3A_132 = arith.mulf %get3A_131, %gather3A_93 : vector<16xf32>
          %add3A_133 = arith.constant 1 : i32
          %add3A_134 = arith.addi %add3A_86, %add3A_133 : i32
          %swap3A_135 = arith.index_cast %add3A_134 : i32 to index
          %swap3A_136 = arith.constant 0 : index
          %swap3A_137 = tpu.vector_load %arg10[%swap3A_135, %swap3A_136] {strides = array<i32>} : memref<128x128xf32, #tpu.memory_space<vmem>>, vector<16xf32>,
          tpu.vector_store %arg10[%swap3A_135, %swap3A_136], %mul3A_132 {strides = array<i32>} : memref<128x128xf32, #tpu.memory_space<vmem>>, vector<16xf32>,
          %add3A_138 = arith.constant 2 : i32
          %add3A_139 = arith.addi %add3A_86, %add3A_138 : i32
          %get3A_140 = arith.index_cast %add3A_139 : i32 to index
          %get3A_141 = arith.constant 0 : index
          %get3A_142 = tpu.vector_load %arg10[%get3A_140, %get3A_141] {strides = array<i32>} : memref<128x128xf32, #tpu.memory_space<vmem>>, vector<16xf32>,
          %mul3A_143 = arith.mulf %get3A_142, %gather3A_97 : vector<16xf32>
          %add3A_144 = arith.constant 2 : i32
          %add3A_145 = arith.addi %add3A_86, %add3A_144 : i32
          %swap3A_146 = arith.index_cast %add3A_145 : i32 to index
          %swap3A_147 = arith.constant 0 : index
          %swap3A_148 = tpu.vector_load %arg10[%swap3A_146, %swap3A_147] {strides = array<i32>} : memref<128x128xf32, #tpu.memory_space<vmem>>, vector<16xf32>,
          tpu.vector_store %arg10[%swap3A_146, %swap3A_147], %mul3A_143 {strides = array<i32>} : memref<128x128xf32, #tpu.memory_space<vmem>>, vector<16xf32>,
          %add3A_149 = arith.constant 3 : i32
          %add3A_150 = arith.addi %add3A_86, %add3A_149 : i32
          %get3A_151 = arith.index_cast %add3A_150 : i32 to index
          %get3A_152 = arith.constant 0 : index
          %get3A_153 = tpu.vector_load %arg10[%get3A_151, %get3A_152] {strides = array<i32>} : memref<128x128xf32, #tpu.memory_space<vmem>>, vector<16xf32>,
          %mul3A_154 = arith.mulf %get3A_153, %gather3A_101 : vector<16xf32>
          %add3A_155 = arith.constant 3 : i32
          %add3A_156 = arith.addi %add3A_86, %add3A_155 : i32
          %swap3A_157 = arith.index_cast %add3A_156 : i32 to index
          %swap3A_158 = arith.constant 0 : index
          %swap3A_159 = tpu.vector_load %arg10[%swap3A_157, %swap3A_158] {strides = array<i32>} : memref<128x128xf32, #tpu.memory_space<vmem>>, vector<16xf32>,
          tpu.vector_store %arg10[%swap3A_157, %swap3A_158], %mul3A_154 {strides = array<i32>} : memref<128x128xf32, #tpu.memory_space<vmem>>, vector<16xf32>,
          %add3A_160 = arith.constant 4 : i32
          %add3A_161 = arith.addi %add3A_86, %add3A_160 : i32
          %get3A_162 = arith.index_cast %add3A_161 : i32 to index
          %get3A_163 = arith.constant 0 : index
          %get3A_164 = tpu.vector_load %arg10[%get3A_162, %get3A_163] {strides = array<i32>} : memref<128x128xf32, #tpu.memory_space<vmem>>, vector<16xf32>,
          %mul3A_165 = arith.mulf %get3A_164, %gather3A_105 : vector<16xf32>
          %add3A_166 = arith.constant 4 : i32
          %add3A_167 = arith.addi %add3A_86, %add3A_166 : i32
          %swap3A_168 = arith.index_cast %add3A_167 : i32 to index
          %swap3A_169 = arith.constant 0 : index
          %swap3A_170 = tpu.vector_load %arg10[%swap3A_168, %swap3A_169] {strides = array<i32>} : memref<128x128xf32, #tpu.memory_space<vmem>>, vector<16xf32>,
          tpu.vector_store %arg10[%swap3A_168, %swap3A_169], %mul3A_165 {strides = array<i32>} : memref<128x128xf32, #tpu.memory_space<vmem>>, vector<16xf32>,
          %add3A_171 = arith.constant 5 : i32
          %add3A_172 = arith.addi %add3A_86, %add3A_171 : i32
          %get3A_173 = arith.index_cast %add3A_172 : i32 to index
          %get3A_174 = arith.constant 0 : index
          %get3A_175 = tpu.vector_load %arg10[%get3A_173, %get3A_174] {strides = array<i32>} : memref<128x128xf32, #tpu.memory_space<vmem>>, vector<16xf32>,
          %mul3A_176 = arith.mulf %get3A_175, %gather3A_109 : vector<16xf32>
          %add3A_177 = arith.constant 5 : i32
          %add3A_178 = arith.addi %add3A_86, %add3A_177 : i32
          %swap3A_179 = arith.index_cast %add3A_178 : i32 to index
          %swap3A_180 = arith.constant 0 : index
          %swap3A_181 = tpu.vector_load %arg10[%swap3A_179, %swap3A_180] {strides = array<i32>} : memref<128x128xf32, #tpu.memory_space<vmem>>, vector<16xf32>,
          tpu.vector_store %arg10[%swap3A_179, %swap3A_180], %mul3A_176 {strides = array<i32>} : memref<128x128xf32, #tpu.memory_space<vmem>>, vector<16xf32>,
          %add3A_182 = arith.constant 6 : i32
          %add3A_183 = arith.addi %add3A_86, %add3A_182 : i32
          %get3A_184 = arith.index_cast %add3A_183 : i32 to index
          %get3A_185 = arith.constant 0 : index
          %get3A_186 = tpu.vector_load %arg10[%get3A_184, %get3A_185] {strides = array<i32>} : memref<128x128xf32, #tpu.memory_space<vmem>>, vector<16xf32>,
          %mul3A_187 = arith.mulf %get3A_186, %gather3A_113 : vector<16xf32>
          %add3A_188 = arith.constant 6 : i32
          %add3A_189 = arith.addi %add3A_86, %add3A_188 : i32
          %swap3A_190 = arith.index_cast %add3A_189 : i32 to index
          %swap3A_191 = arith.constant 0 : index
          %swap3A_192 = tpu.vector_load %arg10[%swap3A_190, %swap3A_191] {strides = array<i32>} : memref<128x128xf32, #tpu.memory_space<vmem>>, vector<16xf32>,
          tpu.vector_store %arg10[%swap3A_190, %swap3A_191], %mul3A_187 {strides = array<i32>} : memref<128x128xf32, #tpu.memory_space<vmem>>, vector<16xf32>,
          %add3A_193 = arith.constant 7 : i32
          %add3A_194 = arith.addi %add3A_86, %add3A_193 : i32
          %get3A_195 = arith.index_cast %add3A_194 : i32 to index
          %get3A_196 = arith.constant 0 : index
          %get3A_197 = tpu.vector_load %arg10[%get3A_195, %get3A_196] {strides = array<i32>} : memref<128x128xf32, #tpu.memory_space<vmem>>, vector<16xf32>,
          %mul3A_198 = arith.mulf %get3A_197, %gather3A_117 : vector<16xf32>
          %add3A_199 = arith.constant 7 : i32
          %add3A_200 = arith.addi %add3A_86, %add3A_199 : i32
          %swap3A_201 = arith.index_cast %add3A_200 : i32 to index
          %swap3A_202 = arith.constant 0 : index
          %swap3A_203 = tpu.vector_load %arg10[%swap3A_201, %swap3A_202] {strides = array<i32>} : memref<128x128xf32, #tpu.memory_space<vmem>>, vector<16xf32>,
          tpu.vector_store %arg10[%swap3A_201, %swap3A_202], %mul3A_198 {strides = array<i32>} : memref<128x128xf32, #tpu.memory_space<vmem>>, vector<16xf32>,
          %add3A_204 = arith.constant 0 : i32
          %add3A_205 = arith.addi %add3A_86, %add3A_204 : i32
          %get3A_206 = arith.index_cast %add3A_205 : i32 to index
          %get3A_207 = arith.constant 16 : index
          %get3A_208 = tpu.vector_load %arg10[%get3A_206, %get3A_207] {strides = array<i32>} : memref<128x128xf32, #tpu.memory_space<vmem>>, vector<16xf32>,
          %mul3A_209 = arith.mulf %get3A_208, %gather3A : vector<16xf32>
          %add3A_210 = arith.constant 0 : i32
          %add3A_211 = arith.addi %add3A_86, %add3A_210 : i32
          %swap3A_212 = arith.index_cast %add3A_211 : i32 to index
          %swap3A_213 = arith.constant 16 : index
          %swap3A_214 = tpu.vector_load %arg10[%swap3A_212, %swap3A_213] {strides = array<i32>} : memref<128x128xf32, #tpu.memory_space<vmem>>, vector<16xf32>,
          tpu.vector_store %arg10[%swap3A_212, %swap3A_213], %mul3A_209 {strides = array<i32>} : memref<128x128xf32, #tpu.memory_space<vmem>>, vector<16xf32>,
          %add3A_215 = arith.constant 1 : i32
          %add3A_216 = arith.addi %add3A_86, %add3A_215 : i32
          %get3A_217 = arith.index_cast %add3A_216 : i32 to index
          %get3A_218 = arith.constant 16 : index
          %get3A_219 = tpu.vector_load %arg10[%get3A_217, %get3A_218] {strides = array<i32>} : memref<128x128xf32, #tpu.memory_space<vmem>>, vector<16xf32>,
          %mul3A_220 = arith.mulf %get3A_219, %gather3A_93 : vector<16xf32>
          %add3A_221 = arith.constant 1 : i32
          %add3A_222 = arith.addi %add3A_86, %add3A_221 : i32
          %swap3A_223 = arith.index_cast %add3A_222 : i32 to index
          %swap3A_224 = arith.constant 16 : index
          %swap3A_225 = tpu.vector_load %arg10[%swap3A_223, %swap3A_224] {strides = array<i32>} : memref<128x128xf32, #tpu.memory_space<vmem>>, vector<16xf32>,
          tpu.vector_store %arg10[%swap3A_223, %swap3A_224], %mul3A_220 {strides = array<i32>} : memref<128x128xf32, #tpu.memory_space<vmem>>, vector<16xf32>,
          %add3A_226 = arith.constant 2 : i32
          %add3A_227 = arith.addi %add3A_86, %add3A_226 : i32
          %get3A_228 = arith.index_cast %add3A_227 : i32 to index
          %get3A_229 = arith.constant 16 : index
          %get3A_230 = tpu.vector_load %arg10[%get3A_228, %get3A_229] {strides = array<i32>} : memref<128x128xf32, #tpu.memory_space<vmem>>, vector<16xf32>,
          %mul3A_231 = arith.mulf %get3A_230, %gather3A_97 : vector<16xf32>
          %add3A_232 = arith.constant 2 : i32
          %add3A_233 = arith.addi %add3A_86, %add3A_232 : i32
          %swap3A_234 = arith.index_cast %add3A_233 : i32 to index
          %swap3A_235 = arith.constant 16 : index
          %swap3A_236 = tpu.vector_load %arg10[%swap3A_234, %swap3A_235] {strides = array<i32>} : memref<128x128xf32, #tpu.memory_space<vmem>>, vector<16xf32>,
          tpu.vector_store %arg10[%swap3A_234, %swap3A_235], %mul3A_231 {strides = array<i32>} : memref<128x128xf32, #tpu.memory_space<vmem>>, vector<16xf32>,
          %add3A_237 = arith.constant 3 : i32
          %add3A_238 = arith.addi %add3A_86, %add3A_237 : i32
          %get3A_239 = arith.index_cast %add3A_238 : i32 to index
          %get3A_240 = arith.constant 16 : index
          %get3A_241 = tpu.vector_load %arg10[%get3A_239, %get3A_240] {strides = array<i32>} : memref<128x128xf32, #tpu.memory_space<vmem>>, vector<16xf32>,
          %mul3A_242 = arith.mulf %get3A_241, %gather3A_101 : vector<16xf32>
          %add3A_243 = arith.constant 3 : i32
          %add3A_244 = arith.addi %add3A_86, %add3A_243 : i32
          %swap3A_245 = arith.index_cast %add3A_244 : i32 to index
          %swap3A_246 = arith.constant 16 : index
          %swap3A_247 = tpu.vector_load %arg10[%swap3A_245, %swap3A_246] {strides = array<i32>} : memref<128x128xf32, #tpu.memory_space<vmem>>, vector<16xf32>,
          tpu.vector_store %arg10[%swap3A_245, %swap3A_246], %mul3A_242 {strides = array<i32>} : memref<128x128xf32, #tpu.memory_space<vmem>>, vector<16xf32>,
          %add3A_248 = arith.constant 4 : i32
          %add3A_249 = arith.addi %add3A_86, %add3A_248 : i32
          %get3A_250 = arith.index_cast %add3A_249 : i32 to index
          %get3A_251 = arith.constant 16 : index
          %get3A_252 = tpu.vector_load %arg10[%get3A_250, %get3A_251] {strides = array<i32>} : memref<128x128xf32, #tpu.memory_space<vmem>>, vector<16xf32>,
          %mul3A_253 = arith.mulf %get3A_252, %gather3A_105 : vector<16xf32>
          %add3A_254 = arith.constant 4 : i32
          %add3A_255 = arith.addi %add3A_86, %add3A_254 : i32
          %swap3A_256 = arith.index_cast %add3A_255 : i32 to index
          %swap3A_257 = arith.constant 16 : index
          %swap3A_258 = tpu.vector_load %arg10[%swap3A_256, %swap3A_257] {strides = array<i32>} : memref<128x128xf32, #tpu.memory_space<vmem>>, vector<16xf32>,
          tpu.vector_store %arg10[%swap3A_256, %swap3A_257], %mul3A_253 {strides = array<i32>} : memref<128x128xf32, #tpu.memory_space<vmem>>, vector<16xf32>,
          %add3A_259 = arith.constant 5 : i32
          %add3A_260 = arith.addi %add3A_86, %add3A_259 : i32
          %get3A_261 = arith.index_cast %add3A_260 : i32 to index
          %get3A_262 = arith.constant 16 : index
          %get3A_263 = tpu.vector_load %arg10[%get3A_261, %get3A_262] {strides = array<i32>} : memref<128x128xf32, #tpu.memory_space<vmem>>, vector<16xf32>,
          %mul3A_264 = arith.mulf %get3A_263, %gather3A_109 : vector<16xf32>
          %add3A_265 = arith.constant 5 : i32
          %add3A_266 = arith.addi %add3A_86, %add3A_265 : i32
          %swap3A_267 = arith.index_cast %add3A_266 : i32 to index
          %swap3A_268 = arith.constant 16 : index
          %swap3A_269 = tpu.vector_load %arg10[%swap3A_267, %swap3A_268] {strides = array<i32>} : memref<128x128xf32, #tpu.memory_space<vmem>>, vector<16xf32>,
          tpu.vector_store %arg10[%swap3A_267, %swap3A_268], %mul3A_264 {strides = array<i32>} : memref<128x128xf32, #tpu.memory_space<vmem>>, vector<16xf32>,
          %add3A_270 = arith.constant 6 : i32
          %add3A_271 = arith.addi %add3A_86, %add3A_270 : i32
          %get3A_272 = arith.index_cast %add3A_271 : i32 to index
          %get3A_273 = arith.constant 16 : index
          %get3A_274 = tpu.vector_load %arg10[%get3A_272, %get3A_273] {strides = array<i32>} : memref<128x128xf32, #tpu.memory_space<vmem>>, vector<16xf32>,
          %mul3A_275 = arith.mulf %get3A_274, %gather3A_113 : vector<16xf32>
          %add3A_276 = arith.constant 6 : i32
          %add3A_277 = arith.addi %add3A_86, %add3A_276 : i32
          %swap3A_278 = arith.index_cast %add3A_277 : i32 to index
          %swap3A_279 = arith.constant 16 : index
          %swap3A_280 = tpu.vector_load %arg10[%swap3A_278, %swap3A_279] {strides = array<i32>} : memref<128x128xf32, #tpu.memory_space<vmem>>, vector<16xf32>,
          tpu.vector_store %arg10[%swap3A_278, %swap3A_279], %mul3A_275 {strides = array<i32>} : memref<128x128xf32, #tpu.memory_space<vmem>>, vector<16xf32>,
          %add3A_281 = arith.constant 7 : i32
          %add3A_282 = arith.addi %add3A_86, %add3A_281 : i32
          %get3A_283 = arith.index_cast %add3A_282 : i32 to index
          %get3A_284 = arith.constant 16 : index
          %get3A_285 = tpu.vector_load %arg10[%get3A_283, %get3A_284] {strides = array<i32>} : memref<128x128xf32, #tpu.memory_space<vmem>>, vector<16xf32>,
          %mul3A_286 = arith.mulf %get3A_285, %gather3A_117 : vector<16xf32>
          %add3A_287 = arith.constant 7 : i32
          %add3A_288 = arith.addi %add3A_86, %add3A_287 : i32
          %swap3A_289 = arith.index_cast %add3A_288 : i32 to index
          %swap3A_290 = arith.constant 16 : index
          %swap3A_291 = tpu.vector_load %arg10[%swap3A_289, %swap3A_290] {strides = array<i32>} : memref<128x128xf32, #tpu.memory_space<vmem>>, vector<16xf32>,
          tpu.vector_store %arg10[%swap3A_289, %swap3A_290], %mul3A_286 {strides = array<i32>} : memref<128x128xf32, #tpu.memory_space<vmem>>, vector<16xf32>,
          %add3A_292 = arith.constant 0 : i32
          %add3A_293 = arith.addi %add3A_86, %add3A_292 : i32
          %get3A_294 = arith.index_cast %add3A_293 : i32 to index
          %get3A_295 = arith.constant 32 : index
          %get3A_296 = tpu.vector_load %arg10[%get3A_294, %get3A_295] {strides = array<i32>} : memref<128x128xf32, #tpu.memory_space<vmem>>, vector<16xf32>,
          %mul3A_297 = arith.mulf %get3A_296, %gather3A : vector<16xf32>
          %add3A_298 = arith.constant 0 : i32
          %add3A_299 = arith.addi %add3A_86, %add3A_298 : i32
          %swap3A_300 = arith.index_cast %add3A_299 : i32 to index
          %swap3A_301 = arith.constant 32 : index
          %swap3A_302 = tpu.vector_load %arg10[%swap3A_300, %swap3A_301] {strides = array<i32>} : memref<128x128xf32, #tpu.memory_space<vmem>>, vector<16xf32>,
          tpu.vector_store %arg10[%swap3A_300, %swap3A_301], %mul3A_297 {strides = array<i32>} : memref<128x128xf32, #tpu.memory_space<vmem>>, vector<16xf32>,
          %add3A_303 = arith.constant 1 : i32
          %add3A_304 = arith.addi %add3A_86, %add3A_303 : i32
          %get3A_305 = arith.index_cast %add3A_304 : i32 to index
          %get3A_306 = arith.constant 32 : index
          %get3A_307 = tpu.vector_load %arg10[%get3A_305, %get3A_306] {strides = array<i32>} : memref<128x128xf32, #tpu.memory_space<vmem>>, vector<16xf32>,
          %mul3A_308 = arith.mulf %get3A_307, %gather3A_93 : vector<16xf32>
          %add3A_309 = arith.constant 1 : i32
          %add3A_310 = arith.addi %add3A_86, %add3A_309 : i32
          %swap3A_311 = arith.index_cast %add3A_310 : i32 to index
          %swap3A_312 = arith.constant 32 : index
          %swap3A_313 = tpu.vector_load %arg10[%swap3A_311, %swap3A_312] {strides = array<i32>} : memref<128x128xf32, #tpu.memory_space<vmem>>, vector<16xf32>,
          tpu.vector_store %arg10[%swap3A_311, %swap3A_312], %mul3A_308 {strides = array<i32>} : memref<128x128xf32, #tpu.memory_space<vmem>>, vector<16xf32>,
          %add3A_314 = arith.constant 2 : i32
          %add3A_315 = arith.addi %add3A_86, %add3A_314 : i32
          %get3A_316 = arith.index_cast %add3A_315 : i32 to index
          %get3A_317 = arith.constant 32 : index
          %get3A_318 = tpu.vector_load %arg10[%get3A_316, %get3A_317] {strides = array<i32>} : memref<128x128xf32, #tpu.memory_space<vmem>>, vector<16xf32>,
          %mul3A_319 = arith.mulf %get3A_318, %gather3A_97 : vector<16xf32>
          %add3A_320 = arith.constant 2 : i32
          %add3A_321 = arith.addi %add3A_86, %add3A_320 : i32
          %swap3A_322 = arith.index_cast %add3A_321 : i32 to index
          %swap3A_323 = arith.constant 32 : index
          %swap3A_324 = tpu.vector_load %arg10[%swap3A_322, %swap3A_323] {strides = array<i32>} : memref<128x128xf32, #tpu.memory_space<vmem>>, vector<16xf32>,
          tpu.vector_store %arg10[%swap3A_322, %swap3A_323], %mul3A_319 {strides = array<i32>} : memref<128x128xf32, #tpu.memory_space<vmem>>, vector<16xf32>,
          %add3A_325 = arith.constant 3 : i32
          %add3A_326 = arith.addi %add3A_86, %add3A_325 : i32
          %get3A_327 = arith.index_cast %add3A_326 : i32 to index
          %get3A_328 = arith.constant 32 : index
          %get3A_329 = tpu.vector_load %arg10[%get3A_327, %get3A_328] {strides = array<i32>} : memref<128x128xf32, #tpu.memory_space<vmem>>, vector<16xf32>,
          %mul3A_330 = arith.mulf %get3A_329, %gather3A_101 : vector<16xf32>
          %add3A_331 = arith.constant 3 : i32
          %add3A_332 = arith.addi %add3A_86, %add3A_331 : i32
          %swap3A_333 = arith.index_cast %add3A_332 : i32 to index
          %swap3A_334 = arith.constant 32 : index
          %swap3A_335 = tpu.vector_load %arg10[%swap3A_333, %swap3A_334] {strides = array<i32>} : memref<128x128xf32, #tpu.memory_space<vmem>>, vector<16xf32>,
          tpu.vector_store %arg10[%swap3A_333, %swap3A_334], %mul3A_330 {strides = array<i32>} : memref<128x128xf32, #tpu.memory_space<vmem>>, vector<16xf32>,
          %add3A_336 = arith.constant 4 : i32
          %add3A_337 = arith.addi %add3A_86, %add3A_336 : i32
          %get3A_338 = arith.index_cast %add3A_337 : i32 to index
          %get3A_339 = arith.constant 32 : index
          %get3A_340 = tpu.vector_load %arg10[%get3A_338, %get3A_339] {strides = array<i32>} : memref<128x128xf32, #tpu.memory_space<vmem>>, vector<16xf32>,
          %mul3A_341 = arith.mulf %get3A_340, %gather3A_105 : vector<16xf32>
          %add3A_342 = arith.constant 4 : i32
          %add3A_343 = arith.addi %add3A_86, %add3A_342 : i32
          %swap3A_344 = arith.index_cast %add3A_343 : i32 to index
          %swap3A_345 = arith.constant 32 : index
          %swap3A_346 = tpu.vector_load %arg10[%swap3A_344, %swap3A_345] {strides = array<i32>} : memref<128x128xf32, #tpu.memory_space<vmem>>, vector<16xf32>,
          tpu.vector_store %arg10[%swap3A_344, %swap3A_345], %mul3A_341 {strides = array<i32>} : memref<128x128xf32, #tpu.memory_space<vmem>>, vector<16xf32>,
          %add3A_347 = arith.constant 5 : i32
          %add3A_348 = arith.addi %add3A_86, %add3A_347 : i32
          %get3A_349 = arith.index_cast %add3A_348 : i32 to index
          %get3A_350 = arith.constant 32 : index
          %get3A_351 = tpu.vector_load %arg10[%get3A_349, %get3A_350] {strides = array<i32>} : memref<128x128xf32, #tpu.memory_space<vmem>>, vector<16xf32>,
          %mul3A_352 = arith.mulf %get3A_351, %gather3A_109 : vector<16xf32>
          %add3A_353 = arith.constant 5 : i32
          %add3A_354 = arith.addi %add3A_86, %add3A_353 : i32
          %swap3A_355 = arith.index_cast %add3A_354 : i32 to index
          %swap3A_356 = arith.constant 32 : index
          %swap3A_357 = tpu.vector_load %arg10[%swap3A_355, %swap3A_356] {strides = array<i32>} : memref<128x128xf32, #tpu.memory_space<vmem>>, vector<16xf32>,
          tpu.vector_store %arg10[%swap3A_355, %swap3A_356], %mul3A_352 {strides = array<i32>} : memref<128x128xf32, #tpu.memory_space<vmem>>, vector<16xf32>,
          %add3A_358 = arith.constant 6 : i32
          %add3A_359 = arith.addi %add3A_86, %add3A_358 : i32
          %get3A_360 = arith.index_cast %add3A_359 : i32 to index
          %get3A_361 = arith.constant 32 : index
          %get3A_362 = tpu.vector_load %arg10[%get3A_360, %get3A_361] {strides = array<i32>} : memref<128x128xf32, #tpu.memory_space<vmem>>, vector<16xf32>,
          %mul3A_363 = arith.mulf %get3A_362, %gather3A_113 : vector<16xf32>
          %add3A_364 = arith.constant 6 : i32
          %add3A_365 = arith.addi %add3A_86, %add3A_364 : i32
          %swap3A_366 = arith.index_cast %add3A_365 : i32 to index
          %swap3A_367 = arith.constant 32 : index
          %swap3A_368 = tpu.vector_load %arg10[%swap3A_366, %swap3A_367] {strides = array<i32>} : memref<128x128xf32, #tpu.memory_space<vmem>>, vector<16xf32>,
          tpu.vector_store %arg10[%swap3A_366, %swap3A_367], %mul3A_363 {strides = array<i32>} : memref<128x128xf32, #tpu.memory_space<vmem>>, vector<16xf32>,
          %add3A_369 = arith.constant 7 : i32
          %add3A_370 = arith.addi %add3A_86, %add3A_369 : i32
          %get3A_371 = arith.index_cast %add3A_370 : i32 to index
          %get3A_372 = arith.constant 32 : index
          %get3A_373 = tpu.vector_load %arg10[%get3A_371, %get3A_372] {strides = array<i32>} : memref<128x128xf32, #tpu.memory_space<vmem>>, vector<16xf32>,
          %mul3A_374 = arith.mulf %get3A_373, %gather3A_117 : vector<16xf32>
          %add3A_375 = arith.constant 7 : i32
          %add3A_376 = arith.addi %add3A_86, %add3A_375 : i32
          %swap3A_377 = arith.index_cast %add3A_376 : i32 to index
          %swap3A_378 = arith.constant 32 : index
          %swap3A_379 = tpu.vector_load %arg10[%swap3A_377, %swap3A_378] {strides = array<i32>} : memref<128x128xf32, #tpu.memory_space<vmem>>, vector<16xf32>,
          tpu.vector_store %arg10[%swap3A_377, %swap3A_378], %mul3A_374 {strides = array<i32>} : memref<128x128xf32, #tpu.memory_space<vmem>>, vector<16xf32>,
          %add3A_380 = arith.constant 0 : i32
          %add3A_381 = arith.addi %add3A_86, %add3A_380 : i32
          %get3A_382 = arith.index_cast %add3A_381 : i32 to index
          %get3A_383 = arith.constant 48 : index
          %get3A_384 = tpu.vector_load %arg10[%get3A_382, %get3A_383] {strides = array<i32>} : memref<128x128xf32, #tpu.memory_space<vmem>>, vector<16xf32>,
          %mul3A_385 = arith.mulf %get3A_384, %gather3A : vector<16xf32>
          %add3A_386 = arith.constant 0 : i32
          %add3A_387 = arith.addi %add3A_86, %add3A_386 : i32
          %swap3A_388 = arith.index_cast %add3A_387 : i32 to index
          %swap3A_389 = arith.constant 48 : index
          %swap3A_390 = tpu.vector_load %arg10[%swap3A_388, %swap3A_389] {strides = array<i32>} : memref<128x128xf32, #tpu.memory_space<vmem>>, vector<16xf32>,
          tpu.vector_store %arg10[%swap3A_388, %swap3A_389], %mul3A_385 {strides = array<i32>} : memref<128x128xf32, #tpu.memory_space<vmem>>, vector<16xf32>,
          %add3A_391 = arith.constant 1 : i32
          %add3A_392 = arith.addi %add3A_86, %add3A_391 : i32
          %get3A_393 = arith.index_cast %add3A_392 : i32 to index
          %get3A_394 = arith.constant 48 : index
          %get3A_395 = tpu.vector_load %arg10[%get3A_393, %get3A_394] {strides = array<i32>} : memref<128x128xf32, #tpu.memory_space<vmem>>, vector<16xf32>,
          %mul3A_396 = arith.mulf %get3A_395, %gather3A_93 : vector<16xf32>
          %add3A_397 = arith.constant 1 : i32
          %add3A_398 = arith.addi %add3A_86, %add3A_397 : i32
          %swap3A_399 = arith.index_cast %add3A_398 : i32 to index
          %swap3A_400 = arith.constant 48 : index
          %swap3A_401 = tpu.vector_load %arg10[%swap3A_399, %swap3A_400] {strides = array<i32>} : memref<128x128xf32, #tpu.memory_space<vmem>>, vector<16xf32>,
          tpu.vector_store %arg10[%swap3A_399, %swap3A_400], %mul3A_396 {strides = array<i32>} : memref<128x128xf32, #tpu.memory_space<vmem>>, vector<16xf32>,
          %add3A_402 = arith.constant 2 : i32
          %add3A_403 = arith.addi %add3A_86, %add3A_402 : i32
          %get3A_404 = arith.index_cast %add3A_403 : i32 to index
          %get3A_405 = arith.constant 48 : index
          %get3A_406 = tpu.vector_load %arg10[%get3A_404, %get3A_405] {strides = array<i32>} : memref<128x128xf32, #tpu.memory_space<vmem>>, vector<16xf32>,
          %mul3A_407 = arith.mulf %get3A_406, %gather3A_97 : vector<16xf32>
          %add3A_408 = arith.constant 2 : i32
          %add3A_409 = arith.addi %add3A_86, %add3A_408 : i32
          %swap3A_410 = arith.index_cast %add3A_409 : i32 to index
          %swap3A_411 = arith.constant 48 : index
          %swap3A_412 = tpu.vector_load %arg10[%swap3A_410, %swap3A_411] {strides = array<i32>} : memref<128x128xf32, #tpu.memory_space<vmem>>, vector<16xf32>,
          tpu.vector_store %arg10[%swap3A_410, %swap3A_411], %mul3A_407 {strides = array<i32>} : memref<128x128xf32, #tpu.memory_space<vmem>>, vector<16xf32>,
          %add3A_413 = arith.constant 3 : i32
          %add3A_414 = arith.addi %add3A_86, %add3A_413 : i32
          %get3A_415 = arith.index_cast %add3A_414 : i32 to index
          %get3A_416 = arith.constant 48 : index
          %get3A_417 = tpu.vector_load %arg10[%get3A_415, %get3A_416] {strides = array<i32>} : memref<128x128xf32, #tpu.memory_space<vmem>>, vector<16xf32>,
          %mul3A_418 = arith.mulf %get3A_417, %gather3A_101 : vector<16xf32>
          %add3A_419 = arith.constant 3 : i32
          %add3A_420 = arith.addi %add3A_86, %add3A_419 : i32
          %swap3A_421 = arith.index_cast %add3A_420 : i32 to index
          %swap3A_422 = arith.constant 48 : index
          %swap3A_423 = tpu.vector_load %arg10[%swap3A_421, %swap3A_422] {strides = array<i32>} : memref<128x128xf32, #tpu.memory_space<vmem>>, vector<16xf32>,
          tpu.vector_store %arg10[%swap3A_421, %swap3A_422], %mul3A_418 {strides = array<i32>} : memref<128x128xf32, #tpu.memory_space<vmem>>, vector<16xf32>,
          %add3A_424 = arith.constant 4 : i32
          %add3A_425 = arith.addi %add3A_86, %add3A_424 : i32
          %get3A_426 = arith.index_cast %add3A_425 : i32 to index
          %get3A_427 = arith.constant 48 : index
          %get3A_428 = tpu.vector_load %arg10[%get3A_426, %get3A_427] {strides = array<i32>} : memref<128x128xf32, #tpu.memory_space<vmem>>, vector<16xf32>,
          %mul3A_429 = arith.mulf %get3A_428, %gather3A_105 : vector<16xf32>
          %add3A_430 = arith.constant 4 : i32
          %add3A_431 = arith.addi %add3A_86, %add3A_430 : i32
          %swap3A_432 = arith.index_cast %add3A_431 : i32 to index
          %swap3A_433 = arith.constant 48 : index
          %swap3A_434 = tpu.vector_load %arg10[%swap3A_432, %swap3A_433] {strides = array<i32>} : memref<128x128xf32, #tpu.memory_space<vmem>>, vector<16xf32>,
          tpu.vector_store %arg10[%swap3A_432, %swap3A_433], %mul3A_429 {strides = array<i32>} : memref<128x128xf32, #tpu.memory_space<vmem>>, vector<16xf32>,
          %add3A_435 = arith.constant 5 : i32
          %add3A_436 = arith.addi %add3A_86, %add3A_435 : i32
          %get3A_437 = arith.index_cast %add3A_436 : i32 to index
          %get3A_438 = arith.constant 48 : index
          %get3A_439 = tpu.vector_load %arg10[%get3A_437, %get3A_438] {strides = array<i32>} : memref<128x128xf32, #tpu.memory_space<vmem>>, vector<16xf32>,
          %mul3A_440 = arith.mulf %get3A_439, %gather3A_109 : vector<16xf32>
          %add3A_441 = arith.constant 5 : i32
          %add3A_442 = arith.addi %add3A_86, %add3A_441 : i32
          %swap3A_443 = arith.index_cast %add3A_442 : i32 to index
          %swap3A_444 = arith.constant 48 : index
          %swap3A_445 = tpu.vector_load %arg10[%swap3A_443, %swap3A_444] {strides = array<i32>} : memref<128x128xf32, #tpu.memory_space<vmem>>, vector<16xf32>,
          tpu.vector_store %arg10[%swap3A_443, %swap3A_444], %mul3A_440 {strides = array<i32>} : memref<128x128xf32, #tpu.memory_space<vmem>>, vector<16xf32>,
          %add3A_446 = arith.constant 6 : i32
          %add3A_447 = arith.addi %add3A_86, %add3A_446 : i32
          %get3A_448 = arith.index_cast %add3A_447 : i32 to index
          %get3A_449 = arith.constant 48 : index
          %get3A_450 = tpu.vector_load %arg10[%get3A_448, %get3A_449] {strides = array<i32>} : memref<128x128xf32, #tpu.memory_space<vmem>>, vector<16xf32>,
          %mul3A_451 = arith.mulf %get3A_450, %gather3A_113 : vector<16xf32>
          %add3A_452 = arith.constant 6 : i32
          %add3A_453 = arith.addi %add3A_86, %add3A_452 : i32
          %swap3A_454 = arith.index_cast %add3A_453 : i32 to index
          %swap3A_455 = arith.constant 48 : index
          %swap3A_456 = tpu.vector_load %arg10[%swap3A_454, %swap3A_455] {strides = array<i32>} : memref<128x128xf32, #tpu.memory_space<vmem>>, vector<16xf32>,
          tpu.vector_store %arg10[%swap3A_454, %swap3A_455], %mul3A_451 {strides = array<i32>} : memref<128x128xf32, #tpu.memory_space<vmem>>, vector<16xf32>,
          %add3A_457 = arith.constant 7 : i32
          %add3A_458 = arith.addi %add3A_86, %add3A_457 : i32
          %get3A_459 = arith.index_cast %add3A_458 : i32 to index
          %get3A_460 = arith.constant 48 : index
          %get3A_461 = tpu.vector_load %arg10[%get3A_459, %get3A_460] {strides = array<i32>} : memref<128x128xf32, #tpu.memory_space<vmem>>, vector<16xf32>,
          %mul3A_462 = arith.mulf %get3A_461, %gather3A_117 : vector<16xf32>
          %add3A_463 = arith.constant 7 : i32
          %add3A_464 = arith.addi %add3A_86, %add3A_463 : i32
          %swap3A_465 = arith.index_cast %add3A_464 : i32 to index
          %swap3A_466 = arith.constant 48 : index
          %swap3A_467 = tpu.vector_load %arg10[%swap3A_465, %swap3A_466] {strides = array<i32>} : memref<128x128xf32, #tpu.memory_space<vmem>>, vector<16xf32>,
          tpu.vector_store %arg10[%swap3A_465, %swap3A_466], %mul3A_462 {strides = array<i32>} : memref<128x128xf32, #tpu.memory_space<vmem>>, vector<16xf32>,
          %add3A_468 = arith.constant 0 : i32
          %add3A_469 = arith.addi %add3A_86, %add3A_468 : i32
          %get3A_470 = arith.index_cast %add3A_469 : i32 to index
          %get3A_471 = arith.constant 64 : index
          %get3A_472 = tpu.vector_load %arg10[%get3A_470, %get3A_471] {strides = array<i32>} : memref<128x128xf32, #tpu.memory_space<vmem>>, vector<16xf32>,
          %mul3A_473 = arith.mulf %get3A_472, %gather3A : vector<16xf32>
          %add3A_474 = arith.constant 0 : i32
          %add3A_475 = arith.addi %add3A_86, %add3A_474 : i32
          %swap3A_476 = arith.index_cast %add3A_475 : i32 to index
          %swap3A_477 = arith.constant 64 : index
          %swap3A_478 = tpu.vector_load %arg10[%swap3A_476, %swap3A_477] {strides = array<i32>} : memref<128x128xf32, #tpu.memory_space<vmem>>, vector<16xf32>,
          tpu.vector_store %arg10[%swap3A_476, %swap3A_477], %mul3A_473 {strides = array<i32>} : memref<128x128xf32, #tpu.memory_space<vmem>>, vector<16xf32>,
          %add3A_479 = arith.constant 1 : i32
          %add3A_480 = arith.addi %add3A_86, %add3A_479 : i32
          %get3A_481 = arith.index_cast %add3A_480 : i32 to index
          %get3A_482 = arith.constant 64 : index
          %get3A_483 = tpu.vector_load %arg10[%get3A_481, %get3A_482] {strides = array<i32>} : memref<128x128xf32, #tpu.memory_space<vmem>>, vector<16xf32>,
          %mul3A_484 = arith.mulf %get3A_483, %gather3A_93 : vector<16xf32>
          %add3A_485 = arith.constant 1 : i32
          %add3A_486 = arith.addi %add3A_86, %add3A_485 : i32
          %swap3A_487 = arith.index_cast %add3A_486 : i32 to index
          %swap3A_488 = arith.constant 64 : index
          %swap3A_489 = tpu.vector_load %arg10[%swap3A_487, %swap3A_488] {strides = array<i32>} : memref<128x128xf32, #tpu.memory_space<vmem>>, vector<16xf32>,
          tpu.vector_store %arg10[%swap3A_487, %swap3A_488], %mul3A_484 {strides = array<i32>} : memref<128x128xf32, #tpu.memory_space<vmem>>, vector<16xf32>,
          %add3A_490 = arith.constant 2 : i32
          %add3A_491 = arith.addi %add3A_86, %add3A_490 : i32
          %get3A_492 = arith.index_cast %add3A_491 : i32 to index
          %get3A_493 = arith.constant 64 : index
          %get3A_494 = tpu.vector_load %arg10[%get3A_492, %get3A_493] {strides = array<i32>} : memref<128x128xf32, #tpu.memory_space<vmem>>, vector<16xf32>,
          %mul3A_495 = arith.mulf %get3A_494, %gather3A_97 : vector<16xf32>
          %add3A_496 = arith.constant 2 : i32
          %add3A_497 = arith.addi %add3A_86, %add3A_496 : i32
          %swap3A_498 = arith.index_cast %add3A_497 : i32 to index
          %swap3A_499 = arith.constant 64 : index
          %swap3A_500 = tpu.vector_load %arg10[%swap3A_498, %swap3A_499] {strides = array<i32>} : memref<128x128xf32, #tpu.memory_space<vmem>>, vector<16xf32>,
          tpu.vector_store %arg10[%swap3A_498, %swap3A_499], %mul3A_495 {strides = array<i32>} : memref<128x128xf32, #tpu.memory_space<vmem>>, vector<16xf32>,
          %add3A_501 = arith.constant 3 : i32
          %add3A_502 = arith.addi %add3A_86, %add3A_501 : i32
          %get3A_503 = arith.index_cast %add3A_502 : i32 to index
          %get3A_504 = arith.constant 64 : index
          %get3A_505 = tpu.vector_load %arg10[%get3A_503, %get3A_504] {strides = array<i32>} : memref<128x128xf32, #tpu.memory_space<vmem>>, vector<16xf32>,
          %mul3A_506 = arith.mulf %get3A_505, %gather3A_101 : vector<16xf32>
          %add3A_507 = arith.constant 3 : i32
          %add3A_508 = arith.addi %add3A_86, %add3A_507 : i32
          %swap3A_509 = arith.index_cast %add3A_508 : i32 to index
          %swap3A_510 = arith.constant 64 : index
          %swap3A_511 = tpu.vector_load %arg10[%swap3A_509, %swap3A_510] {strides = array<i32>} : memref<128x128xf32, #tpu.memory_space<vmem>>, vector<16xf32>,
          tpu.vector_store %arg10[%swap3A_509, %swap3A_510], %mul3A_506 {strides = array<i32>} : memref<128x128xf32, #tpu.memory_space<vmem>>, vector<16xf32>,
          %add3A_512 = arith.constant 4 : i32
          %add3A_513 = arith.addi %add3A_86, %add3A_512 : i32
          %get3A_514 = arith.index_cast %add3A_513 : i32 to index
          %get3A_515 = arith.constant 64 : index
          %get3A_516 = tpu.vector_load %arg10[%get3A_514, %get3A_515] {strides = array<i32>} : memref<128x128xf32, #tpu.memory_space<vmem>>, vector<16xf32>,
          %mul3A_517 = arith.mulf %get3A_516, %gather3A_105 : vector<16xf32>
          %add3A_518 = arith.constant 4 : i32
          %add3A_519 = arith.addi %add3A_86, %add3A_518 : i32
          %swap3A_520 = arith.index_cast %add3A_519 : i32 to index
          %swap3A_521 = arith.constant 64 : index
          %swap3A_522 = tpu.vector_load %arg10[%swap3A_520, %swap3A_521] {strides = array<i32>} : memref<128x128xf32, #tpu.memory_space<vmem>>, vector<16xf32>,
          tpu.vector_store %arg10[%swap3A_520, %swap3A_521], %mul3A_517 {strides = array<i32>} : memref<128x128xf32, #tpu.memory_space<vmem>>, vector<16xf32>,
          %add3A_523 = arith.constant 5 : i32
          %add3A_524 = arith.addi %add3A_86, %add3A_523 : i32
          %get3A_525 = arith.index_cast %add3A_524 : i32 to index
          %get3A_526 = arith.constant 64 : index
          %get3A_527 = tpu.vector_load %arg10[%get3A_525, %get3A_526] {strides = array<i32>} : memref<128x128xf32, #tpu.memory_space<vmem>>, vector<16xf32>,
          %mul3A_528 = arith.mulf %get3A_527, %gather3A_109 : vector<16xf32>
          %add3A_529 = arith.constant 5 : i32
          %add3A_530 = arith.addi %add3A_86, %add3A_529 : i32
          %swap3A_531 = arith.index_cast %add3A_530 : i32 to index
          %swap3A_532 = arith.constant 64 : index
          %swap3A_533 = tpu.vector_load %arg10[%swap3A_531, %swap3A_532] {strides = array<i32>} : memref<128x128xf32, #tpu.memory_space<vmem>>, vector<16xf32>,
          tpu.vector_store %arg10[%swap3A_531, %swap3A_532], %mul3A_528 {strides = array<i32>} : memref<128x128xf32, #tpu.memory_space<vmem>>, vector<16xf32>,
          %add3A_534 = arith.constant 6 : i32
          %add3A_535 = arith.addi %add3A_86, %add3A_534 : i32
          %get3A_536 = arith.index_cast %add3A_535 : i32 to index
          %get3A_537 = arith.constant 64 : index
          %get3A_538 = tpu.vector_load %arg10[%get3A_536, %get3A_537] {strides = array<i32>} : memref<128x128xf32, #tpu.memory_space<vmem>>, vector<16xf32>,
          %mul3A_539 = arith.mulf %get3A_538, %gather3A_113 : vector<16xf32>
          %add3A_540 = arith.constant 6 : i32
          %add3A_541 = arith.addi %add3A_86, %add3A_540 : i32
          %swap3A_542 = arith.index_cast %add3A_541 : i32 to index
          %swap3A_543 = arith.constant 64 : index
          %swap3A_544 = tpu.vector_load %arg10[%swap3A_542, %swap3A_543] {strides = array<i32>} : memref<128x128xf32, #tpu.memory_space<vmem>>, vector<16xf32>,
          tpu.vector_store %arg10[%swap3A_542, %swap3A_543], %mul3A_539 {strides = array<i32>} : memref<128x128xf32, #tpu.memory_space<vmem>>, vector<16xf32>,
          %add3A_545 = arith.constant 7 : i32
          %add3A_546 = arith.addi %add3A_86, %add3A_545 : i32
          %get3A_547 = arith.index_cast %add3A_546 : i32 to index
          %get3A_548 = arith.constant 64 : index
          %get3A_549 = tpu.vector_load %arg10[%get3A_547, %get3A_548] {strides = array<i32>} : memref<128x128xf32, #tpu.memory_space<vmem>>, vector<16xf32>,
          %mul3A_550 = arith.mulf %get3A_549, %gather3A_117 : vector<16xf32>
          %add3A_551 = arith.constant 7 : i32
          %add3A_552 = arith.addi %add3A_86, %add3A_551 : i32
          %swap3A_553 = arith.index_cast %add3A_552 : i32 to index
          %swap3A_554 = arith.constant 64 : index
          %swap3A_555 = tpu.vector_load %arg10[%swap3A_553, %swap3A_554] {strides = array<i32>} : memref<128x128xf32, #tpu.memory_space<vmem>>, vector<16xf32>,
          tpu.vector_store %arg10[%swap3A_553, %swap3A_554], %mul3A_550 {strides = array<i32>} : memref<128x128xf32, #tpu.memory_space<vmem>>, vector<16xf32>,
          %add3A_556 = arith.constant 0 : i32
          %add3A_557 = arith.addi %add3A_86, %add3A_556 : i32
          %get3A_558 = arith.index_cast %add3A_557 : i32 to index
          %get3A_559 = arith.constant 80 : index
          %get3A_560 = tpu.vector_load %arg10[%get3A_558, %get3A_559] {strides = array<i32>} : memref<128x128xf32, #tpu.memory_space<vmem>>, vector<16xf32>,
          %mul3A_561 = arith.mulf %get3A_560, %gather3A : vector<16xf32>
          %add3A_562 = arith.constant 0 : i32
          %add3A_563 = arith.addi %add3A_86, %add3A_562 : i32
          %swap3A_564 = arith.index_cast %add3A_563 : i32 to index
          %swap3A_565 = arith.constant 80 : index
          %swap3A_566 = tpu.vector_load %arg10[%swap3A_564, %swap3A_565] {strides = array<i32>} : memref<128x128xf32, #tpu.memory_space<vmem>>, vector<16xf32>,
          tpu.vector_store %arg10[%swap3A_564, %swap3A_565], %mul3A_561 {strides = array<i32>} : memref<128x128xf32, #tpu.memory_space<vmem>>, vector<16xf32>,
          %add3A_567 = arith.constant 1 : i32
          %add3A_568 = arith.addi %add3A_86, %add3A_567 : i32
          %get3A_569 = arith.index_cast %add3A_568 : i32 to index
          %get3A_570 = arith.constant 80 : index
          %get3A_571 = tpu.vector_load %arg10[%get3A_569, %get3A_570] {strides = array<i32>} : memref<128x128xf32, #tpu.memory_space<vmem>>, vector<16xf32>,
          %mul3A_572 = arith.mulf %get3A_571, %gather3A_93 : vector<16xf32>
          %add3A_573 = arith.constant 1 : i32
          %add3A_574 = arith.addi %add3A_86, %add3A_573 : i32
          %swap3A_575 = arith.index_cast %add3A_574 : i32 to index
          %swap3A_576 = arith.constant 80 : index
          %swap3A_577 = tpu.vector_load %arg10[%swap3A_575, %swap3A_576] {strides = array<i32>} : memref<128x128xf32, #tpu.memory_space<vmem>>, vector<16xf32>,
          tpu.vector_store %arg10[%swap3A_575, %swap3A_576], %mul3A_572 {strides = array<i32>} : memref<128x128xf32, #tpu.memory_space<vmem>>, vector<16xf32>,
          %add3A_578 = arith.constant 2 : i32
          %add3A_579 = arith.addi %add3A_86, %add3A_578 : i32
          %get3A_580 = arith.index_cast %add3A_579 : i32 to index
          %get3A_581 = arith.constant 80 : index
          %get3A_582 = tpu.vector_load %arg10[%get3A_580, %get3A_581] {strides = array<i32>} : memref<128x128xf32, #tpu.memory_space<vmem>>, vector<16xf32>,
          %mul3A_583 = arith.mulf %get3A_582, %gather3A_97 : vector<16xf32>
          %add3A_584 = arith.constant 2 : i32
          %add3A_585 = arith.addi %add3A_86, %add3A_584 : i32
          %swap3A_586 = arith.index_cast %add3A_585 : i32 to index
          %swap3A_587 = arith.constant 80 : index
          %swap3A_588 = tpu.vector_load %arg10[%swap3A_586, %swap3A_587] {strides = array<i32>} : memref<128x128xf32, #tpu.memory_space<vmem>>, vector<16xf32>,
          tpu.vector_store %arg10[%swap3A_586, %swap3A_587], %mul3A_583 {strides = array<i32>} : memref<128x128xf32, #tpu.memory_space<vmem>>, vector<16xf32>,
          %add3A_589 = arith.constant 3 : i32
          %add3A_590 = arith.addi %add3A_86, %add3A_589 : i32
          %get3A_591 = arith.index_cast %add3A_590 : i32 to index
          %get3A_592 = arith.constant 80 : index
          %get3A_593 = tpu.vector_load %arg10[%get3A_591, %get3A_592] {strides = array<i32>} : memref<128x128xf32, #tpu.memory_space<vmem>>, vector<16xf32>,
          %mul3A_594 = arith.mulf %get3A_593, %gather3A_101 : vector<16xf32>
          %add3A_595 = arith.constant 3 : i32
          %add3A_596 = arith.addi %add3A_86, %add3A_595 : i32
          %swap3A_597 = arith.index_cast %add3A_596 : i32 to index
          %swap3A_598 = arith.constant 80 : index
          %swap3A_599 = tpu.vector_load %arg10[%swap3A_597, %swap3A_598] {strides = array<i32>} : memref<128x128xf32, #tpu.memory_space<vmem>>, vector<16xf32>,
          tpu.vector_store %arg10[%swap3A_597, %swap3A_598], %mul3A_594 {strides = array<i32>} : memref<128x128xf32, #tpu.memory_space<vmem>>, vector<16xf32>,
          %add3A_600 = arith.constant 4 : i32
          %add3A_601 = arith.addi %add3A_86, %add3A_600 : i32
          %get3A_602 = arith.index_cast %add3A_601 : i32 to index
          %get3A_603 = arith.constant 80 : index
          %get3A_604 = tpu.vector_load %arg10[%get3A_602, %get3A_603] {strides = array<i32>} : memref<128x128xf32, #tpu.memory_space<vmem>>, vector<16xf32>,
          %mul3A_605 = arith.mulf %get3A_604, %gather3A_105 : vector<16xf32>
          %add3A_606 = arith.constant 4 : i32
          %add3A_607 = arith.addi %add3A_86, %add3A_606 : i32
          %swap3A_608 = arith.index_cast %add3A_607 : i32 to index
          %swap3A_609 = arith.constant 80 : index
          %swap3A_610 = tpu.vector_load %arg10[%swap3A_608, %swap3A_609] {strides = array<i32>} : memref<128x128xf32, #tpu.memory_space<vmem>>, vector<16xf32>,
          tpu.vector_store %arg10[%swap3A_608, %swap3A_609], %mul3A_605 {strides = array<i32>} : memref<128x128xf32, #tpu.memory_space<vmem>>, vector<16xf32>,
          %add3A_611 = arith.constant 5 : i32
          %add3A_612 = arith.addi %add3A_86, %add3A_611 : i32
          %get3A_613 = arith.index_cast %add3A_612 : i32 to index
          %get3A_614 = arith.constant 80 : index
          %get3A_615 = tpu.vector_load %arg10[%get3A_613, %get3A_614] {strides = array<i32>} : memref<128x128xf32, #tpu.memory_space<vmem>>, vector<16xf32>,
          %mul3A_616 = arith.mulf %get3A_615, %gather3A_109 : vector<16xf32>
          %add3A_617 = arith.constant 5 : i32
          %add3A_618 = arith.addi %add3A_86, %add3A_617 : i32
          %swap3A_619 = arith.index_cast %add3A_618 : i32 to index
          %swap3A_620 = arith.constant 80 : index
          %swap3A_621 = tpu.vector_load %arg10[%swap3A_619, %swap3A_620] {strides = array<i32>} : memref<128x128xf32, #tpu.memory_space<vmem>>, vector<16xf32>,
          tpu.vector_store %arg10[%swap3A_619, %swap3A_620], %mul3A_616 {strides = array<i32>} : memref<128x128xf32, #tpu.memory_space<vmem>>, vector<16xf32>,
          %add3A_622 = arith.constant 6 : i32
          %add3A_623 = arith.addi %add3A_86, %add3A_622 : i32
          %get3A_624 = arith.index_cast %add3A_623 : i32 to index
          %get3A_625 = arith.constant 80 : index
          %get3A_626 = tpu.vector_load %arg10[%get3A_624, %get3A_625] {strides = array<i32>} : memref<128x128xf32, #tpu.memory_space<vmem>>, vector<16xf32>,
          %mul3A_627 = arith.mulf %get3A_626, %gather3A_113 : vector<16xf32>
          %add3A_628 = arith.constant 6 : i32
          %add3A_629 = arith.addi %add3A_86, %add3A_628 : i32
          %swap3A_630 = arith.index_cast %add3A_629 : i32 to index
          %swap3A_631 = arith.constant 80 : index
          %swap3A_632 = tpu.vector_load %arg10[%swap3A_630, %swap3A_631] {strides = array<i32>} : memref<128x128xf32, #tpu.memory_space<vmem>>, vector<16xf32>,
          tpu.vector_store %arg10[%swap3A_630, %swap3A_631], %mul3A_627 {strides = array<i32>} : memref<128x128xf32, #tpu.memory_space<vmem>>, vector<16xf32>,
          %add3A_633 = arith.constant 7 : i32
          %add3A_634 = arith.addi %add3A_86, %add3A_633 : i32
          %get3A_635 = arith.index_cast %add3A_634 : i32 to index
          %get3A_636 = arith.constant 80 : index
          %get3A_637 = tpu.vector_load %arg10[%get3A_635, %get3A_636] {strides = array<i32>} : memref<128x128xf32, #tpu.memory_space<vmem>>, vector<16xf32>,
          %mul3A_638 = arith.mulf %get3A_637, %gather3A_117 : vector<16xf32>
          %add3A_639 = arith.constant 7 : i32
          %add3A_640 = arith.addi %add3A_86, %add3A_639 : i32
          %swap3A_641 = arith.index_cast %add3A_640 : i32 to index
          %swap3A_642 = arith.constant 80 : index
          %swap3A_643 = tpu.vector_load %arg10[%swap3A_641, %swap3A_642] {strides = array<i32>} : memref<128x128xf32, #tpu.memory_space<vmem>>, vector<16xf32>,
          tpu.vector_store %arg10[%swap3A_641, %swap3A_642], %mul3A_638 {strides = array<i32>} : memref<128x128xf32, #tpu.memory_space<vmem>>, vector<16xf32>,
          %add3A_644 = arith.constant 0 : i32
          %add3A_645 = arith.addi %add3A_86, %add3A_644 : i32
          %get3A_646 = arith.index_cast %add3A_645 : i32 to index
          %get3A_647 = arith.constant 96 : index
          %get3A_648 = tpu.vector_load %arg10[%get3A_646, %get3A_647] {strides = array<i32>} : memref<128x128xf32, #tpu.memory_space<vmem>>, vector<16xf32>,
          %mul3A_649 = arith.mulf %get3A_648, %gather3A : vector<16xf32>
          %add3A_650 = arith.constant 0 : i32
          %add3A_651 = arith.addi %add3A_86, %add3A_650 : i32
          %swap3A_652 = arith.index_cast %add3A_651 : i32 to index
          %swap3A_653 = arith.constant 96 : index
          %swap3A_654 = tpu.vector_load %arg10[%swap3A_652, %swap3A_653] {strides = array<i32>} : memref<128x128xf32, #tpu.memory_space<vmem>>, vector<16xf32>,
          tpu.vector_store %arg10[%swap3A_652, %swap3A_653], %mul3A_649 {strides = array<i32>} : memref<128x128xf32, #tpu.memory_space<vmem>>, vector<16xf32>,
          %add3A_655 = arith.constant 1 : i32
          %add3A_656 = arith.addi %add3A_86, %add3A_655 : i32
          %get3A_657 = arith.index_cast %add3A_656 : i32 to index
          %get3A_658 = arith.constant 96 : index
          %get3A_659 = tpu.vector_load %arg10[%get3A_657, %get3A_658] {strides = array<i32>} : memref<128x128xf32, #tpu.memory_space<vmem>>, vector<16xf32>,
          %mul3A_660 = arith.mulf %get3A_659, %gather3A_93 : vector<16xf32>
          %add3A_661 = arith.constant 1 : i32
          %add3A_662 = arith.addi %add3A_86, %add3A_661 : i32
          %swap3A_663 = arith.index_cast %add3A_662 : i32 to index
          %swap3A_664 = arith.constant 96 : index
          %swap3A_665 = tpu.vector_load %arg10[%swap3A_663, %swap3A_664] {strides = array<i32>} : memref<128x128xf32, #tpu.memory_space<vmem>>, vector<16xf32>,
          tpu.vector_store %arg10[%swap3A_663, %swap3A_664], %mul3A_660 {strides = array<i32>} : memref<128x128xf32, #tpu.memory_space<vmem>>, vector<16xf32>,
          %add3A_666 = arith.constant 2 : i32
          %add3A_667 = arith.addi %add3A_86, %add3A_666 : i32
          %get3A_668 = arith.index_cast %add3A_667 : i32 to index
          %get3A_669 = arith.constant 96 : index
          %get3A_670 = tpu.vector_load %arg10[%get3A_668, %get3A_669] {strides = array<i32>} : memref<128x128xf32, #tpu.memory_space<vmem>>, vector<16xf32>,
          %mul3A_671 = arith.mulf %get3A_670, %gather3A_97 : vector<16xf32>
          %add3A_672 = arith.constant 2 : i32
          %add3A_673 = arith.addi %add3A_86, %add3A_672 : i32
          %swap3A_674 = arith.index_cast %add3A_673 : i32 to index
          %swap3A_675 = arith.constant 96 : index
          %swap3A_676 = tpu.vector_load %arg10[%swap3A_674, %swap3A_675] {strides = array<i32>} : memref<128x128xf32, #tpu.memory_space<vmem>>, vector<16xf32>,
          tpu.vector_store %arg10[%swap3A_674, %swap3A_675], %mul3A_671 {strides = array<i32>} : memref<128x128xf32, #tpu.memory_space<vmem>>, vector<16xf32>,
          %add3A_677 = arith.constant 3 : i32
          %add3A_678 = arith.addi %add3A_86, %add3A_677 : i32
          %get3A_679 = arith.index_cast %add3A_678 : i32 to index
          %get3A_680 = arith.constant 96 : index
          %get3A_681 = tpu.vector_load %arg10[%get3A_679, %get3A_680] {strides = array<i32>} : memref<128x128xf32, #tpu.memory_space<vmem>>, vector<16xf32>,
          %mul3A_682 = arith.mulf %get3A_681, %gather3A_101 : vector<16xf32>
          %add3A_683 = arith.constant 3 : i32
          %add3A_684 = arith.addi %add3A_86, %add3A_683 : i32
          %swap3A_685 = arith.index_cast %add3A_684 : i32 to index
          %swap3A_686 = arith.constant 96 : index
          %swap3A_687 = tpu.vector_load %arg10[%swap3A_685, %swap3A_686] {strides = array<i32>} : memref<128x128xf32, #tpu.memory_space<vmem>>, vector<16xf32>,
          tpu.vector_store %arg10[%swap3A_685, %swap3A_686], %mul3A_682 {strides = array<i32>} : memref<128x128xf32, #tpu.memory_space<vmem>>, vector<16xf32>,
          %add3A_688 = arith.constant 4 : i32
          %add3A_689 = arith.addi %add3A_86, %add3A_688 : i32
          %get3A_690 = arith.index_cast %add3A_689 : i32 to index
          %get3A_691 = arith.constant 96 : index
          %get3A_692 = tpu.vector_load %arg10[%get3A_690, %get3A_691] {strides = array<i32>} : memref<128x128xf32, #tpu.memory_space<vmem>>, vector<16xf32>,
          %mul3A_693 = arith.mulf %get3A_692, %gather3A_105 : vector<16xf32>
          %add3A_694 = arith.constant 4 : i32
          %add3A_695 = arith.addi %add3A_86, %add3A_694 : i32
          %swap3A_696 = arith.index_cast %add3A_695 : i32 to index
          %swap3A_697 = arith.constant 96 : index
          %swap3A_698 = tpu.vector_load %arg10[%swap3A_696, %swap3A_697] {strides = array<i32>} : memref<128x128xf32, #tpu.memory_space<vmem>>, vector<16xf32>,
          tpu.vector_store %arg10[%swap3A_696, %swap3A_697], %mul3A_693 {strides = array<i32>} : memref<128x128xf32, #tpu.memory_space<vmem>>, vector<16xf32>,
          %add3A_699 = arith.constant 5 : i32
          %add3A_700 = arith.addi %add3A_86, %add3A_699 : i32
          %get3A_701 = arith.index_cast %add3A_700 : i32 to index
          %get3A_702 = arith.constant 96 : index
          %get3A_703 = tpu.vector_load %arg10[%get3A_701, %get3A_702] {strides = array<i32>} : memref<128x128xf32, #tpu.memory_space<vmem>>, vector<16xf32>,
          %mul3A_704 = arith.mulf %get3A_703, %gather3A_109 : vector<16xf32>
          %add3A_705 = arith.constant 5 : i32
          %add3A_706 = arith.addi %add3A_86, %add3A_705 : i32
          %swap3A_707 = arith.index_cast %add3A_706 : i32 to index
          %swap3A_708 = arith.constant 96 : index
          %swap3A_709 = tpu.vector_load %arg10[%swap3A_707, %swap3A_708] {strides = array<i32>} : memref<128x128xf32, #tpu.memory_space<vmem>>, vector<16xf32>,
          tpu.vector_store %arg10[%swap3A_707, %swap3A_708], %mul3A_704 {strides = array<i32>} : memref<128x128xf32, #tpu.memory_space<vmem>>, vector<16xf32>,
          %add3A_710 = arith.constant 6 : i32
          %add3A_711 = arith.addi %add3A_86, %add3A_710 : i32
          %get3A_712 = arith.index_cast %add3A_711 : i32 to index
          %get3A_713 = arith.constant 96 : index
          %get3A_714 = tpu.vector_load %arg10[%get3A_712, %get3A_713] {strides = array<i32>} : memref<128x128xf32, #tpu.memory_space<vmem>>, vector<16xf32>,
          %mul3A_715 = arith.mulf %get3A_714, %gather3A_113 : vector<16xf32>
          %add3A_716 = arith.constant 6 : i32
          %add3A_717 = arith.addi %add3A_86, %add3A_716 : i32
          %swap3A_718 = arith.index_cast %add3A_717 : i32 to index
          %swap3A_719 = arith.constant 96 : index
          %swap3A_720 = tpu.vector_load %arg10[%swap3A_718, %swap3A_719] {strides = array<i32>} : memref<128x128xf32, #tpu.memory_space<vmem>>, vector<16xf32>,
          tpu.vector_store %arg10[%swap3A_718, %swap3A_719], %mul3A_715 {strides = array<i32>} : memref<128x128xf32, #tpu.memory_space<vmem>>, vector<16xf32>,
          %add3A_721 = arith.constant 7 : i32
          %add3A_722 = arith.addi %add3A_86, %add3A_721 : i32
          %get3A_723 = arith.index_cast %add3A_722 : i32 to index
          %get3A_724 = arith.constant 96 : index
          %get3A_725 = tpu.vector_load %arg10[%get3A_723, %get3A_724] {strides = array<i32>} : memref<128x128xf32, #tpu.memory_space<vmem>>, vector<16xf32>,
          %mul3A_726 = arith.mulf %get3A_725, %gather3A_117 : vector<16xf32>
          %add3A_727 = arith.constant 7 : i32
          %add3A_728 = arith.addi %add3A_86, %add3A_727 : i32
          %swap3A_729 = arith.index_cast %add3A_728 : i32 to index
          %swap3A_730 = arith.constant 96 : index
          %swap3A_731 = tpu.vector_load %arg10[%swap3A_729, %swap3A_730] {strides = array<i32>} : memref<128x128xf32, #tpu.memory_space<vmem>>, vector<16xf32>,
          tpu.vector_store %arg10[%swap3A_729, %swap3A_730], %mul3A_726 {strides = array<i32>} : memref<128x128xf32, #tpu.memory_space<vmem>>, vector<16xf32>,
          %add3A_732 = arith.constant 0 : i32
          %add3A_733 = arith.addi %add3A_86, %add3A_732 : i32
          %get3A_734 = arith.index_cast %add3A_733 : i32 to index
          %get3A_735 = arith.constant 112 : index
          %get3A_736 = tpu.vector_load %arg10[%get3A_734, %get3A_735] {strides = array<i32>} : memref<128x128xf32, #tpu.memory_space<vmem>>, vector<16xf32>,
          %mul3A_737 = arith.mulf %get3A_736, %gather3A : vector<16xf32>
          %add3A_738 = arith.constant 0 : i32
          %add3A_739 = arith.addi %add3A_86, %add3A_738 : i32
          %swap3A_740 = arith.index_cast %add3A_739 : i32 to index
          %swap3A_741 = arith.constant 112 : index
          %swap3A_742 = tpu.vector_load %arg10[%swap3A_740, %swap3A_741] {strides = array<i32>} : memref<128x128xf32, #tpu.memory_space<vmem>>, vector<16xf32>,
          tpu.vector_store %arg10[%swap3A_740, %swap3A_741], %mul3A_737 {strides = array<i32>} : memref<128x128xf32, #tpu.memory_space<vmem>>, vector<16xf32>,
          %add3A_743 = arith.constant 1 : i32
          %add3A_744 = arith.addi %add3A_86, %add3A_743 : i32
          %get3A_745 = arith.index_cast %add3A_744 : i32 to index
          %get3A_746 = arith.constant 112 : index
          %get3A_747 = tpu.vector_load %arg10[%get3A_745, %get3A_746] {strides = array<i32>} : memref<128x128xf32, #tpu.memory_space<vmem>>, vector<16xf32>,
          %mul3A_748 = arith.mulf %get3A_747, %gather3A_93 : vector<16xf32>
          %add3A_749 = arith.constant 1 : i32
          %add3A_750 = arith.addi %add3A_86, %add3A_749 : i32
          %swap3A_751 = arith.index_cast %add3A_750 : i32 to index
          %swap3A_752 = arith.constant 112 : index
          %swap3A_753 = tpu.vector_load %arg10[%swap3A_751, %swap3A_752] {strides = array<i32>} : memref<128x128xf32, #tpu.memory_space<vmem>>, vector<16xf32>,
          tpu.vector_store %arg10[%swap3A_751, %swap3A_752], %mul3A_748 {strides = array<i32>} : memref<128x128xf32, #tpu.memory_space<vmem>>, vector<16xf32>,
          %add3A_754 = arith.constant 2 : i32
          %add3A_755 = arith.addi %add3A_86, %add3A_754 : i32
          %get3A_756 = arith.index_cast %add3A_755 : i32 to index
          %get3A_757 = arith.constant 112 : index
          %get3A_758 = tpu.vector_load %arg10[%get3A_756, %get3A_757] {strides = array<i32>} : memref<128x128xf32, #tpu.memory_space<vmem>>, vector<16xf32>,
          %mul3A_759 = arith.mulf %get3A_758, %gather3A_97 : vector<16xf32>
          %add3A_760 = arith.constant 2 : i32
          %add3A_761 = arith.addi %add3A_86, %add3A_760 : i32
          %swap3A_762 = arith.index_cast %add3A_761 : i32 to index
          %swap3A_763 = arith.constant 112 : index
          %swap3A_764 = tpu.vector_load %arg10[%swap3A_762, %swap3A_763] {strides = array<i32>} : memref<128x128xf32, #tpu.memory_space<vmem>>, vector<16xf32>,
          tpu.vector_store %arg10[%swap3A_762, %swap3A_763], %mul3A_759 {strides = array<i32>} : memref<128x128xf32, #tpu.memory_space<vmem>>, vector<16xf32>,
          %add3A_765 = arith.constant 3 : i32
          %add3A_766 = arith.addi %add3A_86, %add3A_765 : i32
          %get3A_767 = arith.index_cast %add3A_766 : i32 to index
          %get3A_768 = arith.constant 112 : index
          %get3A_769 = tpu.vector_load %arg10[%get3A_767, %get3A_768] {strides = array<i32>} : memref<128x128xf32, #tpu.memory_space<vmem>>, vector<16xf32>,
          %mul3A_770 = arith.mulf %get3A_769, %gather3A_101 : vector<16xf32>
          %add3A_771 = arith.constant 3 : i32
          %add3A_772 = arith.addi %add3A_86, %add3A_771 : i32
          %swap3A_773 = arith.index_cast %add3A_772 : i32 to index
          %swap3A_774 = arith.constant 112 : index
          %swap3A_775 = tpu.vector_load %arg10[%swap3A_773, %swap3A_774] {strides = array<i32>} : memref<128x128xf32, #tpu.memory_space<vmem>>, vector<16xf32>,
          tpu.vector_store %arg10[%swap3A_773, %swap3A_774], %mul3A_770 {strides = array<i32>} : memref<128x128xf32, #tpu.memory_space<vmem>>, vector<16xf32>,
          %add3A_776 = arith.constant 4 : i32
          %add3A_777 = arith.addi %add3A_86, %add3A_776 : i32
          %get3A_778 = arith.index_cast %add3A_777 : i32 to index
          %get3A_779 = arith.constant 112 : index
          %get3A_780 = tpu.vector_load %arg10[%get3A_778, %get3A_779] {strides = array<i32>} : memref<128x128xf32, #tpu.memory_space<vmem>>, vector<16xf32>,
          %mul3A_781 = arith.mulf %get3A_780, %gather3A_105 : vector<16xf32>
          %add3A_782 = arith.constant 4 : i32
          %add3A_783 = arith.addi %add3A_86, %add3A_782 : i32
          %swap3A_784 = arith.index_cast %add3A_783 : i32 to index
          %swap3A_785 = arith.constant 112 : index
          %swap3A_786 = tpu.vector_load %arg10[%swap3A_784, %swap3A_785] {strides = array<i32>} : memref<128x128xf32, #tpu.memory_space<vmem>>, vector<16xf32>,
          tpu.vector_store %arg10[%swap3A_784, %swap3A_785], %mul3A_781 {strides = array<i32>} : memref<128x128xf32, #tpu.memory_space<vmem>>, vector<16xf32>,
          %add3A_787 = arith.constant 5 : i32
          %add3A_788 = arith.addi %add3A_86, %add3A_787 : i32
          %get3A_789 = arith.index_cast %add3A_788 : i32 to index
          %get3A_790 = arith.constant 112 : index
          %get3A_791 = tpu.vector_load %arg10[%get3A_789, %get3A_790] {strides = array<i32>} : memref<128x128xf32, #tpu.memory_space<vmem>>, vector<16xf32>,
          %mul3A_792 = arith.mulf %get3A_791, %gather3A_109 : vector<16xf32>
          %add3A_793 = arith.constant 5 : i32
          %add3A_794 = arith.addi %add3A_86, %add3A_793 : i32
          %swap3A_795 = arith.index_cast %add3A_794 : i32 to index
          %swap3A_796 = arith.constant 112 : index
          %swap3A_797 = tpu.vector_load %arg10[%swap3A_795, %swap3A_796] {strides = array<i32>} : memref<128x128xf32, #tpu.memory_space<vmem>>, vector<16xf32>,
          tpu.vector_store %arg10[%swap3A_795, %swap3A_796], %mul3A_792 {strides = array<i32>} : memref<128x128xf32, #tpu.memory_space<vmem>>, vector<16xf32>,
          %add3A_798 = arith.constant 6 : i32
          %add3A_799 = arith.addi %add3A_86, %add3A_798 : i32
          %get3A_800 = arith.index_cast %add3A_799 : i32 to index
          %get3A_801 = arith.constant 112 : index
          %get3A_802 = tpu.vector_load %arg10[%get3A_800, %get3A_801] {strides = array<i32>} : memref<128x128xf32, #tpu.memory_space<vmem>>, vector<16xf32>,
          %mul3A_803 = arith.mulf %get3A_802, %gather3A_113 : vector<16xf32>
          %add3A_804 = arith.constant 6 : i32
          %add3A_805 = arith.addi %add3A_86, %add3A_804 : i32
          %swap3A_806 = arith.index_cast %add3A_805 : i32 to index
          %swap3A_807 = arith.constant 112 : index
          %swap3A_808 = tpu.vector_load %arg10[%swap3A_806, %swap3A_807] {strides = array<i32>} : memref<128x128xf32, #tpu.memory_space<vmem>>, vector<16xf32>,
          tpu.vector_store %arg10[%swap3A_806, %swap3A_807], %mul3A_803 {strides = array<i32>} : memref<128x128xf32, #tpu.memory_space<vmem>>, vector<16xf32>,
          %add3A_809 = arith.constant 7 : i32
          %add3A_810 = arith.addi %add3A_86, %add3A_809 : i32
          %get3A_811 = arith.index_cast %add3A_810 : i32 to index
          %get3A_812 = arith.constant 112 : index
          %get3A_813 = tpu.vector_load %arg10[%get3A_811, %get3A_812] {strides = array<i32>} : memref<128x128xf32, #tpu.memory_space<vmem>>, vector<16xf32>,
          %mul3A_814 = arith.mulf %get3A_813, %gather3A_117 : vector<16xf32>
          %add3A_815 = arith.constant 7 : i32
          %add3A_816 = arith.addi %add3A_86, %add3A_815 : i32
          %swap3A_817 = arith.index_cast %add3A_816 : i32 to index
          %swap3A_818 = arith.constant 112 : index
          %swap3A_819 = tpu.vector_load %arg10[%swap3A_817, %swap3A_818] {strides = array<i32>} : memref<128x128xf32, #tpu.memory_space<vmem>>, vector<16xf32>,
          tpu.vector_store %arg10[%swap3A_817, %swap3A_818], %mul3A_814 {strides = array<i32>} : memref<128x128xf32, #tpu.memory_space<vmem>>, vector<16xf32>,
        }
        %scan3A_60 = arith.constant 16 : i32
        "tpu.region"() ({
          %run_scoped3A = tpu.sem_alloc : memref<!tpu.dma_semaphore, #tpu.memory_space<semaphore_mem>>
          %dma_start3A_82 = arith.constant 0 : i32
          %dma_start3A_83 = tpu.memref_slice %arg8[%add3A_42, %dma_start3A_82] : memref<16x128xi32, #tpu.memory_space<vmem>> -> memref<1x128xi32, #tpu.memory_space<vmem>>
          %dma_start3A_84 = tpu.memref_squeeze %dma_start3A_83 : memref<1x128xi32, #tpu.memory_space<vmem>> -> memref<128xi32, #tpu.memory_space<vmem>>
          %dma_start3A_85 = arith.constant 0 : i32
          %dma_start3A_86 = arith.constant 0 : i32
          %dma_start3A_87 = tpu.memref_slice %arg12[%dma_start3A_85, %dma_start3A_86] : memref<10240x128xf32, #tpu.memory_space<vmem_shared>> -> memref<10240x128xf32, #tpu.memory_space<vmem_shared>>
          tpu.enqueue_indirect_dma source(%arg10 : memref<128x128xf32, #tpu.memory_space<vmem>>) target(%dma_start3A_87 : memref<10240x128xf32, #tpu.memory_space<vmem_shared>>) offsets(%dma_start3A_84 : memref<128xi32, #tpu.memory_space<vmem>>) semaphore(%run_scoped3A : memref<!tpu.dma_semaphore, #tpu.memory_space<semaphore_mem>>) {add = true}
          %dma_wait3A_88 = arith.constant 0 : i32
          %dma_wait3A_89 = tpu.memref_slice %arg8[%add3A_42, %dma_wait3A_88] : memref<16x128xi32, #tpu.memory_space<vmem>> -> memref<1x128xi32, #tpu.memory_space<vmem>>
          %dma_wait3A_90 = tpu.memref_squeeze %dma_wait3A_89 : memref<1x128xi32, #tpu.memory_space<vmem>> -> memref<128xi32, #tpu.memory_space<vmem>>
          %dma_wait3A_91 = arith.constant 0 : i32
          %dma_wait3A_92 = arith.constant 0 : i32
          %dma_wait3A_93 = tpu.memref_slice %arg12[%dma_wait3A_91, %dma_wait3A_92] : memref<10240x128xf32, #tpu.memory_space<vmem_shared>> -> memref<10240x128xf32, #tpu.memory_space<vmem_shared>>
          tpu.wait_indirect_dma semaphore(%run_scoped3A : memref<!tpu.dma_semaphore, #tpu.memory_space<semaphore_mem>>) src(%arg10 : memref<128x128xf32, #tpu.memory_space<vmem>>) dst(%dma_wait3A_93 : memref<10240x128xf32, #tpu.memory_space<vmem_shared>>)
          tpu.yield
        }) : () -> ()
        %add3A_61 = arith.constant 2 : i32
        %add3A_62 = arith.addi %add3A_42, %add3A_61 : i32
        %lt3A = arith.constant 16 : i32
        %lt3A_63 = arith.cmpi slt, %add3A_62, %lt3A : i32
        %convert_element_type3A_64 = arith.extui %lt3A_63 : i1 to i32
        %cond3A_65 = arith.constant 0 : i32
        %cond3A_66 = arith.cmpi ne, %convert_element_type3A_64, %cond3A_65 : i32
        scf.if %cond3A_66 {
          %add3A_82 = arith.constant 2 : i32
          %add3A_83 = arith.addi %add3A_42, %add3A_82 : i32
          %dma_start3A_84 = arith.constant 0 : i32
          %dma_start3A_85 = tpu.memref_slice %arg7[%add3A_83, %dma_start3A_84] : memref<16x128xi32, #tpu.memory_space<vmem>> -> memref<1x128xi32, #tpu.memory_space<vmem>>
          %dma_start3A_86 = tpu.memref_squeeze %dma_start3A_85 : memref<1x128xi32, #tpu.memory_space<vmem>> -> memref<128xi32, #tpu.memory_space<vmem>>
          %dma_start3A_87 = arith.constant 0 : i32
          %dma_start3A_88 = arith.constant 0 : i32
          %dma_start3A_89 = tpu.memref_slice %arg2[%dma_start3A_87, %dma_start3A_88] : memref<10240x128xf32, #tpu.memory_space<hbm>> -> memref<10240x128xf32, #tpu.memory_space<hbm>>
          tpu.enqueue_indirect_dma source(%dma_start3A_89 : memref<10240x128xf32, #tpu.memory_space<hbm>>) target(%arg10 : memref<128x128xf32, #tpu.memory_space<vmem>>) offsets(%dma_start3A_86 : memref<128xi32, #tpu.memory_space<vmem>>) semaphore(%arg13 : memref<!tpu.dma_semaphore, #tpu.memory_space<semaphore_mem>>)
        } else {
        }
        %add3A_67 = arith.constant 1 : i32
        %add3A_68 = arith.addi %add3A_42, %add3A_67 : i32
        %dma_wait3A_69 = arith.constant 0 : i32
        %dma_wait3A_70 = tpu.memref_slice %arg7[%add3A_68, %dma_wait3A_69] : memref<16x128xi32, #tpu.memory_space<vmem>> -> memref<1x128xi32, #tpu.memory_space<vmem>>
        %dma_wait3A_71 = tpu.memref_squeeze %dma_wait3A_70 : memref<1x128xi32, #tpu.memory_space<vmem>> -> memref<128xi32, #tpu.memory_space<vmem>>
        %dma_wait3A_72 = arith.constant 0 : i32
        %dma_wait3A_73 = arith.constant 0 : i32
        %dma_wait3A_74 = tpu.memref_slice %arg2[%dma_wait3A_72, %dma_wait3A_73] : memref<10240x128xf32, #tpu.memory_space<hbm>> -> memref<10240x128xf32, #tpu.memory_space<hbm>>
        tpu.wait_indirect_dma semaphore(%arg14 : memref<!tpu.dma_semaphore, #tpu.memory_space<semaphore_mem>>) src(%dma_wait3A_74 : memref<10240x128xf32, #tpu.memory_space<hbm>>) dst(%arg11 : memref<128x128xf32, #tpu.memory_space<vmem>>)
        %add3A_75 = arith.constant 1 : i32
        %add3A_76 = arith.addi %add3A_42, %add3A_75 : i32
        %scan3A_77 = arith.constant 0 : i32
        %scan3A_78 = arith.constant 16 : i32
        %scan3A_79 = arith.addi %scan3A_77, %scan3A_78 : i32
        %scan3A_80 = arith.constant 1 : i32
        scf.for %scan3A_82 = %scan3A_77 to %scan3A_79 step %scan3A_80  : i32 {
          %mul3A_83 = arith.constant 8 : i32
          %mul3A_84 = arith.muli %scan3A_82, %mul3A_83 : i32
          %add3A_85 = arith.constant 0 : i32
          %add3A_86 = arith.addi %add3A_85, %mul3A_84 : i32
          %broadcast_in_dim3A = vector.broadcast %add3A_76 : i32 to vector<16xi32>
          %add3A_87 = arith.constant 0 : i32
          %add3A_88 = arith.addi %add3A_86, %add3A_87 : i32
          %broadcast_in_dim3A_89 = vector.broadcast %add3A_88 : i32 to vector<16xi32>
          %gather3A = tpu.vector_load_idx %arg9[%broadcast_in_dim3A, %broadcast_in_dim3A_89] : memref<16x128xf32, #tpu.memory_space<vmem>>[vector<16xi32>, vector<16xi32>], vector<16xf32>,
          %add3A_90 = arith.constant 1 : i32
          %add3A_91 = arith.addi %add3A_86, %add3A_90 : i32
          %broadcast_in_dim3A_92 = vector.broadcast %add3A_91 : i32 to vector<16xi32>
          %gather3A_93 = tpu.vector_load_idx %arg9[%broadcast_in_dim3A, %broadcast_in_dim3A_92] : memref<16x128xf32, #tpu.memory_space<vmem>>[vector<16xi32>, vector<16xi32>], vector<16xf32>,
          %add3A_94 = arith.constant 2 : i32
          %add3A_95 = arith.addi %add3A_86, %add3A_94 : i32
          %broadcast_in_dim3A_96 = vector.broadcast %add3A_95 : i32 to vector<16xi32>
          %gather3A_97 = tpu.vector_load_idx %arg9[%broadcast_in_dim3A, %broadcast_in_dim3A_96] : memref<16x128xf32, #tpu.memory_space<vmem>>[vector<16xi32>, vector<16xi32>], vector<16xf32>,
          %add3A_98 = arith.constant 3 : i32
          %add3A_99 = arith.addi %add3A_86, %add3A_98 : i32
          %broadcast_in_dim3A_100 = vector.broadcast %add3A_99 : i32 to vector<16xi32>
          %gather3A_101 = tpu.vector_load_idx %arg9[%broadcast_in_dim3A, %broadcast_in_dim3A_100] : memref<16x128xf32, #tpu.memory_space<vmem>>[vector<16xi32>, vector<16xi32>], vector<16xf32>,
          %add3A_102 = arith.constant 4 : i32
          %add3A_103 = arith.addi %add3A_86, %add3A_102 : i32
          %broadcast_in_dim3A_104 = vector.broadcast %add3A_103 : i32 to vector<16xi32>
          %gather3A_105 = tpu.vector_load_idx %arg9[%broadcast_in_dim3A, %broadcast_in_dim3A_104] : memref<16x128xf32, #tpu.memory_space<vmem>>[vector<16xi32>, vector<16xi32>], vector<16xf32>,
          %add3A_106 = arith.constant 5 : i32
          %add3A_107 = arith.addi %add3A_86, %add3A_106 : i32
          %broadcast_in_dim3A_108 = vector.broadcast %add3A_107 : i32 to vector<16xi32>
          %gather3A_109 = tpu.vector_load_idx %arg9[%broadcast_in_dim3A, %broadcast_in_dim3A_108] : memref<16x128xf32, #tpu.memory_space<vmem>>[vector<16xi32>, vector<16xi32>], vector<16xf32>,
          %add3A_110 = arith.constant 6 : i32
          %add3A_111 = arith.addi %add3A_86, %add3A_110 : i32
          %broadcast_in_dim3A_112 = vector.broadcast %add3A_111 : i32 to vector<16xi32>
          %gather3A_113 = tpu.vector_load_idx %arg9[%broadcast_in_dim3A, %broadcast_in_dim3A_112] : memref<16x128xf32, #tpu.memory_space<vmem>>[vector<16xi32>, vector<16xi32>], vector<16xf32>,
          %add3A_114 = arith.constant 7 : i32
          %add3A_115 = arith.addi %add3A_86, %add3A_114 : i32
          %broadcast_in_dim3A_116 = vector.broadcast %add3A_115 : i32 to vector<16xi32>
          %gather3A_117 = tpu.vector_load_idx %arg9[%broadcast_in_dim3A, %broadcast_in_dim3A_116] : memref<16x128xf32, #tpu.memory_space<vmem>>[vector<16xi32>, vector<16xi32>], vector<16xf32>,
          %add3A_118 = arith.constant 0 : i32
          %add3A_119 = arith.addi %add3A_86, %add3A_118 : i32
          %get3A = arith.index_cast %add3A_119 : i32 to index
          %get3A_120 = arith.constant 0 : index
          %get3A_121 = tpu.vector_load %arg11[%get3A, %get3A_120] {strides = array<i32>} : memref<128x128xf32, #tpu.memory_space<vmem>>, vector<16xf32>,
          %mul3A_122 = arith.mulf %get3A_121, %gather3A : vector<16xf32>
          %add3A_123 = arith.constant 0 : i32
          %add3A_124 = arith.addi %add3A_86, %add3A_123 : i32
          %swap3A = arith.index_cast %add3A_124 : i32 to index
          %swap3A_125 = arith.constant 0 : index
          %swap3A_126 = tpu.vector_load %arg11[%swap3A, %swap3A_125] {strides = array<i32>} : memref<128x128xf32, #tpu.memory_space<vmem>>, vector<16xf32>,
          tpu.vector_store %arg11[%swap3A, %swap3A_125], %mul3A_122 {strides = array<i32>} : memref<128x128xf32, #tpu.memory_space<vmem>>, vector<16xf32>,
          %add3A_127 = arith.constant 1 : i32
          %add3A_128 = arith.addi %add3A_86, %add3A_127 : i32
          %get3A_129 = arith.index_cast %add3A_128 : i32 to index
          %get3A_130 = arith.constant 0 : index
          %get3A_131 = tpu.vector_load %arg11[%get3A_129, %get3A_130] {strides = array<i32>} : memref<128x128xf32, #tpu.memory_space<vmem>>, vector<16xf32>,
          %mul3A_132 = arith.mulf %get3A_131, %gather3A_93 : vector<16xf32>
          %add3A_133 = arith.constant 1 : i32
          %add3A_134 = arith.addi %add3A_86, %add3A_133 : i32
          %swap3A_135 = arith.index_cast %add3A_134 : i32 to index
          %swap3A_136 = arith.constant 0 : index
          %swap3A_137 = tpu.vector_load %arg11[%swap3A_135, %swap3A_136] {strides = array<i32>} : memref<128x128xf32, #tpu.memory_space<vmem>>, vector<16xf32>,
          tpu.vector_store %arg11[%swap3A_135, %swap3A_136], %mul3A_132 {strides = array<i32>} : memref<128x128xf32, #tpu.memory_space<vmem>>, vector<16xf32>,
          %add3A_138 = arith.constant 2 : i32
          %add3A_139 = arith.addi %add3A_86, %add3A_138 : i32
          %get3A_140 = arith.index_cast %add3A_139 : i32 to index
          %get3A_141 = arith.constant 0 : index
          %get3A_142 = tpu.vector_load %arg11[%get3A_140, %get3A_141] {strides = array<i32>} : memref<128x128xf32, #tpu.memory_space<vmem>>, vector<16xf32>,
          %mul3A_143 = arith.mulf %get3A_142, %gather3A_97 : vector<16xf32>
          %add3A_144 = arith.constant 2 : i32
          %add3A_145 = arith.addi %add3A_86, %add3A_144 : i32
          %swap3A_146 = arith.index_cast %add3A_145 : i32 to index
          %swap3A_147 = arith.constant 0 : index
          %swap3A_148 = tpu.vector_load %arg11[%swap3A_146, %swap3A_147] {strides = array<i32>} : memref<128x128xf32, #tpu.memory_space<vmem>>, vector<16xf32>,
          tpu.vector_store %arg11[%swap3A_146, %swap3A_147], %mul3A_143 {strides = array<i32>} : memref<128x128xf32, #tpu.memory_space<vmem>>, vector<16xf32>,
          %add3A_149 = arith.constant 3 : i32
          %add3A_150 = arith.addi %add3A_86, %add3A_149 : i32
          %get3A_151 = arith.index_cast %add3A_150 : i32 to index
          %get3A_152 = arith.constant 0 : index
          %get3A_153 = tpu.vector_load %arg11[%get3A_151, %get3A_152] {strides = array<i32>} : memref<128x128xf32, #tpu.memory_space<vmem>>, vector<16xf32>,
          %mul3A_154 = arith.mulf %get3A_153, %gather3A_101 : vector<16xf32>
          %add3A_155 = arith.constant 3 : i32
          %add3A_156 = arith.addi %add3A_86, %add3A_155 : i32
          %swap3A_157 = arith.index_cast %add3A_156 : i32 to index
          %swap3A_158 = arith.constant 0 : index
          %swap3A_159 = tpu.vector_load %arg11[%swap3A_157, %swap3A_158] {strides = array<i32>} : memref<128x128xf32, #tpu.memory_space<vmem>>, vector<16xf32>,
          tpu.vector_store %arg11[%swap3A_157, %swap3A_158], %mul3A_154 {strides = array<i32>} : memref<128x128xf32, #tpu.memory_space<vmem>>, vector<16xf32>,
          %add3A_160 = arith.constant 4 : i32
          %add3A_161 = arith.addi %add3A_86, %add3A_160 : i32
          %get3A_162 = arith.index_cast %add3A_161 : i32 to index
          %get3A_163 = arith.constant 0 : index
          %get3A_164 = tpu.vector_load %arg11[%get3A_162, %get3A_163] {strides = array<i32>} : memref<128x128xf32, #tpu.memory_space<vmem>>, vector<16xf32>,
          %mul3A_165 = arith.mulf %get3A_164, %gather3A_105 : vector<16xf32>
          %add3A_166 = arith.constant 4 : i32
          %add3A_167 = arith.addi %add3A_86, %add3A_166 : i32
          %swap3A_168 = arith.index_cast %add3A_167 : i32 to index
          %swap3A_169 = arith.constant 0 : index
          %swap3A_170 = tpu.vector_load %arg11[%swap3A_168, %swap3A_169] {strides = array<i32>} : memref<128x128xf32, #tpu.memory_space<vmem>>, vector<16xf32>,
          tpu.vector_store %arg11[%swap3A_168, %swap3A_169], %mul3A_165 {strides = array<i32>} : memref<128x128xf32, #tpu.memory_space<vmem>>, vector<16xf32>,
          %add3A_171 = arith.constant 5 : i32
          %add3A_172 = arith.addi %add3A_86, %add3A_171 : i32
          %get3A_173 = arith.index_cast %add3A_172 : i32 to index
          %get3A_174 = arith.constant 0 : index
          %get3A_175 = tpu.vector_load %arg11[%get3A_173, %get3A_174] {strides = array<i32>} : memref<128x128xf32, #tpu.memory_space<vmem>>, vector<16xf32>,
          %mul3A_176 = arith.mulf %get3A_175, %gather3A_109 : vector<16xf32>
          %add3A_177 = arith.constant 5 : i32
          %add3A_178 = arith.addi %add3A_86, %add3A_177 : i32
          %swap3A_179 = arith.index_cast %add3A_178 : i32 to index
          %swap3A_180 = arith.constant 0 : index
          %swap3A_181 = tpu.vector_load %arg11[%swap3A_179, %swap3A_180] {strides = array<i32>} : memref<128x128xf32, #tpu.memory_space<vmem>>, vector<16xf32>,
          tpu.vector_store %arg11[%swap3A_179, %swap3A_180], %mul3A_176 {strides = array<i32>} : memref<128x128xf32, #tpu.memory_space<vmem>>, vector<16xf32>,
          %add3A_182 = arith.constant 6 : i32
          %add3A_183 = arith.addi %add3A_86, %add3A_182 : i32
          %get3A_184 = arith.index_cast %add3A_183 : i32 to index
          %get3A_185 = arith.constant 0 : index
          %get3A_186 = tpu.vector_load %arg11[%get3A_184, %get3A_185] {strides = array<i32>} : memref<128x128xf32, #tpu.memory_space<vmem>>, vector<16xf32>,
          %mul3A_187 = arith.mulf %get3A_186, %gather3A_113 : vector<16xf32>
          %add3A_188 = arith.constant 6 : i32
          %add3A_189 = arith.addi %add3A_86, %add3A_188 : i32
          %swap3A_190 = arith.index_cast %add3A_189 : i32 to index
          %swap3A_191 = arith.constant 0 : index
          %swap3A_192 = tpu.vector_load %arg11[%swap3A_190, %swap3A_191] {strides = array<i32>} : memref<128x128xf32, #tpu.memory_space<vmem>>, vector<16xf32>,
          tpu.vector_store %arg11[%swap3A_190, %swap3A_191], %mul3A_187 {strides = array<i32>} : memref<128x128xf32, #tpu.memory_space<vmem>>, vector<16xf32>,
          %add3A_193 = arith.constant 7 : i32
          %add3A_194 = arith.addi %add3A_86, %add3A_193 : i32
          %get3A_195 = arith.index_cast %add3A_194 : i32 to index
          %get3A_196 = arith.constant 0 : index
          %get3A_197 = tpu.vector_load %arg11[%get3A_195, %get3A_196] {strides = array<i32>} : memref<128x128xf32, #tpu.memory_space<vmem>>, vector<16xf32>,
          %mul3A_198 = arith.mulf %get3A_197, %gather3A_117 : vector<16xf32>
          %add3A_199 = arith.constant 7 : i32
          %add3A_200 = arith.addi %add3A_86, %add3A_199 : i32
          %swap3A_201 = arith.index_cast %add3A_200 : i32 to index
          %swap3A_202 = arith.constant 0 : index
          %swap3A_203 = tpu.vector_load %arg11[%swap3A_201, %swap3A_202] {strides = array<i32>} : memref<128x128xf32, #tpu.memory_space<vmem>>, vector<16xf32>,
          tpu.vector_store %arg11[%swap3A_201, %swap3A_202], %mul3A_198 {strides = array<i32>} : memref<128x128xf32, #tpu.memory_space<vmem>>, vector<16xf32>,
          %add3A_204 = arith.constant 0 : i32
          %add3A_205 = arith.addi %add3A_86, %add3A_204 : i32
          %get3A_206 = arith.index_cast %add3A_205 : i32 to index
          %get3A_207 = arith.constant 16 : index
          %get3A_208 = tpu.vector_load %arg11[%get3A_206, %get3A_207] {strides = array<i32>} : memref<128x128xf32, #tpu.memory_space<vmem>>, vector<16xf32>,
          %mul3A_209 = arith.mulf %get3A_208, %gather3A : vector<16xf32>
          %add3A_210 = arith.constant 0 : i32
          %add3A_211 = arith.addi %add3A_86, %add3A_210 : i32
          %swap3A_212 = arith.index_cast %add3A_211 : i32 to index
          %swap3A_213 = arith.constant 16 : index
          %swap3A_214 = tpu.vector_load %arg11[%swap3A_212, %swap3A_213] {strides = array<i32>} : memref<128x128xf32, #tpu.memory_space<vmem>>, vector<16xf32>,
          tpu.vector_store %arg11[%swap3A_212, %swap3A_213], %mul3A_209 {strides = array<i32>} : memref<128x128xf32, #tpu.memory_space<vmem>>, vector<16xf32>,
          %add3A_215 = arith.constant 1 : i32
          %add3A_216 = arith.addi %add3A_86, %add3A_215 : i32
          %get3A_217 = arith.index_cast %add3A_216 : i32 to index
          %get3A_218 = arith.constant 16 : index
          %get3A_219 = tpu.vector_load %arg11[%get3A_217, %get3A_218] {strides = array<i32>} : memref<128x128xf32, #tpu.memory_space<vmem>>, vector<16xf32>,
          %mul3A_220 = arith.mulf %get3A_219, %gather3A_93 : vector<16xf32>
          %add3A_221 = arith.constant 1 : i32
          %add3A_222 = arith.addi %add3A_86, %add3A_221 : i32
          %swap3A_223 = arith.index_cast %add3A_222 : i32 to index
          %swap3A_224 = arith.constant 16 : index
          %swap3A_225 = tpu.vector_load %arg11[%swap3A_223, %swap3A_224] {strides = array<i32>} : memref<128x128xf32, #tpu.memory_space<vmem>>, vector<16xf32>,
          tpu.vector_store %arg11[%swap3A_223, %swap3A_224], %mul3A_220 {strides = array<i32>} : memref<128x128xf32, #tpu.memory_space<vmem>>, vector<16xf32>,
          %add3A_226 = arith.constant 2 : i32
          %add3A_227 = arith.addi %add3A_86, %add3A_226 : i32
          %get3A_228 = arith.index_cast %add3A_227 : i32 to index
          %get3A_229 = arith.constant 16 : index
          %get3A_230 = tpu.vector_load %arg11[%get3A_228, %get3A_229] {strides = array<i32>} : memref<128x128xf32, #tpu.memory_space<vmem>>, vector<16xf32>,
          %mul3A_231 = arith.mulf %get3A_230, %gather3A_97 : vector<16xf32>
          %add3A_232 = arith.constant 2 : i32
          %add3A_233 = arith.addi %add3A_86, %add3A_232 : i32
          %swap3A_234 = arith.index_cast %add3A_233 : i32 to index
          %swap3A_235 = arith.constant 16 : index
          %swap3A_236 = tpu.vector_load %arg11[%swap3A_234, %swap3A_235] {strides = array<i32>} : memref<128x128xf32, #tpu.memory_space<vmem>>, vector<16xf32>,
          tpu.vector_store %arg11[%swap3A_234, %swap3A_235], %mul3A_231 {strides = array<i32>} : memref<128x128xf32, #tpu.memory_space<vmem>>, vector<16xf32>,
          %add3A_237 = arith.constant 3 : i32
          %add3A_238 = arith.addi %add3A_86, %add3A_237 : i32
          %get3A_239 = arith.index_cast %add3A_238 : i32 to index
          %get3A_240 = arith.constant 16 : index
          %get3A_241 = tpu.vector_load %arg11[%get3A_239, %get3A_240] {strides = array<i32>} : memref<128x128xf32, #tpu.memory_space<vmem>>, vector<16xf32>,
          %mul3A_242 = arith.mulf %get3A_241, %gather3A_101 : vector<16xf32>
          %add3A_243 = arith.constant 3 : i32
          %add3A_244 = arith.addi %add3A_86, %add3A_243 : i32
          %swap3A_245 = arith.index_cast %add3A_244 : i32 to index
          %swap3A_246 = arith.constant 16 : index
          %swap3A_247 = tpu.vector_load %arg11[%swap3A_245, %swap3A_246] {strides = array<i32>} : memref<128x128xf32, #tpu.memory_space<vmem>>, vector<16xf32>,
          tpu.vector_store %arg11[%swap3A_245, %swap3A_246], %mul3A_242 {strides = array<i32>} : memref<128x128xf32, #tpu.memory_space<vmem>>, vector<16xf32>,
          %add3A_248 = arith.constant 4 : i32
          %add3A_249 = arith.addi %add3A_86, %add3A_248 : i32
          %get3A_250 = arith.index_cast %add3A_249 : i32 to index
          %get3A_251 = arith.constant 16 : index
          %get3A_252 = tpu.vector_load %arg11[%get3A_250, %get3A_251] {strides = array<i32>} : memref<128x128xf32, #tpu.memory_space<vmem>>, vector<16xf32>,
          %mul3A_253 = arith.mulf %get3A_252, %gather3A_105 : vector<16xf32>
          %add3A_254 = arith.constant 4 : i32
          %add3A_255 = arith.addi %add3A_86, %add3A_254 : i32
          %swap3A_256 = arith.index_cast %add3A_255 : i32 to index
          %swap3A_257 = arith.constant 16 : index
          %swap3A_258 = tpu.vector_load %arg11[%swap3A_256, %swap3A_257] {strides = array<i32>} : memref<128x128xf32, #tpu.memory_space<vmem>>, vector<16xf32>,
          tpu.vector_store %arg11[%swap3A_256, %swap3A_257], %mul3A_253 {strides = array<i32>} : memref<128x128xf32, #tpu.memory_space<vmem>>, vector<16xf32>,
          %add3A_259 = arith.constant 5 : i32
          %add3A_260 = arith.addi %add3A_86, %add3A_259 : i32
          %get3A_261 = arith.index_cast %add3A_260 : i32 to index
          %get3A_262 = arith.constant 16 : index
          %get3A_263 = tpu.vector_load %arg11[%get3A_261, %get3A_262] {strides = array<i32>} : memref<128x128xf32, #tpu.memory_space<vmem>>, vector<16xf32>,
          %mul3A_264 = arith.mulf %get3A_263, %gather3A_109 : vector<16xf32>
          %add3A_265 = arith.constant 5 : i32
          %add3A_266 = arith.addi %add3A_86, %add3A_265 : i32
          %swap3A_267 = arith.index_cast %add3A_266 : i32 to index
          %swap3A_268 = arith.constant 16 : index
          %swap3A_269 = tpu.vector_load %arg11[%swap3A_267, %swap3A_268] {strides = array<i32>} : memref<128x128xf32, #tpu.memory_space<vmem>>, vector<16xf32>,
          tpu.vector_store %arg11[%swap3A_267, %swap3A_268], %mul3A_264 {strides = array<i32>} : memref<128x128xf32, #tpu.memory_space<vmem>>, vector<16xf32>,
          %add3A_270 = arith.constant 6 : i32
          %add3A_271 = arith.addi %add3A_86, %add3A_270 : i32
          %get3A_272 = arith.index_cast %add3A_271 : i32 to index
          %get3A_273 = arith.constant 16 : index
          %get3A_274 = tpu.vector_load %arg11[%get3A_272, %get3A_273] {strides = array<i32>} : memref<128x128xf32, #tpu.memory_space<vmem>>, vector<16xf32>,
          %mul3A_275 = arith.mulf %get3A_274, %gather3A_113 : vector<16xf32>
          %add3A_276 = arith.constant 6 : i32
          %add3A_277 = arith.addi %add3A_86, %add3A_276 : i32
          %swap3A_278 = arith.index_cast %add3A_277 : i32 to index
          %swap3A_279 = arith.constant 16 : index
          %swap3A_280 = tpu.vector_load %arg11[%swap3A_278, %swap3A_279] {strides = array<i32>} : memref<128x128xf32, #tpu.memory_space<vmem>>, vector<16xf32>,
          tpu.vector_store %arg11[%swap3A_278, %swap3A_279], %mul3A_275 {strides = array<i32>} : memref<128x128xf32, #tpu.memory_space<vmem>>, vector<16xf32>,
          %add3A_281 = arith.constant 7 : i32
          %add3A_282 = arith.addi %add3A_86, %add3A_281 : i32
          %get3A_283 = arith.index_cast %add3A_282 : i32 to index
          %get3A_284 = arith.constant 16 : index
          %get3A_285 = tpu.vector_load %arg11[%get3A_283, %get3A_284] {strides = array<i32>} : memref<128x128xf32, #tpu.memory_space<vmem>>, vector<16xf32>,
          %mul3A_286 = arith.mulf %get3A_285, %gather3A_117 : vector<16xf32>
          %add3A_287 = arith.constant 7 : i32
          %add3A_288 = arith.addi %add3A_86, %add3A_287 : i32
          %swap3A_289 = arith.index_cast %add3A_288 : i32 to index
          %swap3A_290 = arith.constant 16 : index
          %swap3A_291 = tpu.vector_load %arg11[%swap3A_289, %swap3A_290] {strides = array<i32>} : memref<128x128xf32, #tpu.memory_space<vmem>>, vector<16xf32>,
          tpu.vector_store %arg11[%swap3A_289, %swap3A_290], %mul3A_286 {strides = array<i32>} : memref<128x128xf32, #tpu.memory_space<vmem>>, vector<16xf32>,
          %add3A_292 = arith.constant 0 : i32
          %add3A_293 = arith.addi %add3A_86, %add3A_292 : i32
          %get3A_294 = arith.index_cast %add3A_293 : i32 to index
          %get3A_295 = arith.constant 32 : index
          %get3A_296 = tpu.vector_load %arg11[%get3A_294, %get3A_295] {strides = array<i32>} : memref<128x128xf32, #tpu.memory_space<vmem>>, vector<16xf32>,
          %mul3A_297 = arith.mulf %get3A_296, %gather3A : vector<16xf32>
          %add3A_298 = arith.constant 0 : i32
          %add3A_299 = arith.addi %add3A_86, %add3A_298 : i32
          %swap3A_300 = arith.index_cast %add3A_299 : i32 to index
          %swap3A_301 = arith.constant 32 : index
          %swap3A_302 = tpu.vector_load %arg11[%swap3A_300, %swap3A_301] {strides = array<i32>} : memref<128x128xf32, #tpu.memory_space<vmem>>, vector<16xf32>,
          tpu.vector_store %arg11[%swap3A_300, %swap3A_301], %mul3A_297 {strides = array<i32>} : memref<128x128xf32, #tpu.memory_space<vmem>>, vector<16xf32>,
          %add3A_303 = arith.constant 1 : i32
          %add3A_304 = arith.addi %add3A_86, %add3A_303 : i32
          %get3A_305 = arith.index_cast %add3A_304 : i32 to index
          %get3A_306 = arith.constant 32 : index
          %get3A_307 = tpu.vector_load %arg11[%get3A_305, %get3A_306] {strides = array<i32>} : memref<128x128xf32, #tpu.memory_space<vmem>>, vector<16xf32>,
          %mul3A_308 = arith.mulf %get3A_307, %gather3A_93 : vector<16xf32>
          %add3A_309 = arith.constant 1 : i32
          %add3A_310 = arith.addi %add3A_86, %add3A_309 : i32
          %swap3A_311 = arith.index_cast %add3A_310 : i32 to index
          %swap3A_312 = arith.constant 32 : index
          %swap3A_313 = tpu.vector_load %arg11[%swap3A_311, %swap3A_312] {strides = array<i32>} : memref<128x128xf32, #tpu.memory_space<vmem>>, vector<16xf32>,
          tpu.vector_store %arg11[%swap3A_311, %swap3A_312], %mul3A_308 {strides = array<i32>} : memref<128x128xf32, #tpu.memory_space<vmem>>, vector<16xf32>,
          %add3A_314 = arith.constant 2 : i32
          %add3A_315 = arith.addi %add3A_86, %add3A_314 : i32
          %get3A_316 = arith.index_cast %add3A_315 : i32 to index
          %get3A_317 = arith.constant 32 : index
          %get3A_318 = tpu.vector_load %arg11[%get3A_316, %get3A_317] {strides = array<i32>} : memref<128x128xf32, #tpu.memory_space<vmem>>, vector<16xf32>,
          %mul3A_319 = arith.mulf %get3A_318, %gather3A_97 : vector<16xf32>
          %add3A_320 = arith.constant 2 : i32
          %add3A_321 = arith.addi %add3A_86, %add3A_320 : i32
          %swap3A_322 = arith.index_cast %add3A_321 : i32 to index
          %swap3A_323 = arith.constant 32 : index
          %swap3A_324 = tpu.vector_load %arg11[%swap3A_322, %swap3A_323] {strides = array<i32>} : memref<128x128xf32, #tpu.memory_space<vmem>>, vector<16xf32>,
          tpu.vector_store %arg11[%swap3A_322, %swap3A_323], %mul3A_319 {strides = array<i32>} : memref<128x128xf32, #tpu.memory_space<vmem>>, vector<16xf32>,
          %add3A_325 = arith.constant 3 : i32
          %add3A_326 = arith.addi %add3A_86, %add3A_325 : i32
          %get3A_327 = arith.index_cast %add3A_326 : i32 to index
          %get3A_328 = arith.constant 32 : index
          %get3A_329 = tpu.vector_load %arg11[%get3A_327, %get3A_328] {strides = array<i32>} : memref<128x128xf32, #tpu.memory_space<vmem>>, vector<16xf32>,
          %mul3A_330 = arith.mulf %get3A_329, %gather3A_101 : vector<16xf32>
          %add3A_331 = arith.constant 3 : i32
          %add3A_332 = arith.addi %add3A_86, %add3A_331 : i32
          %swap3A_333 = arith.index_cast %add3A_332 : i32 to index
          %swap3A_334 = arith.constant 32 : index
          %swap3A_335 = tpu.vector_load %arg11[%swap3A_333, %swap3A_334] {strides = array<i32>} : memref<128x128xf32, #tpu.memory_space<vmem>>, vector<16xf32>,
          tpu.vector_store %arg11[%swap3A_333, %swap3A_334], %mul3A_330 {strides = array<i32>} : memref<128x128xf32, #tpu.memory_space<vmem>>, vector<16xf32>,
          %add3A_336 = arith.constant 4 : i32
          %add3A_337 = arith.addi %add3A_86, %add3A_336 : i32
          %get3A_338 = arith.index_cast %add3A_337 : i32 to index
          %get3A_339 = arith.constant 32 : index
          %get3A_340 = tpu.vector_load %arg11[%get3A_338, %get3A_339] {strides = array<i32>} : memref<128x128xf32, #tpu.memory_space<vmem>>, vector<16xf32>,
          %mul3A_341 = arith.mulf %get3A_340, %gather3A_105 : vector<16xf32>
          %add3A_342 = arith.constant 4 : i32
          %add3A_343 = arith.addi %add3A_86, %add3A_342 : i32
          %swap3A_344 = arith.index_cast %add3A_343 : i32 to index
          %swap3A_345 = arith.constant 32 : index
          %swap3A_346 = tpu.vector_load %arg11[%swap3A_344, %swap3A_345] {strides = array<i32>} : memref<128x128xf32, #tpu.memory_space<vmem>>, vector<16xf32>,
          tpu.vector_store %arg11[%swap3A_344, %swap3A_345], %mul3A_341 {strides = array<i32>} : memref<128x128xf32, #tpu.memory_space<vmem>>, vector<16xf32>,
          %add3A_347 = arith.constant 5 : i32
          %add3A_348 = arith.addi %add3A_86, %add3A_347 : i32
          %get3A_349 = arith.index_cast %add3A_348 : i32 to index
          %get3A_350 = arith.constant 32 : index
          %get3A_351 = tpu.vector_load %arg11[%get3A_349, %get3A_350] {strides = array<i32>} : memref<128x128xf32, #tpu.memory_space<vmem>>, vector<16xf32>,
          %mul3A_352 = arith.mulf %get3A_351, %gather3A_109 : vector<16xf32>
          %add3A_353 = arith.constant 5 : i32
          %add3A_354 = arith.addi %add3A_86, %add3A_353 : i32
          %swap3A_355 = arith.index_cast %add3A_354 : i32 to index
          %swap3A_356 = arith.constant 32 : index
          %swap3A_357 = tpu.vector_load %arg11[%swap3A_355, %swap3A_356] {strides = array<i32>} : memref<128x128xf32, #tpu.memory_space<vmem>>, vector<16xf32>,
          tpu.vector_store %arg11[%swap3A_355, %swap3A_356], %mul3A_352 {strides = array<i32>} : memref<128x128xf32, #tpu.memory_space<vmem>>, vector<16xf32>,
          %add3A_358 = arith.constant 6 : i32
          %add3A_359 = arith.addi %add3A_86, %add3A_358 : i32
          %get3A_360 = arith.index_cast %add3A_359 : i32 to index
          %get3A_361 = arith.constant 32 : index
          %get3A_362 = tpu.vector_load %arg11[%get3A_360, %get3A_361] {strides = array<i32>} : memref<128x128xf32, #tpu.memory_space<vmem>>, vector<16xf32>,
          %mul3A_363 = arith.mulf %get3A_362, %gather3A_113 : vector<16xf32>
          %add3A_364 = arith.constant 6 : i32
          %add3A_365 = arith.addi %add3A_86, %add3A_364 : i32
          %swap3A_366 = arith.index_cast %add3A_365 : i32 to index
          %swap3A_367 = arith.constant 32 : index
          %swap3A_368 = tpu.vector_load %arg11[%swap3A_366, %swap3A_367] {strides = array<i32>} : memref<128x128xf32, #tpu.memory_space<vmem>>, vector<16xf32>,
          tpu.vector_store %arg11[%swap3A_366, %swap3A_367], %mul3A_363 {strides = array<i32>} : memref<128x128xf32, #tpu.memory_space<vmem>>, vector<16xf32>,
          %add3A_369 = arith.constant 7 : i32
          %add3A_370 = arith.addi %add3A_86, %add3A_369 : i32
          %get3A_371 = arith.index_cast %add3A_370 : i32 to index
          %get3A_372 = arith.constant 32 : index
          %get3A_373 = tpu.vector_load %arg11[%get3A_371, %get3A_372] {strides = array<i32>} : memref<128x128xf32, #tpu.memory_space<vmem>>, vector<16xf32>,
          %mul3A_374 = arith.mulf %get3A_373, %gather3A_117 : vector<16xf32>
          %add3A_375 = arith.constant 7 : i32
          %add3A_376 = arith.addi %add3A_86, %add3A_375 : i32
          %swap3A_377 = arith.index_cast %add3A_376 : i32 to index
          %swap3A_378 = arith.constant 32 : index
          %swap3A_379 = tpu.vector_load %arg11[%swap3A_377, %swap3A_378] {strides = array<i32>} : memref<128x128xf32, #tpu.memory_space<vmem>>, vector<16xf32>,
          tpu.vector_store %arg11[%swap3A_377, %swap3A_378], %mul3A_374 {strides = array<i32>} : memref<128x128xf32, #tpu.memory_space<vmem>>, vector<16xf32>,
          %add3A_380 = arith.constant 0 : i32
          %add3A_381 = arith.addi %add3A_86, %add3A_380 : i32
          %get3A_382 = arith.index_cast %add3A_381 : i32 to index
          %get3A_383 = arith.constant 48 : index
          %get3A_384 = tpu.vector_load %arg11[%get3A_382, %get3A_383] {strides = array<i32>} : memref<128x128xf32, #tpu.memory_space<vmem>>, vector<16xf32>,
          %mul3A_385 = arith.mulf %get3A_384, %gather3A : vector<16xf32>
          %add3A_386 = arith.constant 0 : i32
          %add3A_387 = arith.addi %add3A_86, %add3A_386 : i32
          %swap3A_388 = arith.index_cast %add3A_387 : i32 to index
          %swap3A_389 = arith.constant 48 : index
          %swap3A_390 = tpu.vector_load %arg11[%swap3A_388, %swap3A_389] {strides = array<i32>} : memref<128x128xf32, #tpu.memory_space<vmem>>, vector<16xf32>,
          tpu.vector_store %arg11[%swap3A_388, %swap3A_389], %mul3A_385 {strides = array<i32>} : memref<128x128xf32, #tpu.memory_space<vmem>>, vector<16xf32>,
          %add3A_391 = arith.constant 1 : i32
          %add3A_392 = arith.addi %add3A_86, %add3A_391 : i32
          %get3A_393 = arith.index_cast %add3A_392 : i32 to index
          %get3A_394 = arith.constant 48 : index
          %get3A_395 = tpu.vector_load %arg11[%get3A_393, %get3A_394] {strides = array<i32>} : memref<128x128xf32, #tpu.memory_space<vmem>>, vector<16xf32>,
          %mul3A_396 = arith.mulf %get3A_395, %gather3A_93 : vector<16xf32>
          %add3A_397 = arith.constant 1 : i32
          %add3A_398 = arith.addi %add3A_86, %add3A_397 : i32
          %swap3A_399 = arith.index_cast %add3A_398 : i32 to index
          %swap3A_400 = arith.constant 48 : index
          %swap3A_401 = tpu.vector_load %arg11[%swap3A_399, %swap3A_400] {strides = array<i32>} : memref<128x128xf32, #tpu.memory_space<vmem>>, vector<16xf32>,
          tpu.vector_store %arg11[%swap3A_399, %swap3A_400], %mul3A_396 {strides = array<i32>} : memref<128x128xf32, #tpu.memory_space<vmem>>, vector<16xf32>,
          %add3A_402 = arith.constant 2 : i32
          %add3A_403 = arith.addi %add3A_86, %add3A_402 : i32
          %get3A_404 = arith.index_cast %add3A_403 : i32 to index
          %get3A_405 = arith.constant 48 : index
          %get3A_406 = tpu.vector_load %arg11[%get3A_404, %get3A_405] {strides = array<i32>} : memref<128x128xf32, #tpu.memory_space<vmem>>, vector<16xf32>,
          %mul3A_407 = arith.mulf %get3A_406, %gather3A_97 : vector<16xf32>
          %add3A_408 = arith.constant 2 : i32
          %add3A_409 = arith.addi %add3A_86, %add3A_408 : i32
          %swap3A_410 = arith.index_cast %add3A_409 : i32 to index
          %swap3A_411 = arith.constant 48 : index
          %swap3A_412 = tpu.vector_load %arg11[%swap3A_410, %swap3A_411] {strides = array<i32>} : memref<128x128xf32, #tpu.memory_space<vmem>>, vector<16xf32>,
          tpu.vector_store %arg11[%swap3A_410, %swap3A_411], %mul3A_407 {strides = array<i32>} : memref<128x128xf32, #tpu.memory_space<vmem>>, vector<16xf32>,
          %add3A_413 = arith.constant 3 : i32
          %add3A_414 = arith.addi %add3A_86, %add3A_413 : i32
          %get3A_415 = arith.index_cast %add3A_414 : i32 to index
          %get3A_416 = arith.constant 48 : index
          %get3A_417 = tpu.vector_load %arg11[%get3A_415, %get3A_416] {strides = array<i32>} : memref<128x128xf32, #tpu.memory_space<vmem>>, vector<16xf32>,
          %mul3A_418 = arith.mulf %get3A_417, %gather3A_101 : vector<16xf32>
          %add3A_419 = arith.constant 3 : i32
          %add3A_420 = arith.addi %add3A_86, %add3A_419 : i32
          %swap3A_421 = arith.index_cast %add3A_420 : i32 to index
          %swap3A_422 = arith.constant 48 : index
          %swap3A_423 = tpu.vector_load %arg11[%swap3A_421, %swap3A_422] {strides = array<i32>} : memref<128x128xf32, #tpu.memory_space<vmem>>, vector<16xf32>,
          tpu.vector_store %arg11[%swap3A_421, %swap3A_422], %mul3A_418 {strides = array<i32>} : memref<128x128xf32, #tpu.memory_space<vmem>>, vector<16xf32>,
          %add3A_424 = arith.constant 4 : i32
          %add3A_425 = arith.addi %add3A_86, %add3A_424 : i32
          %get3A_426 = arith.index_cast %add3A_425 : i32 to index
          %get3A_427 = arith.constant 48 : index
          %get3A_428 = tpu.vector_load %arg11[%get3A_426, %get3A_427] {strides = array<i32>} : memref<128x128xf32, #tpu.memory_space<vmem>>, vector<16xf32>,
          %mul3A_429 = arith.mulf %get3A_428, %gather3A_105 : vector<16xf32>
          %add3A_430 = arith.constant 4 : i32
          %add3A_431 = arith.addi %add3A_86, %add3A_430 : i32
          %swap3A_432 = arith.index_cast %add3A_431 : i32 to index
          %swap3A_433 = arith.constant 48 : index
          %swap3A_434 = tpu.vector_load %arg11[%swap3A_432, %swap3A_433] {strides = array<i32>} : memref<128x128xf32, #tpu.memory_space<vmem>>, vector<16xf32>,
          tpu.vector_store %arg11[%swap3A_432, %swap3A_433], %mul3A_429 {strides = array<i32>} : memref<128x128xf32, #tpu.memory_space<vmem>>, vector<16xf32>,
          %add3A_435 = arith.constant 5 : i32
          %add3A_436 = arith.addi %add3A_86, %add3A_435 : i32
          %get3A_437 = arith.index_cast %add3A_436 : i32 to index
          %get3A_438 = arith.constant 48 : index
          %get3A_439 = tpu.vector_load %arg11[%get3A_437, %get3A_438] {strides = array<i32>} : memref<128x128xf32, #tpu.memory_space<vmem>>, vector<16xf32>,
          %mul3A_440 = arith.mulf %get3A_439, %gather3A_109 : vector<16xf32>
          %add3A_441 = arith.constant 5 : i32
          %add3A_442 = arith.addi %add3A_86, %add3A_441 : i32
          %swap3A_443 = arith.index_cast %add3A_442 : i32 to index
          %swap3A_444 = arith.constant 48 : index
          %swap3A_445 = tpu.vector_load %arg11[%swap3A_443, %swap3A_444] {strides = array<i32>} : memref<128x128xf32, #tpu.memory_space<vmem>>, vector<16xf32>,
          tpu.vector_store %arg11[%swap3A_443, %swap3A_444], %mul3A_440 {strides = array<i32>} : memref<128x128xf32, #tpu.memory_space<vmem>>, vector<16xf32>,
          %add3A_446 = arith.constant 6 : i32
          %add3A_447 = arith.addi %add3A_86, %add3A_446 : i32
          %get3A_448 = arith.index_cast %add3A_447 : i32 to index
          %get3A_449 = arith.constant 48 : index
          %get3A_450 = tpu.vector_load %arg11[%get3A_448, %get3A_449] {strides = array<i32>} : memref<128x128xf32, #tpu.memory_space<vmem>>, vector<16xf32>,
          %mul3A_451 = arith.mulf %get3A_450, %gather3A_113 : vector<16xf32>
          %add3A_452 = arith.constant 6 : i32
          %add3A_453 = arith.addi %add3A_86, %add3A_452 : i32
          %swap3A_454 = arith.index_cast %add3A_453 : i32 to index
          %swap3A_455 = arith.constant 48 : index
          %swap3A_456 = tpu.vector_load %arg11[%swap3A_454, %swap3A_455] {strides = array<i32>} : memref<128x128xf32, #tpu.memory_space<vmem>>, vector<16xf32>,
          tpu.vector_store %arg11[%swap3A_454, %swap3A_455], %mul3A_451 {strides = array<i32>} : memref<128x128xf32, #tpu.memory_space<vmem>>, vector<16xf32>,
          %add3A_457 = arith.constant 7 : i32
          %add3A_458 = arith.addi %add3A_86, %add3A_457 : i32
          %get3A_459 = arith.index_cast %add3A_458 : i32 to index
          %get3A_460 = arith.constant 48 : index
          %get3A_461 = tpu.vector_load %arg11[%get3A_459, %get3A_460] {strides = array<i32>} : memref<128x128xf32, #tpu.memory_space<vmem>>, vector<16xf32>,
          %mul3A_462 = arith.mulf %get3A_461, %gather3A_117 : vector<16xf32>
          %add3A_463 = arith.constant 7 : i32
          %add3A_464 = arith.addi %add3A_86, %add3A_463 : i32
          %swap3A_465 = arith.index_cast %add3A_464 : i32 to index
          %swap3A_466 = arith.constant 48 : index
          %swap3A_467 = tpu.vector_load %arg11[%swap3A_465, %swap3A_466] {strides = array<i32>} : memref<128x128xf32, #tpu.memory_space<vmem>>, vector<16xf32>,
          tpu.vector_store %arg11[%swap3A_465, %swap3A_466], %mul3A_462 {strides = array<i32>} : memref<128x128xf32, #tpu.memory_space<vmem>>, vector<16xf32>,
          %add3A_468 = arith.constant 0 : i32
          %add3A_469 = arith.addi %add3A_86, %add3A_468 : i32
          %get3A_470 = arith.index_cast %add3A_469 : i32 to index
          %get3A_471 = arith.constant 64 : index
          %get3A_472 = tpu.vector_load %arg11[%get3A_470, %get3A_471] {strides = array<i32>} : memref<128x128xf32, #tpu.memory_space<vmem>>, vector<16xf32>,
          %mul3A_473 = arith.mulf %get3A_472, %gather3A : vector<16xf32>
          %add3A_474 = arith.constant 0 : i32
          %add3A_475 = arith.addi %add3A_86, %add3A_474 : i32
          %swap3A_476 = arith.index_cast %add3A_475 : i32 to index
          %swap3A_477 = arith.constant 64 : index
          %swap3A_478 = tpu.vector_load %arg11[%swap3A_476, %swap3A_477] {strides = array<i32>} : memref<128x128xf32, #tpu.memory_space<vmem>>, vector<16xf32>,
          tpu.vector_store %arg11[%swap3A_476, %swap3A_477], %mul3A_473 {strides = array<i32>} : memref<128x128xf32, #tpu.memory_space<vmem>>, vector<16xf32>,
          %add3A_479 = arith.constant 1 : i32
          %add3A_480 = arith.addi %add3A_86, %add3A_479 : i32
          %get3A_481 = arith.index_cast %add3A_480 : i32 to index
          %get3A_482 = arith.constant 64 : index
          %get3A_483 = tpu.vector_load %arg11[%get3A_481, %get3A_482] {strides = array<i32>} : memref<128x128xf32, #tpu.memory_space<vmem>>, vector<16xf32>,
          %mul3A_484 = arith.mulf %get3A_483, %gather3A_93 : vector<16xf32>
          %add3A_485 = arith.constant 1 : i32
          %add3A_486 = arith.addi %add3A_86, %add3A_485 : i32
          %swap3A_487 = arith.index_cast %add3A_486 : i32 to index
          %swap3A_488 = arith.constant 64 : index
          %swap3A_489 = tpu.vector_load %arg11[%swap3A_487, %swap3A_488] {strides = array<i32>} : memref<128x128xf32, #tpu.memory_space<vmem>>, vector<16xf32>,
          tpu.vector_store %arg11[%swap3A_487, %swap3A_488], %mul3A_484 {strides = array<i32>} : memref<128x128xf32, #tpu.memory_space<vmem>>, vector<16xf32>,
          %add3A_490 = arith.constant 2 : i32
          %add3A_491 = arith.addi %add3A_86, %add3A_490 : i32
          %get3A_492 = arith.index_cast %add3A_491 : i32 to index
          %get3A_493 = arith.constant 64 : index
          %get3A_494 = tpu.vector_load %arg11[%get3A_492, %get3A_493] {strides = array<i32>} : memref<128x128xf32, #tpu.memory_space<vmem>>, vector<16xf32>,
          %mul3A_495 = arith.mulf %get3A_494, %gather3A_97 : vector<16xf32>
          %add3A_496 = arith.constant 2 : i32
          %add3A_497 = arith.addi %add3A_86, %add3A_496 : i32
          %swap3A_498 = arith.index_cast %add3A_497 : i32 to index
          %swap3A_499 = arith.constant 64 : index
          %swap3A_500 = tpu.vector_load %arg11[%swap3A_498, %swap3A_499] {strides = array<i32>} : memref<128x128xf32, #tpu.memory_space<vmem>>, vector<16xf32>,
          tpu.vector_store %arg11[%swap3A_498, %swap3A_499], %mul3A_495 {strides = array<i32>} : memref<128x128xf32, #tpu.memory_space<vmem>>, vector<16xf32>,
          %add3A_501 = arith.constant 3 : i32
          %add3A_502 = arith.addi %add3A_86, %add3A_501 : i32
          %get3A_503 = arith.index_cast %add3A_502 : i32 to index
          %get3A_504 = arith.constant 64 : index
          %get3A_505 = tpu.vector_load %arg11[%get3A_503, %get3A_504] {strides = array<i32>} : memref<128x128xf32, #tpu.memory_space<vmem>>, vector<16xf32>,
          %mul3A_506 = arith.mulf %get3A_505, %gather3A_101 : vector<16xf32>
          %add3A_507 = arith.constant 3 : i32
          %add3A_508 = arith.addi %add3A_86, %add3A_507 : i32
          %swap3A_509 = arith.index_cast %add3A_508 : i32 to index
          %swap3A_510 = arith.constant 64 : index
          %swap3A_511 = tpu.vector_load %arg11[%swap3A_509, %swap3A_510] {strides = array<i32>} : memref<128x128xf32, #tpu.memory_space<vmem>>, vector<16xf32>,
          tpu.vector_store %arg11[%swap3A_509, %swap3A_510], %mul3A_506 {strides = array<i32>} : memref<128x128xf32, #tpu.memory_space<vmem>>, vector<16xf32>,
          %add3A_512 = arith.constant 4 : i32
          %add3A_513 = arith.addi %add3A_86, %add3A_512 : i32
          %get3A_514 = arith.index_cast %add3A_513 : i32 to index
          %get3A_515 = arith.constant 64 : index
          %get3A_516 = tpu.vector_load %arg11[%get3A_514, %get3A_515] {strides = array<i32>} : memref<128x128xf32, #tpu.memory_space<vmem>>, vector<16xf32>,
          %mul3A_517 = arith.mulf %get3A_516, %gather3A_105 : vector<16xf32>
          %add3A_518 = arith.constant 4 : i32
          %add3A_519 = arith.addi %add3A_86, %add3A_518 : i32
          %swap3A_520 = arith.index_cast %add3A_519 : i32 to index
          %swap3A_521 = arith.constant 64 : index
          %swap3A_522 = tpu.vector_load %arg11[%swap3A_520, %swap3A_521] {strides = array<i32>} : memref<128x128xf32, #tpu.memory_space<vmem>>, vector<16xf32>,
          tpu.vector_store %arg11[%swap3A_520, %swap3A_521], %mul3A_517 {strides = array<i32>} : memref<128x128xf32, #tpu.memory_space<vmem>>, vector<16xf32>,
          %add3A_523 = arith.constant 5 : i32
          %add3A_524 = arith.addi %add3A_86, %add3A_523 : i32
          %get3A_525 = arith.index_cast %add3A_524 : i32 to index
          %get3A_526 = arith.constant 64 : index
          %get3A_527 = tpu.vector_load %arg11[%get3A_525, %get3A_526] {strides = array<i32>} : memref<128x128xf32, #tpu.memory_space<vmem>>, vector<16xf32>,
          %mul3A_528 = arith.mulf %get3A_527, %gather3A_109 : vector<16xf32>
          %add3A_529 = arith.constant 5 : i32
          %add3A_530 = arith.addi %add3A_86, %add3A_529 : i32
          %swap3A_531 = arith.index_cast %add3A_530 : i32 to index
          %swap3A_532 = arith.constant 64 : index
          %swap3A_533 = tpu.vector_load %arg11[%swap3A_531, %swap3A_532] {strides = array<i32>} : memref<128x128xf32, #tpu.memory_space<vmem>>, vector<16xf32>,
          tpu.vector_store %arg11[%swap3A_531, %swap3A_532], %mul3A_528 {strides = array<i32>} : memref<128x128xf32, #tpu.memory_space<vmem>>, vector<16xf32>,
          %add3A_534 = arith.constant 6 : i32
          %add3A_535 = arith.addi %add3A_86, %add3A_534 : i32
          %get3A_536 = arith.index_cast %add3A_535 : i32 to index
          %get3A_537 = arith.constant 64 : index
          %get3A_538 = tpu.vector_load %arg11[%get3A_536, %get3A_537] {strides = array<i32>} : memref<128x128xf32, #tpu.memory_space<vmem>>, vector<16xf32>,
          %mul3A_539 = arith.mulf %get3A_538, %gather3A_113 : vector<16xf32>
          %add3A_540 = arith.constant 6 : i32
          %add3A_541 = arith.addi %add3A_86, %add3A_540 : i32
          %swap3A_542 = arith.index_cast %add3A_541 : i32 to index
          %swap3A_543 = arith.constant 64 : index
          %swap3A_544 = tpu.vector_load %arg11[%swap3A_542, %swap3A_543] {strides = array<i32>} : memref<128x128xf32, #tpu.memory_space<vmem>>, vector<16xf32>,
          tpu.vector_store %arg11[%swap3A_542, %swap3A_543], %mul3A_539 {strides = array<i32>} : memref<128x128xf32, #tpu.memory_space<vmem>>, vector<16xf32>,
          %add3A_545 = arith.constant 7 : i32
          %add3A_546 = arith.addi %add3A_86, %add3A_545 : i32
          %get3A_547 = arith.index_cast %add3A_546 : i32 to index
          %get3A_548 = arith.constant 64 : index
          %get3A_549 = tpu.vector_load %arg11[%get3A_547, %get3A_548] {strides = array<i32>} : memref<128x128xf32, #tpu.memory_space<vmem>>, vector<16xf32>,
          %mul3A_550 = arith.mulf %get3A_549, %gather3A_117 : vector<16xf32>
          %add3A_551 = arith.constant 7 : i32
          %add3A_552 = arith.addi %add3A_86, %add3A_551 : i32
          %swap3A_553 = arith.index_cast %add3A_552 : i32 to index
          %swap3A_554 = arith.constant 64 : index
          %swap3A_555 = tpu.vector_load %arg11[%swap3A_553, %swap3A_554] {strides = array<i32>} : memref<128x128xf32, #tpu.memory_space<vmem>>, vector<16xf32>,
          tpu.vector_store %arg11[%swap3A_553, %swap3A_554], %mul3A_550 {strides = array<i32>} : memref<128x128xf32, #tpu.memory_space<vmem>>, vector<16xf32>,
          %add3A_556 = arith.constant 0 : i32
          %add3A_557 = arith.addi %add3A_86, %add3A_556 : i32
          %get3A_558 = arith.index_cast %add3A_557 : i32 to index
          %get3A_559 = arith.constant 80 : index
          %get3A_560 = tpu.vector_load %arg11[%get3A_558, %get3A_559] {strides = array<i32>} : memref<128x128xf32, #tpu.memory_space<vmem>>, vector<16xf32>,
          %mul3A_561 = arith.mulf %get3A_560, %gather3A : vector<16xf32>
          %add3A_562 = arith.constant 0 : i32
          %add3A_563 = arith.addi %add3A_86, %add3A_562 : i32
          %swap3A_564 = arith.index_cast %add3A_563 : i32 to index
          %swap3A_565 = arith.constant 80 : index
          %swap3A_566 = tpu.vector_load %arg11[%swap3A_564, %swap3A_565] {strides = array<i32>} : memref<128x128xf32, #tpu.memory_space<vmem>>, vector<16xf32>,
          tpu.vector_store %arg11[%swap3A_564, %swap3A_565], %mul3A_561 {strides = array<i32>} : memref<128x128xf32, #tpu.memory_space<vmem>>, vector<16xf32>,
          %add3A_567 = arith.constant 1 : i32
          %add3A_568 = arith.addi %add3A_86, %add3A_567 : i32
          %get3A_569 = arith.index_cast %add3A_568 : i32 to index
          %get3A_570 = arith.constant 80 : index
          %get3A_571 = tpu.vector_load %arg11[%get3A_569, %get3A_570] {strides = array<i32>} : memref<128x128xf32, #tpu.memory_space<vmem>>, vector<16xf32>,
          %mul3A_572 = arith.mulf %get3A_571, %gather3A_93 : vector<16xf32>
          %add3A_573 = arith.constant 1 : i32
          %add3A_574 = arith.addi %add3A_86, %add3A_573 : i32
          %swap3A_575 = arith.index_cast %add3A_574 : i32 to index
          %swap3A_576 = arith.constant 80 : index
          %swap3A_577 = tpu.vector_load %arg11[%swap3A_575, %swap3A_576] {strides = array<i32>} : memref<128x128xf32, #tpu.memory_space<vmem>>, vector<16xf32>,
          tpu.vector_store %arg11[%swap3A_575, %swap3A_576], %mul3A_572 {strides = array<i32>} : memref<128x128xf32, #tpu.memory_space<vmem>>, vector<16xf32>,
          %add3A_578 = arith.constant 2 : i32
          %add3A_579 = arith.addi %add3A_86, %add3A_578 : i32
          %get3A_580 = arith.index_cast %add3A_579 : i32 to index
          %get3A_581 = arith.constant 80 : index
          %get3A_582 = tpu.vector_load %arg11[%get3A_580, %get3A_581] {strides = array<i32>} : memref<128x128xf32, #tpu.memory_space<vmem>>, vector<16xf32>,
          %mul3A_583 = arith.mulf %get3A_582, %gather3A_97 : vector<16xf32>
          %add3A_584 = arith.constant 2 : i32
          %add3A_585 = arith.addi %add3A_86, %add3A_584 : i32
          %swap3A_586 = arith.index_cast %add3A_585 : i32 to index
          %swap3A_587 = arith.constant 80 : index
          %swap3A_588 = tpu.vector_load %arg11[%swap3A_586, %swap3A_587] {strides = array<i32>} : memref<128x128xf32, #tpu.memory_space<vmem>>, vector<16xf32>,
          tpu.vector_store %arg11[%swap3A_586, %swap3A_587], %mul3A_583 {strides = array<i32>} : memref<128x128xf32, #tpu.memory_space<vmem>>, vector<16xf32>,
          %add3A_589 = arith.constant 3 : i32
          %add3A_590 = arith.addi %add3A_86, %add3A_589 : i32
          %get3A_591 = arith.index_cast %add3A_590 : i32 to index
          %get3A_592 = arith.constant 80 : index
          %get3A_593 = tpu.vector_load %arg11[%get3A_591, %get3A_592] {strides = array<i32>} : memref<128x128xf32, #tpu.memory_space<vmem>>, vector<16xf32>,
          %mul3A_594 = arith.mulf %get3A_593, %gather3A_101 : vector<16xf32>
          %add3A_595 = arith.constant 3 : i32
          %add3A_596 = arith.addi %add3A_86, %add3A_595 : i32
          %swap3A_597 = arith.index_cast %add3A_596 : i32 to index
          %swap3A_598 = arith.constant 80 : index
          %swap3A_599 = tpu.vector_load %arg11[%swap3A_597, %swap3A_598] {strides = array<i32>} : memref<128x128xf32, #tpu.memory_space<vmem>>, vector<16xf32>,
          tpu.vector_store %arg11[%swap3A_597, %swap3A_598], %mul3A_594 {strides = array<i32>} : memref<128x128xf32, #tpu.memory_space<vmem>>, vector<16xf32>,
          %add3A_600 = arith.constant 4 : i32
          %add3A_601 = arith.addi %add3A_86, %add3A_600 : i32
          %get3A_602 = arith.index_cast %add3A_601 : i32 to index
          %get3A_603 = arith.constant 80 : index
          %get3A_604 = tpu.vector_load %arg11[%get3A_602, %get3A_603] {strides = array<i32>} : memref<128x128xf32, #tpu.memory_space<vmem>>, vector<16xf32>,
          %mul3A_605 = arith.mulf %get3A_604, %gather3A_105 : vector<16xf32>
          %add3A_606 = arith.constant 4 : i32
          %add3A_607 = arith.addi %add3A_86, %add3A_606 : i32
          %swap3A_608 = arith.index_cast %add3A_607 : i32 to index
          %swap3A_609 = arith.constant 80 : index
          %swap3A_610 = tpu.vector_load %arg11[%swap3A_608, %swap3A_609] {strides = array<i32>} : memref<128x128xf32, #tpu.memory_space<vmem>>, vector<16xf32>,
          tpu.vector_store %arg11[%swap3A_608, %swap3A_609], %mul3A_605 {strides = array<i32>} : memref<128x128xf32, #tpu.memory_space<vmem>>, vector<16xf32>,
          %add3A_611 = arith.constant 5 : i32
          %add3A_612 = arith.addi %add3A_86, %add3A_611 : i32
          %get3A_613 = arith.index_cast %add3A_612 : i32 to index
          %get3A_614 = arith.constant 80 : index
          %get3A_615 = tpu.vector_load %arg11[%get3A_613, %get3A_614] {strides = array<i32>} : memref<128x128xf32, #tpu.memory_space<vmem>>, vector<16xf32>,
          %mul3A_616 = arith.mulf %get3A_615, %gather3A_109 : vector<16xf32>
          %add3A_617 = arith.constant 5 : i32
          %add3A_618 = arith.addi %add3A_86, %add3A_617 : i32
          %swap3A_619 = arith.index_cast %add3A_618 : i32 to index
          %swap3A_620 = arith.constant 80 : index
          %swap3A_621 = tpu.vector_load %arg11[%swap3A_619, %swap3A_620] {strides = array<i32>} : memref<128x128xf32, #tpu.memory_space<vmem>>, vector<16xf32>,
          tpu.vector_store %arg11[%swap3A_619, %swap3A_620], %mul3A_616 {strides = array<i32>} : memref<128x128xf32, #tpu.memory_space<vmem>>, vector<16xf32>,
          %add3A_622 = arith.constant 6 : i32
          %add3A_623 = arith.addi %add3A_86, %add3A_622 : i32
          %get3A_624 = arith.index_cast %add3A_623 : i32 to index
          %get3A_625 = arith.constant 80 : index
          %get3A_626 = tpu.vector_load %arg11[%get3A_624, %get3A_625] {strides = array<i32>} : memref<128x128xf32, #tpu.memory_space<vmem>>, vector<16xf32>,
          %mul3A_627 = arith.mulf %get3A_626, %gather3A_113 : vector<16xf32>
          %add3A_628 = arith.constant 6 : i32
          %add3A_629 = arith.addi %add3A_86, %add3A_628 : i32
          %swap3A_630 = arith.index_cast %add3A_629 : i32 to index
          %swap3A_631 = arith.constant 80 : index
          %swap3A_632 = tpu.vector_load %arg11[%swap3A_630, %swap3A_631] {strides = array<i32>} : memref<128x128xf32, #tpu.memory_space<vmem>>, vector<16xf32>,
          tpu.vector_store %arg11[%swap3A_630, %swap3A_631], %mul3A_627 {strides = array<i32>} : memref<128x128xf32, #tpu.memory_space<vmem>>, vector<16xf32>,
          %add3A_633 = arith.constant 7 : i32
          %add3A_634 = arith.addi %add3A_86, %add3A_633 : i32
          %get3A_635 = arith.index_cast %add3A_634 : i32 to index
          %get3A_636 = arith.constant 80 : index
          %get3A_637 = tpu.vector_load %arg11[%get3A_635, %get3A_636] {strides = array<i32>} : memref<128x128xf32, #tpu.memory_space<vmem>>, vector<16xf32>,
          %mul3A_638 = arith.mulf %get3A_637, %gather3A_117 : vector<16xf32>
          %add3A_639 = arith.constant 7 : i32
          %add3A_640 = arith.addi %add3A_86, %add3A_639 : i32
          %swap3A_641 = arith.index_cast %add3A_640 : i32 to index
          %swap3A_642 = arith.constant 80 : index
          %swap3A_643 = tpu.vector_load %arg11[%swap3A_641, %swap3A_642] {strides = array<i32>} : memref<128x128xf32, #tpu.memory_space<vmem>>, vector<16xf32>,
          tpu.vector_store %arg11[%swap3A_641, %swap3A_642], %mul3A_638 {strides = array<i32>} : memref<128x128xf32, #tpu.memory_space<vmem>>, vector<16xf32>,
          %add3A_644 = arith.constant 0 : i32
          %add3A_645 = arith.addi %add3A_86, %add3A_644 : i32
          %get3A_646 = arith.index_cast %add3A_645 : i32 to index
          %get3A_647 = arith.constant 96 : index
          %get3A_648 = tpu.vector_load %arg11[%get3A_646, %get3A_647] {strides = array<i32>} : memref<128x128xf32, #tpu.memory_space<vmem>>, vector<16xf32>,
          %mul3A_649 = arith.mulf %get3A_648, %gather3A : vector<16xf32>
          %add3A_650 = arith.constant 0 : i32
          %add3A_651 = arith.addi %add3A_86, %add3A_650 : i32
          %swap3A_652 = arith.index_cast %add3A_651 : i32 to index
          %swap3A_653 = arith.constant 96 : index
          %swap3A_654 = tpu.vector_load %arg11[%swap3A_652, %swap3A_653] {strides = array<i32>} : memref<128x128xf32, #tpu.memory_space<vmem>>, vector<16xf32>,
          tpu.vector_store %arg11[%swap3A_652, %swap3A_653], %mul3A_649 {strides = array<i32>} : memref<128x128xf32, #tpu.memory_space<vmem>>, vector<16xf32>,
          %add3A_655 = arith.constant 1 : i32
          %add3A_656 = arith.addi %add3A_86, %add3A_655 : i32
          %get3A_657 = arith.index_cast %add3A_656 : i32 to index
          %get3A_658 = arith.constant 96 : index
          %get3A_659 = tpu.vector_load %arg11[%get3A_657, %get3A_658] {strides = array<i32>} : memref<128x128xf32, #tpu.memory_space<vmem>>, vector<16xf32>,
          %mul3A_660 = arith.mulf %get3A_659, %gather3A_93 : vector<16xf32>
          %add3A_661 = arith.constant 1 : i32
          %add3A_662 = arith.addi %add3A_86, %add3A_661 : i32
          %swap3A_663 = arith.index_cast %add3A_662 : i32 to index
          %swap3A_664 = arith.constant 96 : index
          %swap3A_665 = tpu.vector_load %arg11[%swap3A_663, %swap3A_664] {strides = array<i32>} : memref<128x128xf32, #tpu.memory_space<vmem>>, vector<16xf32>,
          tpu.vector_store %arg11[%swap3A_663, %swap3A_664], %mul3A_660 {strides = array<i32>} : memref<128x128xf32, #tpu.memory_space<vmem>>, vector<16xf32>,
          %add3A_666 = arith.constant 2 : i32
          %add3A_667 = arith.addi %add3A_86, %add3A_666 : i32
          %get3A_668 = arith.index_cast %add3A_667 : i32 to index
          %get3A_669 = arith.constant 96 : index
          %get3A_670 = tpu.vector_load %arg11[%get3A_668, %get3A_669] {strides = array<i32>} : memref<128x128xf32, #tpu.memory_space<vmem>>, vector<16xf32>,
          %mul3A_671 = arith.mulf %get3A_670, %gather3A_97 : vector<16xf32>
          %add3A_672 = arith.constant 2 : i32
          %add3A_673 = arith.addi %add3A_86, %add3A_672 : i32
          %swap3A_674 = arith.index_cast %add3A_673 : i32 to index
          %swap3A_675 = arith.constant 96 : index
          %swap3A_676 = tpu.vector_load %arg11[%swap3A_674, %swap3A_675] {strides = array<i32>} : memref<128x128xf32, #tpu.memory_space<vmem>>, vector<16xf32>,
          tpu.vector_store %arg11[%swap3A_674, %swap3A_675], %mul3A_671 {strides = array<i32>} : memref<128x128xf32, #tpu.memory_space<vmem>>, vector<16xf32>,
          %add3A_677 = arith.constant 3 : i32
          %add3A_678 = arith.addi %add3A_86, %add3A_677 : i32
          %get3A_679 = arith.index_cast %add3A_678 : i32 to index
          %get3A_680 = arith.constant 96 : index
          %get3A_681 = tpu.vector_load %arg11[%get3A_679, %get3A_680] {strides = array<i32>} : memref<128x128xf32, #tpu.memory_space<vmem>>, vector<16xf32>,
          %mul3A_682 = arith.mulf %get3A_681, %gather3A_101 : vector<16xf32>
          %add3A_683 = arith.constant 3 : i32
          %add3A_684 = arith.addi %add3A_86, %add3A_683 : i32
          %swap3A_685 = arith.index_cast %add3A_684 : i32 to index
          %swap3A_686 = arith.constant 96 : index
          %swap3A_687 = tpu.vector_load %arg11[%swap3A_685, %swap3A_686] {strides = array<i32>} : memref<128x128xf32, #tpu.memory_space<vmem>>, vector<16xf32>,
          tpu.vector_store %arg11[%swap3A_685, %swap3A_686], %mul3A_682 {strides = array<i32>} : memref<128x128xf32, #tpu.memory_space<vmem>>, vector<16xf32>,
          %add3A_688 = arith.constant 4 : i32
          %add3A_689 = arith.addi %add3A_86, %add3A_688 : i32
          %get3A_690 = arith.index_cast %add3A_689 : i32 to index
          %get3A_691 = arith.constant 96 : index
          %get3A_692 = tpu.vector_load %arg11[%get3A_690, %get3A_691] {strides = array<i32>} : memref<128x128xf32, #tpu.memory_space<vmem>>, vector<16xf32>,
          %mul3A_693 = arith.mulf %get3A_692, %gather3A_105 : vector<16xf32>
          %add3A_694 = arith.constant 4 : i32
          %add3A_695 = arith.addi %add3A_86, %add3A_694 : i32
          %swap3A_696 = arith.index_cast %add3A_695 : i32 to index
          %swap3A_697 = arith.constant 96 : index
          %swap3A_698 = tpu.vector_load %arg11[%swap3A_696, %swap3A_697] {strides = array<i32>} : memref<128x128xf32, #tpu.memory_space<vmem>>, vector<16xf32>,
          tpu.vector_store %arg11[%swap3A_696, %swap3A_697], %mul3A_693 {strides = array<i32>} : memref<128x128xf32, #tpu.memory_space<vmem>>, vector<16xf32>,
          %add3A_699 = arith.constant 5 : i32
          %add3A_700 = arith.addi %add3A_86, %add3A_699 : i32
          %get3A_701 = arith.index_cast %add3A_700 : i32 to index
          %get3A_702 = arith.constant 96 : index
          %get3A_703 = tpu.vector_load %arg11[%get3A_701, %get3A_702] {strides = array<i32>} : memref<128x128xf32, #tpu.memory_space<vmem>>, vector<16xf32>,
          %mul3A_704 = arith.mulf %get3A_703, %gather3A_109 : vector<16xf32>
          %add3A_705 = arith.constant 5 : i32
          %add3A_706 = arith.addi %add3A_86, %add3A_705 : i32
          %swap3A_707 = arith.index_cast %add3A_706 : i32 to index
          %swap3A_708 = arith.constant 96 : index
          %swap3A_709 = tpu.vector_load %arg11[%swap3A_707, %swap3A_708] {strides = array<i32>} : memref<128x128xf32, #tpu.memory_space<vmem>>, vector<16xf32>,
          tpu.vector_store %arg11[%swap3A_707, %swap3A_708], %mul3A_704 {strides = array<i32>} : memref<128x128xf32, #tpu.memory_space<vmem>>, vector<16xf32>,
          %add3A_710 = arith.constant 6 : i32
          %add3A_711 = arith.addi %add3A_86, %add3A_710 : i32
          %get3A_712 = arith.index_cast %add3A_711 : i32 to index
          %get3A_713 = arith.constant 96 : index
          %get3A_714 = tpu.vector_load %arg11[%get3A_712, %get3A_713] {strides = array<i32>} : memref<128x128xf32, #tpu.memory_space<vmem>>, vector<16xf32>,
          %mul3A_715 = arith.mulf %get3A_714, %gather3A_113 : vector<16xf32>
          %add3A_716 = arith.constant 6 : i32
          %add3A_717 = arith.addi %add3A_86, %add3A_716 : i32
          %swap3A_718 = arith.index_cast %add3A_717 : i32 to index
          %swap3A_719 = arith.constant 96 : index
          %swap3A_720 = tpu.vector_load %arg11[%swap3A_718, %swap3A_719] {strides = array<i32>} : memref<128x128xf32, #tpu.memory_space<vmem>>, vector<16xf32>,
          tpu.vector_store %arg11[%swap3A_718, %swap3A_719], %mul3A_715 {strides = array<i32>} : memref<128x128xf32, #tpu.memory_space<vmem>>, vector<16xf32>,
          %add3A_721 = arith.constant 7 : i32
          %add3A_722 = arith.addi %add3A_86, %add3A_721 : i32
          %get3A_723 = arith.index_cast %add3A_722 : i32 to index
          %get3A_724 = arith.constant 96 : index
          %get3A_725 = tpu.vector_load %arg11[%get3A_723, %get3A_724] {strides = array<i32>} : memref<128x128xf32, #tpu.memory_space<vmem>>, vector<16xf32>,
          %mul3A_726 = arith.mulf %get3A_725, %gather3A_117 : vector<16xf32>
          %add3A_727 = arith.constant 7 : i32
          %add3A_728 = arith.addi %add3A_86, %add3A_727 : i32
          %swap3A_729 = arith.index_cast %add3A_728 : i32 to index
          %swap3A_730 = arith.constant 96 : index
          %swap3A_731 = tpu.vector_load %arg11[%swap3A_729, %swap3A_730] {strides = array<i32>} : memref<128x128xf32, #tpu.memory_space<vmem>>, vector<16xf32>,
          tpu.vector_store %arg11[%swap3A_729, %swap3A_730], %mul3A_726 {strides = array<i32>} : memref<128x128xf32, #tpu.memory_space<vmem>>, vector<16xf32>,
          %add3A_732 = arith.constant 0 : i32
          %add3A_733 = arith.addi %add3A_86, %add3A_732 : i32
          %get3A_734 = arith.index_cast %add3A_733 : i32 to index
          %get3A_735 = arith.constant 112 : index
          %get3A_736 = tpu.vector_load %arg11[%get3A_734, %get3A_735] {strides = array<i32>} : memref<128x128xf32, #tpu.memory_space<vmem>>, vector<16xf32>,
          %mul3A_737 = arith.mulf %get3A_736, %gather3A : vector<16xf32>
          %add3A_738 = arith.constant 0 : i32
          %add3A_739 = arith.addi %add3A_86, %add3A_738 : i32
          %swap3A_740 = arith.index_cast %add3A_739 : i32 to index
          %swap3A_741 = arith.constant 112 : index
          %swap3A_742 = tpu.vector_load %arg11[%swap3A_740, %swap3A_741] {strides = array<i32>} : memref<128x128xf32, #tpu.memory_space<vmem>>, vector<16xf32>,
          tpu.vector_store %arg11[%swap3A_740, %swap3A_741], %mul3A_737 {strides = array<i32>} : memref<128x128xf32, #tpu.memory_space<vmem>>, vector<16xf32>,
          %add3A_743 = arith.constant 1 : i32
          %add3A_744 = arith.addi %add3A_86, %add3A_743 : i32
          %get3A_745 = arith.index_cast %add3A_744 : i32 to index
          %get3A_746 = arith.constant 112 : index
          %get3A_747 = tpu.vector_load %arg11[%get3A_745, %get3A_746] {strides = array<i32>} : memref<128x128xf32, #tpu.memory_space<vmem>>, vector<16xf32>,
          %mul3A_748 = arith.mulf %get3A_747, %gather3A_93 : vector<16xf32>
          %add3A_749 = arith.constant 1 : i32
          %add3A_750 = arith.addi %add3A_86, %add3A_749 : i32
          %swap3A_751 = arith.index_cast %add3A_750 : i32 to index
          %swap3A_752 = arith.constant 112 : index
          %swap3A_753 = tpu.vector_load %arg11[%swap3A_751, %swap3A_752] {strides = array<i32>} : memref<128x128xf32, #tpu.memory_space<vmem>>, vector<16xf32>,
          tpu.vector_store %arg11[%swap3A_751, %swap3A_752], %mul3A_748 {strides = array<i32>} : memref<128x128xf32, #tpu.memory_space<vmem>>, vector<16xf32>,
          %add3A_754 = arith.constant 2 : i32
          %add3A_755 = arith.addi %add3A_86, %add3A_754 : i32
          %get3A_756 = arith.index_cast %add3A_755 : i32 to index
          %get3A_757 = arith.constant 112 : index
          %get3A_758 = tpu.vector_load %arg11[%get3A_756, %get3A_757] {strides = array<i32>} : memref<128x128xf32, #tpu.memory_space<vmem>>, vector<16xf32>,
          %mul3A_759 = arith.mulf %get3A_758, %gather3A_97 : vector<16xf32>
          %add3A_760 = arith.constant 2 : i32
          %add3A_761 = arith.addi %add3A_86, %add3A_760 : i32
          %swap3A_762 = arith.index_cast %add3A_761 : i32 to index
          %swap3A_763 = arith.constant 112 : index
          %swap3A_764 = tpu.vector_load %arg11[%swap3A_762, %swap3A_763] {strides = array<i32>} : memref<128x128xf32, #tpu.memory_space<vmem>>, vector<16xf32>,
          tpu.vector_store %arg11[%swap3A_762, %swap3A_763], %mul3A_759 {strides = array<i32>} : memref<128x128xf32, #tpu.memory_space<vmem>>, vector<16xf32>,
          %add3A_765 = arith.constant 3 : i32
          %add3A_766 = arith.addi %add3A_86, %add3A_765 : i32
          %get3A_767 = arith.index_cast %add3A_766 : i32 to index
          %get3A_768 = arith.constant 112 : index
          %get3A_769 = tpu.vector_load %arg11[%get3A_767, %get3A_768] {strides = array<i32>} : memref<128x128xf32, #tpu.memory_space<vmem>>, vector<16xf32>,
          %mul3A_770 = arith.mulf %get3A_769, %gather3A_101 : vector<16xf32>
          %add3A_771 = arith.constant 3 : i32
          %add3A_772 = arith.addi %add3A_86, %add3A_771 : i32
          %swap3A_773 = arith.index_cast %add3A_772 : i32 to index
          %swap3A_774 = arith.constant 112 : index
          %swap3A_775 = tpu.vector_load %arg11[%swap3A_773, %swap3A_774] {strides = array<i32>} : memref<128x128xf32, #tpu.memory_space<vmem>>, vector<16xf32>,
          tpu.vector_store %arg11[%swap3A_773, %swap3A_774], %mul3A_770 {strides = array<i32>} : memref<128x128xf32, #tpu.memory_space<vmem>>, vector<16xf32>,
          %add3A_776 = arith.constant 4 : i32
          %add3A_777 = arith.addi %add3A_86, %add3A_776 : i32
          %get3A_778 = arith.index_cast %add3A_777 : i32 to index
          %get3A_779 = arith.constant 112 : index
          %get3A_780 = tpu.vector_load %arg11[%get3A_778, %get3A_779] {strides = array<i32>} : memref<128x128xf32, #tpu.memory_space<vmem>>, vector<16xf32>,
          %mul3A_781 = arith.mulf %get3A_780, %gather3A_105 : vector<16xf32>
          %add3A_782 = arith.constant 4 : i32
          %add3A_783 = arith.addi %add3A_86, %add3A_782 : i32
          %swap3A_784 = arith.index_cast %add3A_783 : i32 to index
          %swap3A_785 = arith.constant 112 : index
          %swap3A_786 = tpu.vector_load %arg11[%swap3A_784, %swap3A_785] {strides = array<i32>} : memref<128x128xf32, #tpu.memory_space<vmem>>, vector<16xf32>,
          tpu.vector_store %arg11[%swap3A_784, %swap3A_785], %mul3A_781 {strides = array<i32>} : memref<128x128xf32, #tpu.memory_space<vmem>>, vector<16xf32>,
          %add3A_787 = arith.constant 5 : i32
          %add3A_788 = arith.addi %add3A_86, %add3A_787 : i32
          %get3A_789 = arith.index_cast %add3A_788 : i32 to index
          %get3A_790 = arith.constant 112 : index
          %get3A_791 = tpu.vector_load %arg11[%get3A_789, %get3A_790] {strides = array<i32>} : memref<128x128xf32, #tpu.memory_space<vmem>>, vector<16xf32>,
          %mul3A_792 = arith.mulf %get3A_791, %gather3A_109 : vector<16xf32>
          %add3A_793 = arith.constant 5 : i32
          %add3A_794 = arith.addi %add3A_86, %add3A_793 : i32
          %swap3A_795 = arith.index_cast %add3A_794 : i32 to index
          %swap3A_796 = arith.constant 112 : index
          %swap3A_797 = tpu.vector_load %arg11[%swap3A_795, %swap3A_796] {strides = array<i32>} : memref<128x128xf32, #tpu.memory_space<vmem>>, vector<16xf32>,
          tpu.vector_store %arg11[%swap3A_795, %swap3A_796], %mul3A_792 {strides = array<i32>} : memref<128x128xf32, #tpu.memory_space<vmem>>, vector<16xf32>,
          %add3A_798 = arith.constant 6 : i32
          %add3A_799 = arith.addi %add3A_86, %add3A_798 : i32
          %get3A_800 = arith.index_cast %add3A_799 : i32 to index
          %get3A_801 = arith.constant 112 : index
          %get3A_802 = tpu.vector_load %arg11[%get3A_800, %get3A_801] {strides = array<i32>} : memref<128x128xf32, #tpu.memory_space<vmem>>, vector<16xf32>,
          %mul3A_803 = arith.mulf %get3A_802, %gather3A_113 : vector<16xf32>
          %add3A_804 = arith.constant 6 : i32
          %add3A_805 = arith.addi %add3A_86, %add3A_804 : i32
          %swap3A_806 = arith.index_cast %add3A_805 : i32 to index
          %swap3A_807 = arith.constant 112 : index
          %swap3A_808 = tpu.vector_load %arg11[%swap3A_806, %swap3A_807] {strides = array<i32>} : memref<128x128xf32, #tpu.memory_space<vmem>>, vector<16xf32>,
          tpu.vector_store %arg11[%swap3A_806, %swap3A_807], %mul3A_803 {strides = array<i32>} : memref<128x128xf32, #tpu.memory_space<vmem>>, vector<16xf32>,
          %add3A_809 = arith.constant 7 : i32
          %add3A_810 = arith.addi %add3A_86, %add3A_809 : i32
          %get3A_811 = arith.index_cast %add3A_810 : i32 to index
          %get3A_812 = arith.constant 112 : index
          %get3A_813 = tpu.vector_load %arg11[%get3A_811, %get3A_812] {strides = array<i32>} : memref<128x128xf32, #tpu.memory_space<vmem>>, vector<16xf32>,
          %mul3A_814 = arith.mulf %get3A_813, %gather3A_117 : vector<16xf32>
          %add3A_815 = arith.constant 7 : i32
          %add3A_816 = arith.addi %add3A_86, %add3A_815 : i32
          %swap3A_817 = arith.index_cast %add3A_816 : i32 to index
          %swap3A_818 = arith.constant 112 : index
          %swap3A_819 = tpu.vector_load %arg11[%swap3A_817, %swap3A_818] {strides = array<i32>} : memref<128x128xf32, #tpu.memory_space<vmem>>, vector<16xf32>,
          tpu.vector_store %arg11[%swap3A_817, %swap3A_818], %mul3A_814 {strides = array<i32>} : memref<128x128xf32, #tpu.memory_space<vmem>>, vector<16xf32>,
        }
        %scan3A_81 = arith.constant 16 : i32
        "tpu.region"() ({
          %run_scoped3A = tpu.sem_alloc : memref<!tpu.dma_semaphore, #tpu.memory_space<semaphore_mem>>
          %dma_start3A_82 = arith.constant 0 : i32
          %dma_start3A_83 = tpu.memref_slice %arg8[%add3A_76, %dma_start3A_82] : memref<16x128xi32, #tpu.memory_space<vmem>> -> memref<1x128xi32, #tpu.memory_space<vmem>>
          %dma_start3A_84 = tpu.memref_squeeze %dma_start3A_83 : memref<1x128xi32, #tpu.memory_space<vmem>> -> memref<128xi32, #tpu.memory_space<vmem>>
          %dma_start3A_85 = arith.constant 0 : i32
          %dma_start3A_86 = arith.constant 0 : i32
          %dma_start3A_87 = tpu.memref_slice %arg12[%dma_start3A_85, %dma_start3A_86] : memref<10240x128xf32, #tpu.memory_space<vmem_shared>> -> memref<10240x128xf32, #tpu.memory_space<vmem_shared>>
          tpu.enqueue_indirect_dma source(%arg11 : memref<128x128xf32, #tpu.memory_space<vmem>>) target(%dma_start3A_87 : memref<10240x128xf32, #tpu.memory_space<vmem_shared>>) offsets(%dma_start3A_84 : memref<128xi32, #tpu.memory_space<vmem>>) semaphore(%run_scoped3A : memref<!tpu.dma_semaphore, #tpu.memory_space<semaphore_mem>>) {add = true}
          %dma_wait3A_88 = arith.constant 0 : i32
          %dma_wait3A_89 = tpu.memref_slice %arg8[%add3A_76, %dma_wait3A_88] : memref<16x128xi32, #tpu.memory_space<vmem>> -> memref<1x128xi32, #tpu.memory_space<vmem>>
          %dma_wait3A_90 = tpu.memref_squeeze %dma_wait3A_89 : memref<1x128xi32, #tpu.memory_space<vmem>> -> memref<128xi32, #tpu.memory_space<vmem>>
          %dma_wait3A_91 = arith.constant 0 : i32
          %dma_wait3A_92 = arith.constant 0 : i32
          %dma_wait3A_93 = tpu.memref_slice %arg12[%dma_wait3A_91, %dma_wait3A_92] : memref<10240x128xf32, #tpu.memory_space<vmem_shared>> -> memref<10240x128xf32, #tpu.memory_space<vmem_shared>>
          tpu.wait_indirect_dma semaphore(%run_scoped3A : memref<!tpu.dma_semaphore, #tpu.memory_space<semaphore_mem>>) src(%arg11 : memref<128x128xf32, #tpu.memory_space<vmem>>) dst(%dma_wait3A_93 : memref<10240x128xf32, #tpu.memory_space<vmem_shared>>)
          tpu.yield
        }) : () -> ()
      }
      %scan3A_37 = arith.constant 8 : i32
    }
    %scan3A_18 = arith.constant 5 : i32
    %barrier3A_19 = arith.constant 0 : index
    tpu.barrier barrier_id(%barrier3A_19)
    "tpu.region"() ({
      %run_scoped3A = tpu.sem_alloc : memref<!tpu.dma_semaphore, #tpu.memory_space<semaphore_mem>>
      %dma_start3A = arith.constant 0 : i32
      %dma_start3A_20 = tpu.memref_slice %arg6[%arg0, %mul3A_2, %dma_start3A] : memref<2x10240x128xf32, #tpu.memory_space<hbm>> -> memref<1x640x128xf32, #tpu.memory_space<hbm>>
      %dma_start3A_21 = tpu.memref_squeeze %dma_start3A_20 : memref<1x640x128xf32, #tpu.memory_space<hbm>> -> memref<640x128xf32, #tpu.memory_space<hbm>>
      %dma_start3A_22 = arith.constant 0 : i32
      %dma_start3A_23 = tpu.memref_slice %arg12[%mul3A_2, %dma_start3A_22] : memref<10240x128xf32, #tpu.memory_space<vmem_shared>> -> memref<640x128xf32, #tpu.memory_space<vmem_shared>>
      tpu.enqueue_dma source(%dma_start3A_23 : memref<640x128xf32, #tpu.memory_space<vmem_shared>>) target(%dma_start3A_21 : memref<640x128xf32, #tpu.memory_space<hbm>>) target_semaphore(%run_scoped3A : memref<!tpu.dma_semaphore, #tpu.memory_space<semaphore_mem>>)
      %dma_wait3A = arith.constant 0 : i32
      %dma_wait3A_24 = tpu.memref_slice %arg6[%arg0, %mul3A_2, %dma_wait3A] : memref<2x10240x128xf32, #tpu.memory_space<hbm>> -> memref<1x640x128xf32, #tpu.memory_space<hbm>>
      %dma_wait3A_25 = tpu.memref_squeeze %dma_wait3A_24 : memref<1x640x128xf32, #tpu.memory_space<hbm>> -> memref<640x128xf32, #tpu.memory_space<hbm>>
      %dma_wait3A_26 = arith.constant 0 : i32
      %dma_wait3A_27 = tpu.memref_slice %arg12[%mul3A_2, %dma_wait3A_26] : memref<10240x128xf32, #tpu.memory_space<vmem_shared>> -> memref<640x128xf32, #tpu.memory_space<vmem_shared>>
      tpu.wait_dma2 semaphore(%run_scoped3A : memref<!tpu.dma_semaphore, #tpu.memory_space<semaphore_mem>>) src(%dma_wait3A_27 : memref<640x128xf32, #tpu.memory_space<vmem_shared>>) dst(%dma_wait3A_25 : memref<640x128xf32, #tpu.memory_space<hbm>>)
      tpu.yield
    }) : () -> ()
    return
  }
}

#map = affine_map<(d0, d1) -> (0, 0, 0)>
#map1 = affine_map<(d0, d1) -> (0, 0)>
module attributes {stable_mosaic.version = 14 : i64} {
  func.func @_deg_kernel(%arg0: i32, %arg1: i32, %arg2: memref<32x80x128xi32, #tpu.memory_space<hbm>>, %arg3: memref<32x80x128xf32, #tpu.memory_space<hbm>>, %arg4: memref<2x10240xf32, #tpu.memory_space<hbm>>, %arg5: memref<80x128xi32, #tpu.memory_space<vmem>>, %arg6: memref<80x128xf32, #tpu.memory_space<vmem>>, %arg7: memref<640xf32, #tpu.memory_space<vmem>>, %arg8: memref<10240xf32, #tpu.memory_space<vmem_shared>>, %arg9: memref<!tpu.dma_semaphore, #tpu.memory_space<semaphore_mem>>) attributes {dimension_semantics = [#tpu.dimension_semantics<core_parallel>, #tpu.dimension_semantics<subcore_parallel>], iteration_bounds = array<i64: 2, 16>, scalar_prefetch = 0 : i64, scratch_operands = 5 : i64, tpu.core_type = #tpu.core_type<sc_vector_subcore>, window_params = [{transform_indices = #map}, {transform_indices = #map}, {transform_indices = #map1}]} {
    %mul3A = arith.constant 2 : i32
    %mul3A_0 = arith.muli %arg1, %mul3A : i32
    %add3A = arith.addi %mul3A_0, %arg0 : i32
    %mul3A_1 = arith.constant 640 : i32
    %mul3A_2 = arith.muli %arg1, %mul3A_1 : i32
    %scan3A = arith.constant 0 : i32
    %scan3A_3 = arith.constant 40 : i32
    %scan3A_4 = arith.addi %scan3A, %scan3A_3 : i32
    %scan3A_5 = arith.constant 1 : i32
    scf.for %scan3A_13 = %scan3A to %scan3A_4 step %scan3A_5  : i32 {
      %mul3A_14 = arith.constant 16 : i32
      %mul3A_15 = arith.muli %scan3A_13, %mul3A_14 : i32
      %add3A_16 = arith.constant 0 : i32
      %add3A_17 = arith.addi %add3A_16, %mul3A_15 : i32
      %broadcast_in_dim3A = arith.constant 0.000000e+00 : f32
      %broadcast_in_dim3A_18 = vector.broadcast %broadcast_in_dim3A : f32 to vector<16xf32>
      %swap3A = arith.index_cast %add3A_17 : i32 to index
      %swap3A_19 = tpu.vector_load %arg7[%swap3A] {strides = array<i32>} : memref<640xf32, #tpu.memory_space<vmem>>, vector<16xf32>,
      %swap3A_20 = vector.shape_cast %swap3A_19 : vector<16xf32> to vector<16xf32>
      %swap3A_21 = vector.shape_cast %broadcast_in_dim3A_18 : vector<16xf32> to vector<16xf32>
      tpu.vector_store %arg7[%swap3A], %swap3A_21 {strides = array<i32>} : memref<640xf32, #tpu.memory_space<vmem>>, vector<16xf32>,
    }
    %scan3A_6 = arith.constant 40 : i32
    "tpu.region"() ({
      %run_scoped3A = tpu.sem_alloc : memref<!tpu.dma_semaphore, #tpu.memory_space<semaphore_mem>>
      %dma_start3A = tpu.memref_slice %arg8[%mul3A_2] : memref<10240xf32, #tpu.memory_space<vmem_shared>> -> memref<640xf32, #tpu.memory_space<vmem_shared>>
      %dma_start3A_13 = tpu.memref_slice %arg8[%mul3A_2] : memref<10240xf32, #tpu.memory_space<vmem_shared>> -> memref<640xf32, #tpu.memory_space<vmem_shared>>
      tpu.enqueue_dma source(%arg7 : memref<640xf32, #tpu.memory_space<vmem>>) target(%dma_start3A_13 : memref<640xf32, #tpu.memory_space<vmem_shared>>) target_semaphore(%run_scoped3A : memref<!tpu.dma_semaphore, #tpu.memory_space<semaphore_mem>>)
      %dma_wait3A = tpu.memref_slice %arg8[%mul3A_2] : memref<10240xf32, #tpu.memory_space<vmem_shared>> -> memref<640xf32, #tpu.memory_space<vmem_shared>>
      %dma_wait3A_14 = tpu.memref_slice %arg8[%mul3A_2] : memref<10240xf32, #tpu.memory_space<vmem_shared>> -> memref<640xf32, #tpu.memory_space<vmem_shared>>
      tpu.wait_dma2 semaphore(%run_scoped3A : memref<!tpu.dma_semaphore, #tpu.memory_space<semaphore_mem>>) src(%arg7 : memref<640xf32, #tpu.memory_space<vmem>>) dst(%dma_wait3A_14 : memref<640xf32, #tpu.memory_space<vmem_shared>>)
      tpu.yield
    }) : () -> ()
    "tpu.region"() ({
      %run_scoped3A = tpu.sem_alloc : memref<!tpu.dma_semaphore, #tpu.memory_space<semaphore_mem>>
      %dma_start3A = arith.constant 0 : i32
      %dma_start3A_13 = arith.constant 0 : i32
      %dma_start3A_14 = tpu.memref_slice %arg2[%add3A, %dma_start3A, %dma_start3A_13] : memref<32x80x128xi32, #tpu.memory_space<hbm>> -> memref<1x80x128xi32, #tpu.memory_space<hbm>>
      %dma_start3A_15 = tpu.memref_squeeze %dma_start3A_14 : memref<1x80x128xi32, #tpu.memory_space<hbm>> -> memref<80x128xi32, #tpu.memory_space<hbm>>
      %dma_start3A_16 = arith.constant 0 : i32
      %dma_start3A_17 = arith.constant 0 : i32
      %dma_start3A_18 = tpu.memref_slice %arg2[%add3A, %dma_start3A_16, %dma_start3A_17] : memref<32x80x128xi32, #tpu.memory_space<hbm>> -> memref<1x80x128xi32, #tpu.memory_space<hbm>>
      %dma_start3A_19 = tpu.memref_squeeze %dma_start3A_18 : memref<1x80x128xi32, #tpu.memory_space<hbm>> -> memref<80x128xi32, #tpu.memory_space<hbm>>
      tpu.enqueue_dma source(%dma_start3A_19 : memref<80x128xi32, #tpu.memory_space<hbm>>) target(%arg5 : memref<80x128xi32, #tpu.memory_space<vmem>>) target_semaphore(%run_scoped3A : memref<!tpu.dma_semaphore, #tpu.memory_space<semaphore_mem>>)
      %dma_wait3A = arith.constant 0 : i32
      %dma_wait3A_20 = arith.constant 0 : i32
      %dma_wait3A_21 = tpu.memref_slice %arg2[%add3A, %dma_wait3A, %dma_wait3A_20] : memref<32x80x128xi32, #tpu.memory_space<hbm>> -> memref<1x80x128xi32, #tpu.memory_space<hbm>>
      %dma_wait3A_22 = tpu.memref_squeeze %dma_wait3A_21 : memref<1x80x128xi32, #tpu.memory_space<hbm>> -> memref<80x128xi32, #tpu.memory_space<hbm>>
      %dma_wait3A_23 = arith.constant 0 : i32
      %dma_wait3A_24 = arith.constant 0 : i32
      %dma_wait3A_25 = tpu.memref_slice %arg2[%add3A, %dma_wait3A_23, %dma_wait3A_24] : memref<32x80x128xi32, #tpu.memory_space<hbm>> -> memref<1x80x128xi32, #tpu.memory_space<hbm>>
      %dma_wait3A_26 = tpu.memref_squeeze %dma_wait3A_25 : memref<1x80x128xi32, #tpu.memory_space<hbm>> -> memref<80x128xi32, #tpu.memory_space<hbm>>
      tpu.wait_dma2 semaphore(%run_scoped3A : memref<!tpu.dma_semaphore, #tpu.memory_space<semaphore_mem>>) src(%dma_wait3A_26 : memref<80x128xi32, #tpu.memory_space<hbm>>) dst(%arg5 : memref<80x128xi32, #tpu.memory_space<vmem>>)
      tpu.yield
    }) : () -> ()
    "tpu.region"() ({
      %run_scoped3A = tpu.sem_alloc : memref<!tpu.dma_semaphore, #tpu.memory_space<semaphore_mem>>
      %dma_start3A = arith.constant 0 : i32
      %dma_start3A_13 = arith.constant 0 : i32
      %dma_start3A_14 = tpu.memref_slice %arg3[%add3A, %dma_start3A, %dma_start3A_13] : memref<32x80x128xf32, #tpu.memory_space<hbm>> -> memref<1x80x128xf32, #tpu.memory_space<hbm>>
      %dma_start3A_15 = tpu.memref_squeeze %dma_start3A_14 : memref<1x80x128xf32, #tpu.memory_space<hbm>> -> memref<80x128xf32, #tpu.memory_space<hbm>>
      %dma_start3A_16 = arith.constant 0 : i32
      %dma_start3A_17 = arith.constant 0 : i32
      %dma_start3A_18 = tpu.memref_slice %arg3[%add3A, %dma_start3A_16, %dma_start3A_17] : memref<32x80x128xf32, #tpu.memory_space<hbm>> -> memref<1x80x128xf32, #tpu.memory_space<hbm>>
      %dma_start3A_19 = tpu.memref_squeeze %dma_start3A_18 : memref<1x80x128xf32, #tpu.memory_space<hbm>> -> memref<80x128xf32, #tpu.memory_space<hbm>>
      tpu.enqueue_dma source(%dma_start3A_19 : memref<80x128xf32, #tpu.memory_space<hbm>>) target(%arg6 : memref<80x128xf32, #tpu.memory_space<vmem>>) target_semaphore(%run_scoped3A : memref<!tpu.dma_semaphore, #tpu.memory_space<semaphore_mem>>)
      %dma_wait3A = arith.constant 0 : i32
      %dma_wait3A_20 = arith.constant 0 : i32
      %dma_wait3A_21 = tpu.memref_slice %arg3[%add3A, %dma_wait3A, %dma_wait3A_20] : memref<32x80x128xf32, #tpu.memory_space<hbm>> -> memref<1x80x128xf32, #tpu.memory_space<hbm>>
      %dma_wait3A_22 = tpu.memref_squeeze %dma_wait3A_21 : memref<1x80x128xf32, #tpu.memory_space<hbm>> -> memref<80x128xf32, #tpu.memory_space<hbm>>
      %dma_wait3A_23 = arith.constant 0 : i32
      %dma_wait3A_24 = arith.constant 0 : i32
      %dma_wait3A_25 = tpu.memref_slice %arg3[%add3A, %dma_wait3A_23, %dma_wait3A_24] : memref<32x80x128xf32, #tpu.memory_space<hbm>> -> memref<1x80x128xf32, #tpu.memory_space<hbm>>
      %dma_wait3A_26 = tpu.memref_squeeze %dma_wait3A_25 : memref<1x80x128xf32, #tpu.memory_space<hbm>> -> memref<80x128xf32, #tpu.memory_space<hbm>>
      tpu.wait_dma2 semaphore(%run_scoped3A : memref<!tpu.dma_semaphore, #tpu.memory_space<semaphore_mem>>) src(%dma_wait3A_26 : memref<80x128xf32, #tpu.memory_space<hbm>>) dst(%arg6 : memref<80x128xf32, #tpu.memory_space<vmem>>)
      tpu.yield
    }) : () -> ()
    %barrier3A = arith.constant 0 : index
    tpu.barrier barrier_id(%barrier3A)
    %scan3A_7 = arith.constant 0 : i32
    %scan3A_8 = arith.constant 10 : i32
    %scan3A_9 = arith.addi %scan3A_7, %scan3A_8 : i32
    %scan3A_10 = arith.constant 1 : i32
    scf.for %scan3A_13 = %scan3A_7 to %scan3A_9 step %scan3A_10  : i32 {
      %mul3A_14 = arith.constant 8 : i32
      %mul3A_15 = arith.muli %scan3A_13, %mul3A_14 : i32
      %add3A_16 = arith.constant 0 : i32
      %add3A_17 = arith.addi %add3A_16, %mul3A_15 : i32
      %add3A_18 = arith.constant 0 : i32
      %add3A_19 = arith.addi %add3A_17, %add3A_18 : i32
      %add3A_20 = arith.constant 0 : i32
      %add3A_21 = arith.addi %add3A_17, %add3A_20 : i32
      %dma_start3A = arith.constant 0 : i32
      %dma_start3A_22 = tpu.memref_slice %arg6[%add3A_19, %dma_start3A] : memref<80x128xf32, #tpu.memory_space<vmem>> -> memref<1x128xf32, #tpu.memory_space<vmem>>
      %dma_start3A_23 = tpu.memref_squeeze %dma_start3A_22 : memref<1x128xf32, #tpu.memory_space<vmem>> -> memref<128xf32, #tpu.memory_space<vmem>>
      %dma_start3A_24 = arith.constant 0 : i32
      %dma_start3A_25 = tpu.memref_slice %arg5[%add3A_21, %dma_start3A_24] : memref<80x128xi32, #tpu.memory_space<vmem>> -> memref<1x128xi32, #tpu.memory_space<vmem>>
      %dma_start3A_26 = tpu.memref_squeeze %dma_start3A_25 : memref<1x128xi32, #tpu.memory_space<vmem>> -> memref<128xi32, #tpu.memory_space<vmem>>
      %dma_start3A_27 = arith.constant 0 : i32
      %dma_start3A_28 = tpu.memref_slice %arg8[%dma_start3A_27] : memref<10240xf32, #tpu.memory_space<vmem_shared>> -> memref<10240xf32, #tpu.memory_space<vmem_shared>>
      tpu.enqueue_indirect_dma source(%dma_start3A_23 : memref<128xf32, #tpu.memory_space<vmem>>) target(%dma_start3A_28 : memref<10240xf32, #tpu.memory_space<vmem_shared>>) offsets(%dma_start3A_26 : memref<128xi32, #tpu.memory_space<vmem>>) semaphore(%arg9 : memref<!tpu.dma_semaphore, #tpu.memory_space<semaphore_mem>>) {add = true}
      %add3A_29 = arith.constant 1 : i32
      %add3A_30 = arith.addi %add3A_17, %add3A_29 : i32
      %add3A_31 = arith.constant 1 : i32
      %add3A_32 = arith.addi %add3A_17, %add3A_31 : i32
      %dma_start3A_33 = arith.constant 0 : i32
      %dma_start3A_34 = tpu.memref_slice %arg6[%add3A_30, %dma_start3A_33] : memref<80x128xf32, #tpu.memory_space<vmem>> -> memref<1x128xf32, #tpu.memory_space<vmem>>
      %dma_start3A_35 = tpu.memref_squeeze %dma_start3A_34 : memref<1x128xf32, #tpu.memory_space<vmem>> -> memref<128xf32, #tpu.memory_space<vmem>>
      %dma_start3A_36 = arith.constant 0 : i32
      %dma_start3A_37 = tpu.memref_slice %arg5[%add3A_32, %dma_start3A_36] : memref<80x128xi32, #tpu.memory_space<vmem>> -> memref<1x128xi32, #tpu.memory_space<vmem>>
      %dma_start3A_38 = tpu.memref_squeeze %dma_start3A_37 : memref<1x128xi32, #tpu.memory_space<vmem>> -> memref<128xi32, #tpu.memory_space<vmem>>
      %dma_start3A_39 = arith.constant 0 : i32
      %dma_start3A_40 = tpu.memref_slice %arg8[%dma_start3A_39] : memref<10240xf32, #tpu.memory_space<vmem_shared>> -> memref<10240xf32, #tpu.memory_space<vmem_shared>>
      tpu.enqueue_indirect_dma source(%dma_start3A_35 : memref<128xf32, #tpu.memory_space<vmem>>) target(%dma_start3A_40 : memref<10240xf32, #tpu.memory_space<vmem_shared>>) offsets(%dma_start3A_38 : memref<128xi32, #tpu.memory_space<vmem>>) semaphore(%arg9 : memref<!tpu.dma_semaphore, #tpu.memory_space<semaphore_mem>>) {add = true}
      %add3A_41 = arith.constant 2 : i32
      %add3A_42 = arith.addi %add3A_17, %add3A_41 : i32
      %add3A_43 = arith.constant 2 : i32
      %add3A_44 = arith.addi %add3A_17, %add3A_43 : i32
      %dma_start3A_45 = arith.constant 0 : i32
      %dma_start3A_46 = tpu.memref_slice %arg6[%add3A_42, %dma_start3A_45] : memref<80x128xf32, #tpu.memory_space<vmem>> -> memref<1x128xf32, #tpu.memory_space<vmem>>
      %dma_start3A_47 = tpu.memref_squeeze %dma_start3A_46 : memref<1x128xf32, #tpu.memory_space<vmem>> -> memref<128xf32, #tpu.memory_space<vmem>>
      %dma_start3A_48 = arith.constant 0 : i32
      %dma_start3A_49 = tpu.memref_slice %arg5[%add3A_44, %dma_start3A_48] : memref<80x128xi32, #tpu.memory_space<vmem>> -> memref<1x128xi32, #tpu.memory_space<vmem>>
      %dma_start3A_50 = tpu.memref_squeeze %dma_start3A_49 : memref<1x128xi32, #tpu.memory_space<vmem>> -> memref<128xi32, #tpu.memory_space<vmem>>
      %dma_start3A_51 = arith.constant 0 : i32
      %dma_start3A_52 = tpu.memref_slice %arg8[%dma_start3A_51] : memref<10240xf32, #tpu.memory_space<vmem_shared>> -> memref<10240xf32, #tpu.memory_space<vmem_shared>>
      tpu.enqueue_indirect_dma source(%dma_start3A_47 : memref<128xf32, #tpu.memory_space<vmem>>) target(%dma_start3A_52 : memref<10240xf32, #tpu.memory_space<vmem_shared>>) offsets(%dma_start3A_50 : memref<128xi32, #tpu.memory_space<vmem>>) semaphore(%arg9 : memref<!tpu.dma_semaphore, #tpu.memory_space<semaphore_mem>>) {add = true}
      %add3A_53 = arith.constant 3 : i32
      %add3A_54 = arith.addi %add3A_17, %add3A_53 : i32
      %add3A_55 = arith.constant 3 : i32
      %add3A_56 = arith.addi %add3A_17, %add3A_55 : i32
      %dma_start3A_57 = arith.constant 0 : i32
      %dma_start3A_58 = tpu.memref_slice %arg6[%add3A_54, %dma_start3A_57] : memref<80x128xf32, #tpu.memory_space<vmem>> -> memref<1x128xf32, #tpu.memory_space<vmem>>
      %dma_start3A_59 = tpu.memref_squeeze %dma_start3A_58 : memref<1x128xf32, #tpu.memory_space<vmem>> -> memref<128xf32, #tpu.memory_space<vmem>>
      %dma_start3A_60 = arith.constant 0 : i32
      %dma_start3A_61 = tpu.memref_slice %arg5[%add3A_56, %dma_start3A_60] : memref<80x128xi32, #tpu.memory_space<vmem>> -> memref<1x128xi32, #tpu.memory_space<vmem>>
      %dma_start3A_62 = tpu.memref_squeeze %dma_start3A_61 : memref<1x128xi32, #tpu.memory_space<vmem>> -> memref<128xi32, #tpu.memory_space<vmem>>
      %dma_start3A_63 = arith.constant 0 : i32
      %dma_start3A_64 = tpu.memref_slice %arg8[%dma_start3A_63] : memref<10240xf32, #tpu.memory_space<vmem_shared>> -> memref<10240xf32, #tpu.memory_space<vmem_shared>>
      tpu.enqueue_indirect_dma source(%dma_start3A_59 : memref<128xf32, #tpu.memory_space<vmem>>) target(%dma_start3A_64 : memref<10240xf32, #tpu.memory_space<vmem_shared>>) offsets(%dma_start3A_62 : memref<128xi32, #tpu.memory_space<vmem>>) semaphore(%arg9 : memref<!tpu.dma_semaphore, #tpu.memory_space<semaphore_mem>>) {add = true}
      %add3A_65 = arith.constant 4 : i32
      %add3A_66 = arith.addi %add3A_17, %add3A_65 : i32
      %add3A_67 = arith.constant 4 : i32
      %add3A_68 = arith.addi %add3A_17, %add3A_67 : i32
      %dma_start3A_69 = arith.constant 0 : i32
      %dma_start3A_70 = tpu.memref_slice %arg6[%add3A_66, %dma_start3A_69] : memref<80x128xf32, #tpu.memory_space<vmem>> -> memref<1x128xf32, #tpu.memory_space<vmem>>
      %dma_start3A_71 = tpu.memref_squeeze %dma_start3A_70 : memref<1x128xf32, #tpu.memory_space<vmem>> -> memref<128xf32, #tpu.memory_space<vmem>>
      %dma_start3A_72 = arith.constant 0 : i32
      %dma_start3A_73 = tpu.memref_slice %arg5[%add3A_68, %dma_start3A_72] : memref<80x128xi32, #tpu.memory_space<vmem>> -> memref<1x128xi32, #tpu.memory_space<vmem>>
      %dma_start3A_74 = tpu.memref_squeeze %dma_start3A_73 : memref<1x128xi32, #tpu.memory_space<vmem>> -> memref<128xi32, #tpu.memory_space<vmem>>
      %dma_start3A_75 = arith.constant 0 : i32
      %dma_start3A_76 = tpu.memref_slice %arg8[%dma_start3A_75] : memref<10240xf32, #tpu.memory_space<vmem_shared>> -> memref<10240xf32, #tpu.memory_space<vmem_shared>>
      tpu.enqueue_indirect_dma source(%dma_start3A_71 : memref<128xf32, #tpu.memory_space<vmem>>) target(%dma_start3A_76 : memref<10240xf32, #tpu.memory_space<vmem_shared>>) offsets(%dma_start3A_74 : memref<128xi32, #tpu.memory_space<vmem>>) semaphore(%arg9 : memref<!tpu.dma_semaphore, #tpu.memory_space<semaphore_mem>>) {add = true}
      %add3A_77 = arith.constant 5 : i32
      %add3A_78 = arith.addi %add3A_17, %add3A_77 : i32
      %add3A_79 = arith.constant 5 : i32
      %add3A_80 = arith.addi %add3A_17, %add3A_79 : i32
      %dma_start3A_81 = arith.constant 0 : i32
      %dma_start3A_82 = tpu.memref_slice %arg6[%add3A_78, %dma_start3A_81] : memref<80x128xf32, #tpu.memory_space<vmem>> -> memref<1x128xf32, #tpu.memory_space<vmem>>
      %dma_start3A_83 = tpu.memref_squeeze %dma_start3A_82 : memref<1x128xf32, #tpu.memory_space<vmem>> -> memref<128xf32, #tpu.memory_space<vmem>>
      %dma_start3A_84 = arith.constant 0 : i32
      %dma_start3A_85 = tpu.memref_slice %arg5[%add3A_80, %dma_start3A_84] : memref<80x128xi32, #tpu.memory_space<vmem>> -> memref<1x128xi32, #tpu.memory_space<vmem>>
      %dma_start3A_86 = tpu.memref_squeeze %dma_start3A_85 : memref<1x128xi32, #tpu.memory_space<vmem>> -> memref<128xi32, #tpu.memory_space<vmem>>
      %dma_start3A_87 = arith.constant 0 : i32
      %dma_start3A_88 = tpu.memref_slice %arg8[%dma_start3A_87] : memref<10240xf32, #tpu.memory_space<vmem_shared>> -> memref<10240xf32, #tpu.memory_space<vmem_shared>>
      tpu.enqueue_indirect_dma source(%dma_start3A_83 : memref<128xf32, #tpu.memory_space<vmem>>) target(%dma_start3A_88 : memref<10240xf32, #tpu.memory_space<vmem_shared>>) offsets(%dma_start3A_86 : memref<128xi32, #tpu.memory_space<vmem>>) semaphore(%arg9 : memref<!tpu.dma_semaphore, #tpu.memory_space<semaphore_mem>>) {add = true}
      %add3A_89 = arith.constant 6 : i32
      %add3A_90 = arith.addi %add3A_17, %add3A_89 : i32
      %add3A_91 = arith.constant 6 : i32
      %add3A_92 = arith.addi %add3A_17, %add3A_91 : i32
      %dma_start3A_93 = arith.constant 0 : i32
      %dma_start3A_94 = tpu.memref_slice %arg6[%add3A_90, %dma_start3A_93] : memref<80x128xf32, #tpu.memory_space<vmem>> -> memref<1x128xf32, #tpu.memory_space<vmem>>
      %dma_start3A_95 = tpu.memref_squeeze %dma_start3A_94 : memref<1x128xf32, #tpu.memory_space<vmem>> -> memref<128xf32, #tpu.memory_space<vmem>>
      %dma_start3A_96 = arith.constant 0 : i32
      %dma_start3A_97 = tpu.memref_slice %arg5[%add3A_92, %dma_start3A_96] : memref<80x128xi32, #tpu.memory_space<vmem>> -> memref<1x128xi32, #tpu.memory_space<vmem>>
      %dma_start3A_98 = tpu.memref_squeeze %dma_start3A_97 : memref<1x128xi32, #tpu.memory_space<vmem>> -> memref<128xi32, #tpu.memory_space<vmem>>
      %dma_start3A_99 = arith.constant 0 : i32
      %dma_start3A_100 = tpu.memref_slice %arg8[%dma_start3A_99] : memref<10240xf32, #tpu.memory_space<vmem_shared>> -> memref<10240xf32, #tpu.memory_space<vmem_shared>>
      tpu.enqueue_indirect_dma source(%dma_start3A_95 : memref<128xf32, #tpu.memory_space<vmem>>) target(%dma_start3A_100 : memref<10240xf32, #tpu.memory_space<vmem_shared>>) offsets(%dma_start3A_98 : memref<128xi32, #tpu.memory_space<vmem>>) semaphore(%arg9 : memref<!tpu.dma_semaphore, #tpu.memory_space<semaphore_mem>>) {add = true}
      %add3A_101 = arith.constant 7 : i32
      %add3A_102 = arith.addi %add3A_17, %add3A_101 : i32
      %add3A_103 = arith.constant 7 : i32
      %add3A_104 = arith.addi %add3A_17, %add3A_103 : i32
      %dma_start3A_105 = arith.constant 0 : i32
      %dma_start3A_106 = tpu.memref_slice %arg6[%add3A_102, %dma_start3A_105] : memref<80x128xf32, #tpu.memory_space<vmem>> -> memref<1x128xf32, #tpu.memory_space<vmem>>
      %dma_start3A_107 = tpu.memref_squeeze %dma_start3A_106 : memref<1x128xf32, #tpu.memory_space<vmem>> -> memref<128xf32, #tpu.memory_space<vmem>>
      %dma_start3A_108 = arith.constant 0 : i32
      %dma_start3A_109 = tpu.memref_slice %arg5[%add3A_104, %dma_start3A_108] : memref<80x128xi32, #tpu.memory_space<vmem>> -> memref<1x128xi32, #tpu.memory_space<vmem>>
      %dma_start3A_110 = tpu.memref_squeeze %dma_start3A_109 : memref<1x128xi32, #tpu.memory_space<vmem>> -> memref<128xi32, #tpu.memory_space<vmem>>
      %dma_start3A_111 = arith.constant 0 : i32
      %dma_start3A_112 = tpu.memref_slice %arg8[%dma_start3A_111] : memref<10240xf32, #tpu.memory_space<vmem_shared>> -> memref<10240xf32, #tpu.memory_space<vmem_shared>>
      tpu.enqueue_indirect_dma source(%dma_start3A_107 : memref<128xf32, #tpu.memory_space<vmem>>) target(%dma_start3A_112 : memref<10240xf32, #tpu.memory_space<vmem_shared>>) offsets(%dma_start3A_110 : memref<128xi32, #tpu.memory_space<vmem>>) semaphore(%arg9 : memref<!tpu.dma_semaphore, #tpu.memory_space<semaphore_mem>>) {add = true}
      %dma_wait3A = arith.constant 0 : i32
      %dma_wait3A_113 = arith.constant 0 : i32
      %dma_wait3A_114 = arith.constant 0 : i32
      %dma_wait3A_115 = tpu.memref_slice %arg6[%dma_wait3A, %dma_wait3A_114] : memref<80x128xf32, #tpu.memory_space<vmem>> -> memref<1x128xf32, #tpu.memory_space<vmem>>
      %dma_wait3A_116 = tpu.memref_squeeze %dma_wait3A_115 : memref<1x128xf32, #tpu.memory_space<vmem>> -> memref<128xf32, #tpu.memory_space<vmem>>
      %dma_wait3A_117 = arith.constant 0 : i32
      %dma_wait3A_118 = tpu.memref_slice %arg5[%dma_wait3A_113, %dma_wait3A_117] : memref<80x128xi32, #tpu.memory_space<vmem>> -> memref<1x128xi32, #tpu.memory_space<vmem>>
      %dma_wait3A_119 = tpu.memref_squeeze %dma_wait3A_118 : memref<1x128xi32, #tpu.memory_space<vmem>> -> memref<128xi32, #tpu.memory_space<vmem>>
      %dma_wait3A_120 = arith.constant 0 : i32
      %dma_wait3A_121 = tpu.memref_slice %arg8[%dma_wait3A_120] : memref<10240xf32, #tpu.memory_space<vmem_shared>> -> memref<10240xf32, #tpu.memory_space<vmem_shared>>
      tpu.wait_indirect_dma semaphore(%arg9 : memref<!tpu.dma_semaphore, #tpu.memory_space<semaphore_mem>>) src(%dma_wait3A_116 : memref<128xf32, #tpu.memory_space<vmem>>) dst(%dma_wait3A_121 : memref<10240xf32, #tpu.memory_space<vmem_shared>>)
      %dma_wait3A_122 = arith.constant 0 : i32
      %dma_wait3A_123 = arith.constant 0 : i32
      %dma_wait3A_124 = arith.constant 0 : i32
      %dma_wait3A_125 = tpu.memref_slice %arg6[%dma_wait3A_122, %dma_wait3A_124] : memref<80x128xf32, #tpu.memory_space<vmem>> -> memref<1x128xf32, #tpu.memory_space<vmem>>
      %dma_wait3A_126 = tpu.memref_squeeze %dma_wait3A_125 : memref<1x128xf32, #tpu.memory_space<vmem>> -> memref<128xf32, #tpu.memory_space<vmem>>
      %dma_wait3A_127 = arith.constant 0 : i32
      %dma_wait3A_128 = tpu.memref_slice %arg5[%dma_wait3A_123, %dma_wait3A_127] : memref<80x128xi32, #tpu.memory_space<vmem>> -> memref<1x128xi32, #tpu.memory_space<vmem>>
      %dma_wait3A_129 = tpu.memref_squeeze %dma_wait3A_128 : memref<1x128xi32, #tpu.memory_space<vmem>> -> memref<128xi32, #tpu.memory_space<vmem>>
      %dma_wait3A_130 = arith.constant 0 : i32
      %dma_wait3A_131 = tpu.memref_slice %arg8[%dma_wait3A_130] : memref<10240xf32, #tpu.memory_space<vmem_shared>> -> memref<10240xf32, #tpu.memory_space<vmem_shared>>
      tpu.wait_indirect_dma semaphore(%arg9 : memref<!tpu.dma_semaphore, #tpu.memory_space<semaphore_mem>>) src(%dma_wait3A_126 : memref<128xf32, #tpu.memory_space<vmem>>) dst(%dma_wait3A_131 : memref<10240xf32, #tpu.memory_space<vmem_shared>>)
      %dma_wait3A_132 = arith.constant 0 : i32
      %dma_wait3A_133 = arith.constant 0 : i32
      %dma_wait3A_134 = arith.constant 0 : i32
      %dma_wait3A_135 = tpu.memref_slice %arg6[%dma_wait3A_132, %dma_wait3A_134] : memref<80x128xf32, #tpu.memory_space<vmem>> -> memref<1x128xf32, #tpu.memory_space<vmem>>
      %dma_wait3A_136 = tpu.memref_squeeze %dma_wait3A_135 : memref<1x128xf32, #tpu.memory_space<vmem>> -> memref<128xf32, #tpu.memory_space<vmem>>
      %dma_wait3A_137 = arith.constant 0 : i32
      %dma_wait3A_138 = tpu.memref_slice %arg5[%dma_wait3A_133, %dma_wait3A_137] : memref<80x128xi32, #tpu.memory_space<vmem>> -> memref<1x128xi32, #tpu.memory_space<vmem>>
      %dma_wait3A_139 = tpu.memref_squeeze %dma_wait3A_138 : memref<1x128xi32, #tpu.memory_space<vmem>> -> memref<128xi32, #tpu.memory_space<vmem>>
      %dma_wait3A_140 = arith.constant 0 : i32
      %dma_wait3A_141 = tpu.memref_slice %arg8[%dma_wait3A_140] : memref<10240xf32, #tpu.memory_space<vmem_shared>> -> memref<10240xf32, #tpu.memory_space<vmem_shared>>
      tpu.wait_indirect_dma semaphore(%arg9 : memref<!tpu.dma_semaphore, #tpu.memory_space<semaphore_mem>>) src(%dma_wait3A_136 : memref<128xf32, #tpu.memory_space<vmem>>) dst(%dma_wait3A_141 : memref<10240xf32, #tpu.memory_space<vmem_shared>>)
      %dma_wait3A_142 = arith.constant 0 : i32
      %dma_wait3A_143 = arith.constant 0 : i32
      %dma_wait3A_144 = arith.constant 0 : i32
      %dma_wait3A_145 = tpu.memref_slice %arg6[%dma_wait3A_142, %dma_wait3A_144] : memref<80x128xf32, #tpu.memory_space<vmem>> -> memref<1x128xf32, #tpu.memory_space<vmem>>
      %dma_wait3A_146 = tpu.memref_squeeze %dma_wait3A_145 : memref<1x128xf32, #tpu.memory_space<vmem>> -> memref<128xf32, #tpu.memory_space<vmem>>
      %dma_wait3A_147 = arith.constant 0 : i32
      %dma_wait3A_148 = tpu.memref_slice %arg5[%dma_wait3A_143, %dma_wait3A_147] : memref<80x128xi32, #tpu.memory_space<vmem>> -> memref<1x128xi32, #tpu.memory_space<vmem>>
      %dma_wait3A_149 = tpu.memref_squeeze %dma_wait3A_148 : memref<1x128xi32, #tpu.memory_space<vmem>> -> memref<128xi32, #tpu.memory_space<vmem>>
      %dma_wait3A_150 = arith.constant 0 : i32
      %dma_wait3A_151 = tpu.memref_slice %arg8[%dma_wait3A_150] : memref<10240xf32, #tpu.memory_space<vmem_shared>> -> memref<10240xf32, #tpu.memory_space<vmem_shared>>
      tpu.wait_indirect_dma semaphore(%arg9 : memref<!tpu.dma_semaphore, #tpu.memory_space<semaphore_mem>>) src(%dma_wait3A_146 : memref<128xf32, #tpu.memory_space<vmem>>) dst(%dma_wait3A_151 : memref<10240xf32, #tpu.memory_space<vmem_shared>>)
      %dma_wait3A_152 = arith.constant 0 : i32
      %dma_wait3A_153 = arith.constant 0 : i32
      %dma_wait3A_154 = arith.constant 0 : i32
      %dma_wait3A_155 = tpu.memref_slice %arg6[%dma_wait3A_152, %dma_wait3A_154] : memref<80x128xf32, #tpu.memory_space<vmem>> -> memref<1x128xf32, #tpu.memory_space<vmem>>
      %dma_wait3A_156 = tpu.memref_squeeze %dma_wait3A_155 : memref<1x128xf32, #tpu.memory_space<vmem>> -> memref<128xf32, #tpu.memory_space<vmem>>
      %dma_wait3A_157 = arith.constant 0 : i32
      %dma_wait3A_158 = tpu.memref_slice %arg5[%dma_wait3A_153, %dma_wait3A_157] : memref<80x128xi32, #tpu.memory_space<vmem>> -> memref<1x128xi32, #tpu.memory_space<vmem>>
      %dma_wait3A_159 = tpu.memref_squeeze %dma_wait3A_158 : memref<1x128xi32, #tpu.memory_space<vmem>> -> memref<128xi32, #tpu.memory_space<vmem>>
      %dma_wait3A_160 = arith.constant 0 : i32
      %dma_wait3A_161 = tpu.memref_slice %arg8[%dma_wait3A_160] : memref<10240xf32, #tpu.memory_space<vmem_shared>> -> memref<10240xf32, #tpu.memory_space<vmem_shared>>
      tpu.wait_indirect_dma semaphore(%arg9 : memref<!tpu.dma_semaphore, #tpu.memory_space<semaphore_mem>>) src(%dma_wait3A_156 : memref<128xf32, #tpu.memory_space<vmem>>) dst(%dma_wait3A_161 : memref<10240xf32, #tpu.memory_space<vmem_shared>>)
      %dma_wait3A_162 = arith.constant 0 : i32
      %dma_wait3A_163 = arith.constant 0 : i32
      %dma_wait3A_164 = arith.constant 0 : i32
      %dma_wait3A_165 = tpu.memref_slice %arg6[%dma_wait3A_162, %dma_wait3A_164] : memref<80x128xf32, #tpu.memory_space<vmem>> -> memref<1x128xf32, #tpu.memory_space<vmem>>
      %dma_wait3A_166 = tpu.memref_squeeze %dma_wait3A_165 : memref<1x128xf32, #tpu.memory_space<vmem>> -> memref<128xf32, #tpu.memory_space<vmem>>
      %dma_wait3A_167 = arith.constant 0 : i32
      %dma_wait3A_168 = tpu.memref_slice %arg5[%dma_wait3A_163, %dma_wait3A_167] : memref<80x128xi32, #tpu.memory_space<vmem>> -> memref<1x128xi32, #tpu.memory_space<vmem>>
      %dma_wait3A_169 = tpu.memref_squeeze %dma_wait3A_168 : memref<1x128xi32, #tpu.memory_space<vmem>> -> memref<128xi32, #tpu.memory_space<vmem>>
      %dma_wait3A_170 = arith.constant 0 : i32
      %dma_wait3A_171 = tpu.memref_slice %arg8[%dma_wait3A_170] : memref<10240xf32, #tpu.memory_space<vmem_shared>> -> memref<10240xf32, #tpu.memory_space<vmem_shared>>
      tpu.wait_indirect_dma semaphore(%arg9 : memref<!tpu.dma_semaphore, #tpu.memory_space<semaphore_mem>>) src(%dma_wait3A_166 : memref<128xf32, #tpu.memory_space<vmem>>) dst(%dma_wait3A_171 : memref<10240xf32, #tpu.memory_space<vmem_shared>>)
      %dma_wait3A_172 = arith.constant 0 : i32
      %dma_wait3A_173 = arith.constant 0 : i32
      %dma_wait3A_174 = arith.constant 0 : i32
      %dma_wait3A_175 = tpu.memref_slice %arg6[%dma_wait3A_172, %dma_wait3A_174] : memref<80x128xf32, #tpu.memory_space<vmem>> -> memref<1x128xf32, #tpu.memory_space<vmem>>
      %dma_wait3A_176 = tpu.memref_squeeze %dma_wait3A_175 : memref<1x128xf32, #tpu.memory_space<vmem>> -> memref<128xf32, #tpu.memory_space<vmem>>
      %dma_wait3A_177 = arith.constant 0 : i32
      %dma_wait3A_178 = tpu.memref_slice %arg5[%dma_wait3A_173, %dma_wait3A_177] : memref<80x128xi32, #tpu.memory_space<vmem>> -> memref<1x128xi32, #tpu.memory_space<vmem>>
      %dma_wait3A_179 = tpu.memref_squeeze %dma_wait3A_178 : memref<1x128xi32, #tpu.memory_space<vmem>> -> memref<128xi32, #tpu.memory_space<vmem>>
      %dma_wait3A_180 = arith.constant 0 : i32
      %dma_wait3A_181 = tpu.memref_slice %arg8[%dma_wait3A_180] : memref<10240xf32, #tpu.memory_space<vmem_shared>> -> memref<10240xf32, #tpu.memory_space<vmem_shared>>
      tpu.wait_indirect_dma semaphore(%arg9 : memref<!tpu.dma_semaphore, #tpu.memory_space<semaphore_mem>>) src(%dma_wait3A_176 : memref<128xf32, #tpu.memory_space<vmem>>) dst(%dma_wait3A_181 : memref<10240xf32, #tpu.memory_space<vmem_shared>>)
      %dma_wait3A_182 = arith.constant 0 : i32
      %dma_wait3A_183 = arith.constant 0 : i32
      %dma_wait3A_184 = arith.constant 0 : i32
      %dma_wait3A_185 = tpu.memref_slice %arg6[%dma_wait3A_182, %dma_wait3A_184] : memref<80x128xf32, #tpu.memory_space<vmem>> -> memref<1x128xf32, #tpu.memory_space<vmem>>
      %dma_wait3A_186 = tpu.memref_squeeze %dma_wait3A_185 : memref<1x128xf32, #tpu.memory_space<vmem>> -> memref<128xf32, #tpu.memory_space<vmem>>
      %dma_wait3A_187 = arith.constant 0 : i32
      %dma_wait3A_188 = tpu.memref_slice %arg5[%dma_wait3A_183, %dma_wait3A_187] : memref<80x128xi32, #tpu.memory_space<vmem>> -> memref<1x128xi32, #tpu.memory_space<vmem>>
      %dma_wait3A_189 = tpu.memref_squeeze %dma_wait3A_188 : memref<1x128xi32, #tpu.memory_space<vmem>> -> memref<128xi32, #tpu.memory_space<vmem>>
      %dma_wait3A_190 = arith.constant 0 : i32
      %dma_wait3A_191 = tpu.memref_slice %arg8[%dma_wait3A_190] : memref<10240xf32, #tpu.memory_space<vmem_shared>> -> memref<10240xf32, #tpu.memory_space<vmem_shared>>
      tpu.wait_indirect_dma semaphore(%arg9 : memref<!tpu.dma_semaphore, #tpu.memory_space<semaphore_mem>>) src(%dma_wait3A_186 : memref<128xf32, #tpu.memory_space<vmem>>) dst(%dma_wait3A_191 : memref<10240xf32, #tpu.memory_space<vmem_shared>>)
    }
    %scan3A_11 = arith.constant 10 : i32
    %barrier3A_12 = arith.constant 0 : index
    tpu.barrier barrier_id(%barrier3A_12)
    "tpu.region"() ({
      %run_scoped3A = tpu.sem_alloc : memref<!tpu.dma_semaphore, #tpu.memory_space<semaphore_mem>>
      %dma_start3A = tpu.memref_slice %arg4[%arg0, %mul3A_2] : memref<2x10240xf32, #tpu.memory_space<hbm>> -> memref<1x640xf32, #tpu.memory_space<hbm>>
      %dma_start3A_13 = tpu.memref_squeeze %dma_start3A : memref<1x640xf32, #tpu.memory_space<hbm>> -> memref<640xf32, #tpu.memory_space<hbm>>
      %dma_start3A_14 = tpu.memref_slice %arg8[%mul3A_2] : memref<10240xf32, #tpu.memory_space<vmem_shared>> -> memref<640xf32, #tpu.memory_space<vmem_shared>>
      tpu.enqueue_dma source(%dma_start3A_14 : memref<640xf32, #tpu.memory_space<vmem_shared>>) target(%dma_start3A_13 : memref<640xf32, #tpu.memory_space<hbm>>) target_semaphore(%run_scoped3A : memref<!tpu.dma_semaphore, #tpu.memory_space<semaphore_mem>>)
      %dma_wait3A = tpu.memref_slice %arg4[%arg0, %mul3A_2] : memref<2x10240xf32, #tpu.memory_space<hbm>> -> memref<1x640xf32, #tpu.memory_space<hbm>>
      %dma_wait3A_15 = tpu.memref_squeeze %dma_wait3A : memref<1x640xf32, #tpu.memory_space<hbm>> -> memref<640xf32, #tpu.memory_space<hbm>>
      %dma_wait3A_16 = tpu.memref_slice %arg8[%mul3A_2] : memref<10240xf32, #tpu.memory_space<vmem_shared>> -> memref<640xf32, #tpu.memory_space<vmem_shared>>
      tpu.wait_dma2 semaphore(%run_scoped3A : memref<!tpu.dma_semaphore, #tpu.memory_space<semaphore_mem>>) src(%dma_wait3A_16 : memref<640xf32, #tpu.memory_space<vmem_shared>>) dst(%dma_wait3A_15 : memref<640xf32, #tpu.memory_space<hbm>>)
      tpu.yield
    }) : () -> ()
    return
  }
}

module attributes {stable_mosaic.version = 14 : i64} {
  func.func @_hs_body(%arg0: i32, %arg1: memref<1024x128xf32, #tpu.memory_space<vmem>>, %arg2: memref<128x128xf32, #tpu.memory_space<vmem>>, %arg3: memref<2x1024xf32, #tpu.memory_space<vmem>>, %arg4: memref<1024x128xf32, #tpu.memory_space<vmem>>) attributes {dimension_semantics = [#tpu.dimension_semantics<arbitrary>], iteration_bounds = array<i64: 10>, scalar_prefetch = 0 : i64, scratch_operands = 0 : i64, tpu.core_type = #tpu.core_type<tc>, window_params = [{transform_indices = @transform_0, window_bounds = array<i64: 1024, 128>}, {pipeline_mode = #tpu.pipeline_mode<synchronous>, transform_indices = @transform_1, window_bounds = array<i64: 128, 128>}, {transform_indices = @transform_2, window_bounds = array<i64: 2, 1024>}, {transform_indices = @transform_3, window_bounds = array<i64: 1024, 128>}]} {
    %get3A = arith.constant 0 : index
    %get3A_0 = arith.constant 0 : index
    %get3A_1 = vector.load %arg3[%get3A, %get3A_0] : memref<2x1024xf32, #tpu.memory_space<vmem>>, vector<1x1024xf32>
    %get3A_2 = vector.shape_cast %get3A_1 : vector<1x1024xf32> to vector<1024xf32>
    %get3A_3 = arith.constant 1 : index
    %get3A_4 = arith.constant 0 : index
    %get3A_5 = vector.load %arg3[%get3A_3, %get3A_4] : memref<2x1024xf32, #tpu.memory_space<vmem>>, vector<1x1024xf32>
    %get3A_6 = vector.shape_cast %get3A_5 : vector<1x1024xf32> to vector<1024xf32>
    %add3A = arith.addf %get3A_2, %get3A_6 : vector<1024xf32>
    %add3A_7 = arith.constant 1.000000e+00 : f32
    %add3A_8 = vector.broadcast %add3A_7 : f32 to vector<1024xf32>
    %add3A_9 = arith.addf %add3A, %add3A_8 : vector<1024xf32>
    %rsqrt3A = math.rsqrt %add3A_9 : vector<1024xf32>
    %get3A_10 = arith.constant 0 : index
    %get3A_11 = arith.constant 0 : index
    %get3A_12 = vector.load %arg1[%get3A_10, %get3A_11] : memref<1024x128xf32, #tpu.memory_space<vmem>>, vector<1024x128xf32>
    %get3A_13 = arith.constant 0 : index
    %get3A_14 = arith.constant 0 : index
    %get3A_15 = vector.load %arg2[%get3A_13, %get3A_14] : memref<128x128xf32, #tpu.memory_space<vmem>>, vector<128x128xf32>
    %dot_general3A = arith.constant dense<0.000000e+00> : vector<1024x128xf32>
    %dot_general3A_16 = tpu.matmul %get3A_12, %get3A_15, %dot_general3A {dimension_numbers = #tpu.dot_dimension_numbers<[1], [0], [0], [1], [0, 0, 1, 1], [], []>, transpose_lhs_hint = false} : vector<1024x128xf32>, vector<128x128xf32>, vector<1024x128xf32> -> vector<1024x128xf32>
    %broadcast_in_dim3A = vector.shape_cast %rsqrt3A : vector<1024xf32> to vector<1024x1xf32>
    %mul3A = vector.broadcast %broadcast_in_dim3A : vector<1024x1xf32> to vector<1024x128xf32>
    %mul3A_17 = arith.mulf %dot_general3A_16, %mul3A : vector<1024x128xf32>
    %swap3A = arith.constant 0 : index
    %swap3A_18 = arith.constant 0 : index
    %swap3A_19 = vector.load %arg4[%swap3A, %swap3A_18] : memref<1024x128xf32, #tpu.memory_space<vmem>>, vector<1024x128xf32>
    tpu.vector_store %arg4[%swap3A, %swap3A_18], %mul3A_17 {strides = array<i32>} : memref<1024x128xf32, #tpu.memory_space<vmem>>, vector<1024x128xf32>,
    return
  }
  func.func @transform_0(%arg0: i32) -> (i32, i32) {
    %c0_i32 = arith.constant 0 : i32
    %c0_i32_0 = arith.constant 0 : i32
    return %arg0, %c0_i32 : i32, i32
  }
  func.func @transform_1(%arg0: i32) -> (i32, i32) {
    %c0_i32 = arith.constant 0 : i32
    %c0_i32_0 = arith.constant 0 : i32
    %c0_i32_1 = arith.constant 0 : i32
    return %c0_i32, %c0_i32_0 : i32, i32
  }
  func.func @transform_2(%arg0: i32) -> (i32, i32) {
    %c0_i32 = arith.constant 0 : i32
    %c0_i32_0 = arith.constant 0 : i32
    return %c0_i32, %arg0 : i32, i32
  }
  func.func @transform_3(%arg0: i32) -> (i32, i32) {
    %c0_i32 = arith.constant 0 : i32
    %c0_i32_0 = arith.constant 0 : i32
    return %arg0, %c0_i32 : i32, i32
  }
}

module attributes {stable_mosaic.version = 14 : i64} {
  func.func @_pool_body(%arg0: i32, %arg1: memref<2x1024x128xf32, #tpu.memory_space<vmem>>, %arg2: memref<2x1024xf32, #tpu.memory_space<vmem>>, %arg3: memref<1x1x1024xi32, #tpu.memory_space<vmem>>, %arg4: memref<1x128xf32, #tpu.memory_space<vmem>>, %arg5: memref<128x64xf32, #tpu.memory_space<vmem>>, %arg6: memref<1x64xf32, #tpu.memory_space<vmem>>, %arg7: memref<64x64xf32, #tpu.memory_space<vmem>>, %arg8: memref<64x128xf32, #tpu.memory_space<vmem>>, %arg9: memref<64x1xf32, #tpu.memory_space<vmem>>) attributes {dimension_semantics = [#tpu.dimension_semantics<arbitrary>], iteration_bounds = array<i64: 10>, scalar_prefetch = 0 : i64, scratch_operands = 2 : i64, tpu.core_type = #tpu.core_type<tc>, window_params = [{transform_indices = @transform_0, window_bounds = array<i64: 2, 1024, 128>}, {transform_indices = @transform_1, window_bounds = array<i64: 2, 1024>}, {transform_indices = @transform_2, window_bounds = array<i64: 1, 1, 1024>}, {pipeline_mode = #tpu.pipeline_mode<synchronous>, transform_indices = @transform_3, window_bounds = array<i64: 1, 128>}, {pipeline_mode = #tpu.pipeline_mode<synchronous>, transform_indices = @transform_4, window_bounds = array<i64: 128, 64>}, {pipeline_mode = #tpu.pipeline_mode<synchronous>, transform_indices = @transform_5, window_bounds = array<i64: 1, 64>}, {pipeline_mode = #tpu.pipeline_mode<synchronous>, transform_indices = @transform_6, window_bounds = array<i64: 64, 64>}]} {
    %eq3A = arith.constant 0 : i32
    %eq3A_0 = arith.cmpi eq, %arg0, %eq3A : i32
    %convert_element_type3A = arith.extui %eq3A_0 : i1 to i32
    %cond3A = arith.constant 0 : i32
    %cond3A_1 = arith.cmpi ne, %convert_element_type3A, %cond3A : i32
    scf.if %cond3A_1 {
      %broadcast_in_dim3A_64 = arith.constant 0.000000e+00 : f32
      %broadcast_in_dim3A_65 = vector.broadcast %broadcast_in_dim3A_64 : f32 to vector<64x128xf32>
      %swap3A_66 = arith.constant 0 : index
      %swap3A_67 = arith.constant 0 : index
      %swap3A_68 = vector.load %arg8[%swap3A_66, %swap3A_67] : memref<64x128xf32, #tpu.memory_space<vmem>>, vector<64x128xf32>
      tpu.vector_store %arg8[%swap3A_66, %swap3A_67], %broadcast_in_dim3A_65 {strides = array<i32>} : memref<64x128xf32, #tpu.memory_space<vmem>>, vector<64x128xf32>,
      %broadcast_in_dim3A_69 = arith.constant 0.000000e+00 : f32
      %broadcast_in_dim3A_70 = vector.broadcast %broadcast_in_dim3A_69 : f32 to vector<64x1xf32>
      %swap3A_71 = arith.constant 0 : index
      %swap3A_72 = arith.constant 0 : index
      %swap3A_73 = vector.load %arg9[%swap3A_71, %swap3A_72] : memref<64x1xf32, #tpu.memory_space<vmem>>, vector<64x1xf32>
      tpu.vector_store %arg9[%swap3A_71, %swap3A_72], %broadcast_in_dim3A_70 {strides = array<i32>} : memref<64x1xf32, #tpu.memory_space<vmem>>, vector<64x1xf32>,
    } else {
    }
    %get3A = arith.constant 0 : index
    %get3A_2 = arith.constant 0 : index
    %get3A_3 = arith.constant 0 : index
    %get3A_4 = vector.load %arg1[%get3A, %get3A_2, %get3A_3] : memref<2x1024x128xf32, #tpu.memory_space<vmem>>, vector<1x1024x128xf32>
    %get3A_5 = vector.shape_cast %get3A_4 : vector<1x1024x128xf32> to vector<1024x128xf32>
    %get3A_6 = arith.constant 1 : index
    %get3A_7 = arith.constant 0 : index
    %get3A_8 = arith.constant 0 : index
    %get3A_9 = vector.load %arg1[%get3A_6, %get3A_7, %get3A_8] : memref<2x1024x128xf32, #tpu.memory_space<vmem>>, vector<1x1024x128xf32>
    %get3A_10 = vector.shape_cast %get3A_9 : vector<1x1024x128xf32> to vector<1024x128xf32>
    %add3A = arith.addf %get3A_5, %get3A_10 : vector<1024x128xf32>
    %get3A_11 = arith.constant 0 : index
    %get3A_12 = arith.constant 0 : index
    %get3A_13 = vector.load %arg2[%get3A_11, %get3A_12] : memref<2x1024xf32, #tpu.memory_space<vmem>>, vector<1x1024xf32>
    %get3A_14 = vector.shape_cast %get3A_13 : vector<1x1024xf32> to vector<1024xf32>
    %get3A_15 = arith.constant 1 : index
    %get3A_16 = arith.constant 0 : index
    %get3A_17 = vector.load %arg2[%get3A_15, %get3A_16] : memref<2x1024xf32, #tpu.memory_space<vmem>>, vector<1x1024xf32>
    %get3A_18 = vector.shape_cast %get3A_17 : vector<1x1024xf32> to vector<1024xf32>
    %add3A_19 = arith.addf %get3A_14, %get3A_18 : vector<1024xf32>
    %add3A_20 = arith.constant 1.000000e+00 : f32
    %add3A_21 = vector.broadcast %add3A_20 : f32 to vector<1024xf32>
    %add3A_22 = arith.addf %add3A_19, %add3A_21 : vector<1024xf32>
    %rsqrt3A = math.rsqrt %add3A_22 : vector<1024xf32>
    %broadcast_in_dim3A = vector.shape_cast %rsqrt3A : vector<1024xf32> to vector<1024x1xf32>
    %mul3A = vector.broadcast %broadcast_in_dim3A : vector<1024x1xf32> to vector<1024x128xf32>
    %mul3A_23 = arith.mulf %add3A, %mul3A : vector<1024x128xf32>
    %get3A_24 = arith.constant 0 : index
    %get3A_25 = arith.constant 0 : index
    %get3A_26 = vector.load %arg4[%get3A_24, %get3A_25] : memref<1x128xf32, #tpu.memory_space<vmem>>, vector<1x128xf32>
    %get3A_27 = vector.shape_cast %get3A_26 : vector<1x128xf32> to vector<128xf32>
    %broadcast_in_dim3A_28 = vector.shape_cast %get3A_27 : vector<128xf32> to vector<1x128xf32>
    %add3A_29 = vector.broadcast %broadcast_in_dim3A_28 : vector<1x128xf32> to vector<1024x128xf32>
    %add3A_30 = arith.addf %mul3A_23, %add3A_29 : vector<1024x128xf32>
    %max3A = arith.constant 0.000000e+00 : f32
    %max3A_31 = vector.broadcast %max3A : f32 to vector<1024x128xf32>
    %max3A_32 = arith.maximumf %add3A_30, %max3A_31 : vector<1024x128xf32>
    %get3A_33 = arith.constant 0 : index
    %get3A_34 = arith.constant 0 : index
    %get3A_35 = arith.constant 0 : index
    %get3A_36 = vector.load %arg3[%get3A_33, %get3A_34, %get3A_35] : memref<1x1x1024xi32, #tpu.memory_space<vmem>>, vector<1x1x1024xi32>
    %get3A_37 = vector.shape_cast %get3A_36 : vector<1x1x1024xi32> to vector<1024xi32>
    %broadcast_in_dim3A_38 = vector.shape_cast %get3A_37 : vector<1024xi32> to vector<1024x1xi32>
    %iota3A = tpu.iota {dimensions = array<i32: 1>} : vector<1024x64xi32>
    %eq3A_39 = vector.broadcast %broadcast_in_dim3A_38 : vector<1024x1xi32> to vector<1024x64xi32>
    %eq3A_40 = arith.cmpi eq, %eq3A_39, %iota3A : vector<1024x64xi32>
    %convert_element_type3A_41 = arith.extui %eq3A_40 : vector<1024x64xi1> to vector<1024x64xi32>
    %convert_element_type3A_42 = arith.sitofp %convert_element_type3A_41 : vector<1024x64xi32> to vector<1024x64xf32>
    %get3A_43 = arith.constant 0 : index
    %get3A_44 = arith.constant 0 : index
    %get3A_45 = vector.load %arg8[%get3A_43, %get3A_44] : memref<64x128xf32, #tpu.memory_space<vmem>>, vector<64x128xf32>
    %dot_general3A = arith.constant dense<0.000000e+00> : vector<64x128xf32>
    %dot_general3A_46 = tpu.matmul %convert_element_type3A_42, %max3A_32, %dot_general3A {dimension_numbers = #tpu.dot_dimension_numbers<[0], [0], [1], [1], [0, 1, 1, 1], [], []>, transpose_lhs_hint = false} : vector<1024x64xf32>, vector<1024x128xf32>, vector<64x128xf32> -> vector<64x128xf32>
    %add3A_47 = arith.addf %get3A_45, %dot_general3A_46 : vector<64x128xf32>
    %swap3A = arith.constant 0 : index
    %swap3A_48 = arith.constant 0 : index
    %swap3A_49 = vector.load %arg8[%swap3A, %swap3A_48] : memref<64x128xf32, #tpu.memory_space<vmem>>, vector<64x128xf32>
    tpu.vector_store %arg8[%swap3A, %swap3A_48], %add3A_47 {strides = array<i32>} : memref<64x128xf32, #tpu.memory_space<vmem>>, vector<64x128xf32>,
    %get3A_50 = arith.constant 0 : index
    %get3A_51 = arith.constant 0 : index
    %get3A_52 = vector.load %arg9[%get3A_50, %get3A_51] : memref<64x1xf32, #tpu.memory_space<vmem>>, vector<64x1xf32>
    %reduce_sum3A = arith.constant dense<0.000000e+00> : vector<64xf32>
    %reduce_sum3A_53 = vector.multi_reduction <add>, %convert_element_type3A_42, %reduce_sum3A [0] : vector<1024x64xf32> to vector<64xf32>
    %broadcast_in_dim3A_54 = vector.shape_cast %reduce_sum3A_53 : vector<64xf32> to vector<64x1xf32>
    %add3A_55 = arith.addf %get3A_52, %broadcast_in_dim3A_54 : vector<64x1xf32>
    %swap3A_56 = arith.constant 0 : index
    %swap3A_57 = arith.constant 0 : index
    %swap3A_58 = vector.load %arg9[%swap3A_56, %swap3A_57] : memref<64x1xf32, #tpu.memory_space<vmem>>, vector<64x1xf32>
    tpu.vector_store %arg9[%swap3A_56, %swap3A_57], %add3A_55 {strides = array<i32>} : memref<64x1xf32, #tpu.memory_space<vmem>>, vector<64x1xf32>,
    %eq3A_59 = arith.constant 9 : i32
    %eq3A_60 = arith.cmpi eq, %arg0, %eq3A_59 : i32
    %convert_element_type3A_61 = arith.extui %eq3A_60 : i1 to i32
    %cond3A_62 = arith.constant 0 : i32
    %cond3A_63 = arith.cmpi ne, %convert_element_type3A_61, %cond3A_62 : i32
    scf.if %cond3A_63 {
      %get3A_64 = arith.constant 0 : index
      %get3A_65 = arith.constant 0 : index
      %get3A_66 = vector.load %arg8[%get3A_64, %get3A_65] : memref<64x128xf32, #tpu.memory_space<vmem>>, vector<64x128xf32>
      %get3A_67 = arith.constant 0 : index
      %get3A_68 = arith.constant 0 : index
      %get3A_69 = vector.load %arg9[%get3A_67, %get3A_68] : memref<64x1xf32, #tpu.memory_space<vmem>>, vector<64x1xf32>
      %max3A_70 = arith.constant 1.000000e+00 : f32
      %max3A_71 = vector.broadcast %max3A_70 : f32 to vector<64x1xf32>
      %max3A_72 = arith.maximumf %get3A_69, %max3A_71 : vector<64x1xf32>
      %div3A = vector.broadcast %max3A_72 : vector<64x1xf32> to vector<64x128xf32>
      %div3A_73 = arith.divf %get3A_66, %div3A : vector<64x128xf32>
      %get3A_74 = arith.constant 0 : index
      %get3A_75 = arith.constant 0 : index
      %get3A_76 = vector.load %arg5[%get3A_74, %get3A_75] : memref<128x64xf32, #tpu.memory_space<vmem>>, vector<128x64xf32>
      %dot_general3A_77 = arith.constant dense<0.000000e+00> : vector<64x64xf32>
      %dot_general3A_78 = tpu.matmul %div3A_73, %get3A_76, %dot_general3A_77 {dimension_numbers = #tpu.dot_dimension_numbers<[1], [0], [0], [1], [0, 0, 1, 1], [], []>, transpose_lhs_hint = false} : vector<64x128xf32>, vector<128x64xf32>, vector<64x64xf32> -> vector<64x64xf32>
      %get3A_79 = arith.constant 0 : index
      %get3A_80 = arith.constant 0 : index
      %get3A_81 = vector.load %arg6[%get3A_79, %get3A_80] : memref<1x64xf32, #tpu.memory_space<vmem>>, vector<1x64xf32>
      %add3A_82 = vector.broadcast %get3A_81 : vector<1x64xf32> to vector<64x64xf32>
      %add3A_83 = arith.addf %dot_general3A_78, %add3A_82 : vector<64x64xf32>
      %swap3A_84 = arith.constant 0 : index
      %swap3A_85 = arith.constant 0 : index
      %swap3A_86 = vector.load %arg7[%swap3A_84, %swap3A_85] : memref<64x64xf32, #tpu.memory_space<vmem>>, vector<64x64xf32>
      tpu.vector_store %arg7[%swap3A_84, %swap3A_85], %add3A_83 {strides = array<i32>} : memref<64x64xf32, #tpu.memory_space<vmem>>, vector<64x64xf32>,
    } else {
    }
    return
  }
  func.func @transform_0(%arg0: i32) -> (i32, i32, i32) {
    %c0_i32 = arith.constant 0 : i32
    %c0_i32_0 = arith.constant 0 : i32
    %c0_i32_1 = arith.constant 0 : i32
    return %c0_i32, %arg0, %c0_i32_0 : i32, i32, i32
  }
  func.func @transform_1(%arg0: i32) -> (i32, i32) {
    %c0_i32 = arith.constant 0 : i32
    %c0_i32_0 = arith.constant 0 : i32
    return %c0_i32, %arg0 : i32, i32
  }
  func.func @transform_2(%arg0: i32) -> (i32, i32, i32) {
    %c0_i32 = arith.constant 0 : i32
    %c0_i32_0 = arith.constant 0 : i32
    %c0_i32_1 = arith.constant 0 : i32
    return %arg0, %c0_i32, %c0_i32_0 : i32, i32, i32
  }
  func.func @transform_3(%arg0: i32) -> (i32, i32) {
    %c0_i32 = arith.constant 0 : i32
    %c0_i32_0 = arith.constant 0 : i32
    %c0_i32_1 = arith.constant 0 : i32
    return %c0_i32, %c0_i32_0 : i32, i32
  }
  func.func @transform_4(%arg0: i32) -> (i32, i32) {
    %c0_i32 = arith.constant 0 : i32
    %c0_i32_0 = arith.constant 0 : i32
    %c0_i32_1 = arith.constant 0 : i32
    return %c0_i32, %c0_i32_0 : i32, i32
  }
  func.func @transform_5(%arg0: i32) -> (i32, i32) {
    %c0_i32 = arith.constant 0 : i32
    %c0_i32_0 = arith.constant 0 : i32
    %c0_i32_1 = arith.constant 0 : i32
    return %c0_i32, %c0_i32_0 : i32, i32
  }
  func.func @transform_6(%arg0: i32) -> (i32, i32) {
    %c0_i32 = arith.constant 0 : i32
    %c0_i32_0 = arith.constant 0 : i32
    %c0_i32_1 = arith.constant 0 : i32
    return %c0_i32, %c0_i32_0 : i32, i32
  }
}

</mosaic_0001>

<sc_bundles>
// kernel: kernel.6.cloned.1.call-start
scs
__scs_entry_jumppad:
0x0: {  	(pc) =	sbr.rel $0x88, $3  }
0x1: {  	(tag) =	ssettag $0x0;
	lr =	simm.s32 $0x1  }
0x2: {  	[smem:$0x3F99] =	sst lr;
	_ =	strace $0xD0000000  }
0x3: {  	_ = 	snop  }
0x4: {  	_ = 	snop  }
0x5: {  	_ = 	snop  }
0x6: {  	_ = 	snop  }
0x7: {  	_ = 	snop  }
__scs_overlays_trampoline_lowered:
0x8: {  	[smem:$0x3FA8] =	sst s0  }
0x9: {  	[smem:$0x3FA9] =	sst s1  }
0xa: {  	[smem:$0x3FAA] =	sst s2  }
0xb: {  	[smem:$0x3FAB] =	sst s3  }
0xc: {  	[smem:$0x3FAC] =	sst s4  }
0xd: {  	[smem:$0x3FAD] =	sst s5  }
0xe: {  	[smem:$0x3FAE] =	sst s6  }
0xf: {  	[smem:$0x3FAF] =	sst s7  }
0x10: {  	[smem:$0x3FB0] =	sst s8  }
0x11: {  	[smem:$0x3FB1] =	sst s9;
	s0 =	simm.s32 @!p0 $0x0  }
0x12: {  	s1 =	sld [smem:$0x3F97];
	s0 =	simm.s32 @p0 $0x1  }
0x13: {  	[smem:$0x3FB2] =	sst s0;
	s0 =	simm.s32 @!p1 $0x0  }
0x14: {  	s2 =	sld [smem:$0x3F96];
	s0 =	simm.s32 @p1 $0x1  }
0x15: {  	[smem:$0x3FB3] =	sst s0;
	s0 =	simm.s32 @!p2 $0x0  }
0x16: {  	s3 =	sld [smem:$0x3FDB];
	s0 =	simm.s32 @p2 $0x1  }
0x17: {  	s4 =	simm.s32 $0x1BF5;
	[smem:$0x3FB5] =	sst s0  }
0x18: {  	s0 =	sld [smem:$0x3F98];
	_ =	swait.ge [sflag:s4], $0x0  }
0x19: {  	s7 =	sld [smem:$0x3F99]  }
0x1a: {  	s8 =	sadd.s32 $0xFFFFE003, lr  }
0x1b: {  	s9 =	sadd.s32 $0xFFFFFEF7, lr;
	s5 =	simm.s32 $0xFFFFFFFF;
	p2 =	slt.u32 s8, $0xFFFFF086  }
0x1c: {  	p1 =	slt.u32 s9, $0xF7A;
	s5 =	simm.s32 @!p2 $0x0  }
0x1d: {  	s5 =	simm.s32 @p1 $0x1;
	p0 =	seq.s32 s7, s2  }
0x1e: {  	s7 =	smul.u32 @!p0 $0xF7A, s2;
	p2 =	seq.s32 @!p0 s5, $0x0  }
0x1f: {  	s9 =	smul.u32 $0xF7A, s1;
	s8 =	simm.s32 @!p0 $0x1BF5;
	p2 =	por !p2, p0  }
0x20: {  	[sflag:s8] =	ssyncset.s32 @!p0 $0xFFFFF086;
	s6 =	sadd.s32 @!p0 s3, s7;
	s7 =	simm.s32 @!p0 $0x108  }
0x21: {  	s3 =	sadd.s32 s3, s9;
	s6 =	sadd.s32 @!p0 $0x88, s6;
	s7 =	simm.s32 @p2 $0x1082  }
0x22: {  	[simem:s7], [sflag:s8] =	dma.local @!p0 [hbm:s6], $0xF7A  }
0x23: {  	s9 =	sor.u32 $0xD0000000, s2;
	s6 =	simm.s32 $0x108;
	_ =	swait.ge @!p0 [sflag:s8], $0x0  }
0x24: {  	s3 =	sadd.s32 $0x88, s3;
	s6 =	simm.s32 @!p1 $0x1082;
	[sflag:s4] =	ssyncset.s32 $0xFFFFF086  }
0x25: {  	[simem:s6], [sflag:s4] =	dma.local [hbm:s3], $0xF7A  }
0x26: {  	[smem:$0x3F99] =	sst s1;
	(tag) =	ssettag s2;
	_ =	strace s9  }
0x27: {  	s1 =	sld [smem:$0x3FA9]  }
0x28: {  	s2 =	sld [smem:$0x3FAA]  }
0x29: {  	s4 =	sld [smem:$0x3FAC]  }
0x2a: {  	p0 =	seq.s32 s5, $0x0;
	s5 =	sld [smem:$0x3FAD]  }
0x2b: {  	s6 =	sld [smem:$0x3FAE]  }
0x2c: {  	s7 =	sld [smem:$0x3FAF]  }
0x2d: {  	s3 =	simm.s32 $0x108;
	s8 =	sld [smem:$0x3FB0]  }
0x2e: {  	s3 =	simm.s32 @!p0 $0x1082;
	s9 =	sld [smem:$0x3FB1]  }
0x2f: {  	lr =	sadd.s32 s0, s3;
	s0 =	sld [smem:$0x3FA8]  }
0x30: {  	s3 =	sld [smem:$0x3FAB]  }
0x31: {  	[smem:$0x3FB4] =	sst s10  }
0x32: {  	s10 =	sld [smem:$0x3FB2];
	_ =	sdelay $0x3  }
0x33: {  	p0 =	seq.s32 s10, $0x1;
	s10 =	sld [smem:$0x3FB4];
	_ =	sdelay $0x3  }
0x34: {  	[smem:$0x3FB4] =	sst s10  }
0x35: {  	s10 =	sld [smem:$0x3FB3];
	_ =	sdelay $0x3  }
0x36: {  	p1 =	seq.s32 s10, $0x1;
	s10 =	sld [smem:$0x3FB4];
	_ =	sdelay $0x3  }
0x37: {  	[smem:$0x3FB4] =	sst s10  }
0x38: {  	s10 =	sld [smem:$0x3FB5]  }
0x39: {  	_ = 	snop;
	(pc) =	sbr.ind lr, $3  }
0x3a: {  	_ = 	snop  }
0x3b: {  	_ = 	snop  }
0x3c: {  	p2 =	seq.s32 s10, $0x1;
	s10 =	sld [smem:$0x3FB4]  }
0x3d: {  	_ =	shalt  }
0x3e: {  	_ =	shalt  }
0x3f: {  	_ =	shalt  }
0x40: {  	_ =	shalt  }
0x41: {  	_ =	shalt  }
0x42: {  	_ =	shalt  }
0x43: {  	_ =	shalt  }
0x44: {  	_ =	shalt  }
0x45: {  	_ =	shalt  }
0x46: {  	_ =	shalt  }
0x47: {  	_ =	shalt  }
0x48: {  	_ =	shalt  }
0x49: {  	_ =	shalt  }
0x4a: {  	_ =	shalt  }
0x4b: {  	_ =	shalt  }
0x4c: {  	_ =	shalt  }
0x4d: {  	_ =	shalt  }
0x4e: {  	_ =	shalt  }
0x4f: {  	_ =	shalt  }
0x50: {  	_ =	shalt  }
0x51: {  	_ =	shalt  }
0x52: {  	_ =	shalt  }
0x53: {  	_ =	shalt  }
0x54: {  	_ =	shalt  }
0x55: {  	_ =	shalt  }
0x56: {  	_ =	shalt  }
0x57: {  	_ =	shalt  }
0x58: {  	_ =	shalt  }
0x59: {  	_ =	shalt  }
0x5a: {  	_ =	shalt  }
0x5b: {  	_ =	shalt  }
0x5c: {  	_ =	shalt  }
0x5d: {  	_ =	shalt  }
0x5e: {  	_ =	shalt  }
0x5f: {  	_ =	shalt  }
0x60: {  	_ =	shalt  }
0x61: {  	_ =	shalt  }
0x62: {  	_ =	shalt  }
0x63: {  	_ =	shalt  }
0x64: {  	_ =	shalt  }
0x65: {  	_ =	shalt  }
0x66: {  	_ =	shalt  }
0x67: {  	_ =	shalt  }
0x68: {  	_ =	shalt  }
0x69: {  	_ =	shalt  }
0x6a: {  	_ =	shalt  }
0x6b: {  	_ =	shalt  }
0x6c: {  	_ =	shalt  }
0x6d: {  	_ =	shalt  }
0x6e: {  	_ =	shalt  }
0x6f: {  	_ =	shalt  }
0x70: {  	_ =	shalt  }
0x71: {  	_ =	shalt  }
0x72: {  	_ =	shalt  }
0x73: {  	_ =	shalt  }
0x74: {  	_ =	shalt  }
0x75: {  	_ =	shalt  }
0x76: {  	_ =	shalt  }
0x77: {  	_ =	shalt  }
0x78: {  	_ =	shalt  }
0x79: {  	_ =	shalt  }
0x7a: {  	_ =	shalt  }
0x7b: {  	_ =	shalt  }
0x7c: {  	_ =	shalt  }
0x7d: {  	_ =	shalt  }
0x7e: {  	_ =	shalt  }
0x7f: {  	_ =	shalt  }
0x80: {  	_ =	shalt  }
0x81: {  	_ =	shalt  }
0x82: {  	_ =	shalt  }
0x83: {  	_ =	shalt  }
0x84: {  	_ =	shalt  }
0x85: {  	_ =	shalt  }
0x86: {  	_ =	shalt  }
0x87: {  	_ =	shalt  }
.Lfunc_end0:
.L_simem_size_0:
called_computation_lowered:
.L_overlay_start_0:
0x88: {  	s2 =	sld [smem:$0x3FD9]  }
0x89: {  	s3 =	sld [smem:$0x3FFE];
	_ =	sdelay $0x1  }
0x8a: {  	s1 =	srdreg.scid  }
0x8b: {  	s0 =	sand.u32 $0x1, s1  }
0x8c: {  	s16 =	sshll.u32 s0, $0xA;
	s2 =	sadd.s32 s3, s2  }
0x8d: {  	s2 =	sadd.s32 s2, s16  }
0x8e: {  	[smem:$0x3FC0] =	sst s2  }
0x8f: {  	_ = 	snop  }
0x90: {  	(tm) =	ssettm $0x1  }
0x91: {  	s17 =	sld [smem:$0x3FFB];
	_ =	sdelay $0x3  }
0x92: {  	_ =	strace s17  }
0x93: {  	s2 =	sld [smem:$0x3FFC];
	_ =	sdelay $0x3  }
0x94: {  	_ =	strace s2  }
0x95: {  	s2 =	sld [smem:$0x3FFD];
	_ =	sdelay $0x3  }
0x96: {  	_ =	strace s2  }
0x97: {  	_ =	strace $0x8FFFFFFF  }
0x98: {  	s18 =	sld [smem:$0x3FDB];
	_ =	sdelay $0x1  }
0x99: {  	s19 =	simm.s32 $_scs_section_size  }
0x9a: {  	s4 =	simm.s32 $_size__tile_overlayer_lowered;
	s5 =	simm.s32 $_tile_overlayer_lowered  }
0x9b: {  	s22 =	simm.s32 $0x1BFF;
	s21 =	sshll.u32 s5, $0x1;
	s2 =	sadd.s32 s19, s18  }
0x9c: {  	s6 =	simm.s32 $0x0;
	s20 =	sshll.u32 s4, $0x1;
	s4 =	sadd.s32 s21, s2  }
0x9d: {  	[timem:s6], [sflag:s22] =	dma.local [hbm:s4], s20  }
0x9e: {  	_ =	swait.ge [sflag:s22], s20  }
0x9f: {  	s3 =	ssub.s32 $0x0, s20;
	[sflag:s22] =	ssyncset.done $0x0  }
0xa0: {  	[sflag:s22] =	ssyncadd.s32 s3;
	_ =	sdelay $0x1  }
0xa1: {  	s23 =	simm.s32 $0x1B8B  }
0xa2: {  	_ =	swait.ge [sflag:s23], $0x1  }
0xa3: {  	[sflag:s23] =	ssyncset.done $0x0  }
0xa4: {  	s25 =	simm.s32 $0x1B8E;
	s24 =	sld [smem:$0x3FFE];
	[sflag:s23] =	ssyncadd.s32 $0xFFFFFFFF  }
0xa5: {  	s26 =	simm.s32 $execute0_lowered;
	[smem:$0x3FD2] =	sst s25  }
0xa6: {  	s4 =	sshll.u32 s26, $0x1;
	_ =	strace $0x80000046;
	[dreg:$0x1] =	wrdreg $0xFFFFFFFF  }
0xa7: {  	s28 =	simm.s32 $_size_execute0_lowered;
	s2 =	sadd.s32 s2, s4;
	[dreg:$0x0] =	wrdreg $0x0  }
0xa8: {  	s4 =	sshll.u32 s28, $0x1;
	[dreg:$0x2] =	wrdreg s2  }
0xa9: {  	[dreg:$0x3] =	wrdreg s4  }
0xaa: {  	[dreg:$0x4] =	wrdreg $0xC0  }
0xab: {  	_ =	task [dreg:s6], $0x5FFFF  }
0xac: {  	[dreg:$0x1] =	wrdreg $0xFFFFFFFF  }
0xad: {  	[dreg:$0x0] =	wrdreg $0x60  }
0xae: {  	[dreg:$0x2] =	wrdreg s24  }
0xaf: {  	[dreg:$0x3] =	wrdreg $0x52800  }
0xb0: {  	[dreg:$0x4] =	wrdreg $0x9  }
0xb1: {  	_ =	task.clear_ibuf [dreg:s6], $0x5FFFF;
	_ =	strace $0x90000046  }
0xb2: {  	s29 =	simm.s32 $0x9;
	_ =	strace $0x80000048  }
0xb3: {  	_ =	swait.ge [sflag:s29], $0x1  }
0xb4: {  	[sflag:s29] =	ssyncadd.s32 $0xFFFFFFFF  }
0xb5: {  	_ =	strace $0x90000048  }
0xb6: {  	_ =	sfence  }
0xb7: {  	s30 =	sld [smem:$0x0];
	_ =	sdelay $0x2  }
0xb8: {  	s31 =	sshll.u32 s1, $0xD;
	s1 =	sshrl.u32 s1, $0x2  }
0xb9: {  	s3 =	sand.u32 $0x4000, s31;
	s1 =	sadd.s32 s1, s30  }
0xba: {  	s0 =	sor.u32 s3, s0;
	s1 =	sshll.u32 s1, $0x11  }
0xbb: {  	s0 =	sor.u32 s1, s0  }
0xbc: {  	s0 =	sadd.s32 $0x8F2B, s0  }
0xbd: {  	[sflag:s0] =	ssyncadd.remote.s32 $0x1  }
0xbe: {  	_ =	sfence.sel $0xFFFF  }
0xbf: {  	[dreg:$0x0] =	wrdreg $0xFFFFFFFF;
	(pc) =	sbr.abs _section_cstart, $3  }
0xc0: {  	[dreg:$0x1] =	wrdreg $0xFFFFFFFF  }
0xc1: {  	_ =	task.clear_ibuf [dreg:s6], $0x2FFFF;
	_ =	strace $0x9FFFFFFF  }
0xc2: {  	(tm) =	ssettm $0x7FFFFFFF  }
0xc3: {  	_ =	shalt  }
tec
execute0_lowered:
.L_overlay_start_1:
0x0: {  	(tag) =	ssettag $0x1  }
0x1: {  	s1 =	srdreg.scid  }
0x2: {  	s0 =	stileid.u32;
	s4 =	rddreg [dreg:$0x0]  }
0x3: {  	s2 =	rddreg [dreg:$0x1];
	s3 =	simm.s32 $0x0;
	s10 =	simm.s32 $0x2  }
0x4: {  	s11 =	simm.s32 $0x2800;
	s12 =	simm.s32 $0x80;
	s13 =	simm.s32 $0x1  }
0x5: {  	s16 =	simm.s32 $0x20;
	s17 =	simm.s32 $0x10;
	s18 =	simm.s32 $0x0  }
0x6: {  	s5 =	sand.u32 $0x1, s1;
	s1 =	rddreg [dreg:$0x2];
	s7 =	smul.u32 $0x500, s0  }
0x7: {  	s30 =	sshll.u32 s0, $0x1;
	[smem:$0x7FF] =	sst s3;
	s9 =	smul.u32 $0xA00, s0  }
0x8: {  	s14 =	sshll.u32 s0, $0x6;
	s6 =	sor.u32 s5, s30;
	_ =	strace $0x80000047  }
0x9: {  	s8 =	sshll.u32 s5, $0x7;
	s5 =	ssub.s32 $0x2, s5;
	s14 =	sor.u32 $0x1C02, s14  }
0xa: {  	s6 =	smul.u32 $0x500, s6;
	s7 =	sor.u32 s8, s7;
	s31 =	sshrl.u32 s5, $0x1  }
0xb: {  	s9 =	sshrl.u32 s9, $0x2;
	s7 =	sshrl.u32 s7, $0x3;
	s8 =	ssub.s32 s5, s31  }
0xc: {  	s6 =	sadd.s32 s6, s4;
	s7 =	sadd.s32 s7, s4;
	s4 =	sadd.s32 s9, s2  }
0xd: {  	s8 =	smax.u32 s8, $0x1;
	s9 =	simm.s32 $0x5000;
	s5 =	sadd.s32 $0x15C00, s6  }
0xe: {  	v0 =	vimm.f32 $0.0e+00;
	s6 =	sadd.s32 $0x1C00, s6;
	s7 =	sadd.s32 $0x1FC00, s7;
	s15 =	sshrl.u32 s4, $0x3  }
.LBB2_1:
0xf: {  	[tilespmem:$0x5000] =	vst v0  }
0x10: {  	[tilespmem:$0x5010] =	vst v0  }
0x11: {  	[tilespmem:$0x5020] =	vst v0  }
0x12: {  	[tilespmem:$0x5030] =	vst v0  }
0x13: {  	[tilespmem:$0x5040] =	vst v0  }
0x14: {  	[tilespmem:$0x5050] =	vst v0  }
0x15: {  	[tilespmem:$0x5060] =	vst v0  }
0x16: {  	[tilespmem:$0x5070] =	vst v0  }
0x17: {  	[tilespmem:$0x5080] =	vst v0  }
0x18: {  	[tilespmem:$0x5090] =	vst v0  }
0x19: {  	[tilespmem:$0x50A0] =	vst v0  }
0x1a: {  	[tilespmem:$0x50B0] =	vst v0  }
0x1b: {  	[tilespmem:$0x50C0] =	vst v0  }
0x1c: {  	[tilespmem:$0x50D0] =	vst v0  }
0x1d: {  	[tilespmem:$0x50E0] =	vst v0  }
0x1e: {  	[tilespmem:$0x50F0] =	vst v0  }
0x1f: {  	[tilespmem:$0x5100] =	vst v0  }
0x20: {  	[tilespmem:$0x5110] =	vst v0  }
0x21: {  	[tilespmem:$0x5120] =	vst v0  }
0x22: {  	[tilespmem:$0x5130] =	vst v0  }
0x23: {  	[tilespmem:$0x5140] =	vst v0  }
0x24: {  	[tilespmem:$0x5150] =	vst v0  }
0x25: {  	[tilespmem:$0x5160] =	vst v0  }
0x26: {  	[tilespmem:$0x5170] =	vst v0  }
0x27: {  	[tilespmem:$0x5180] =	vst v0  }
0x28: {  	[tilespmem:$0x5190] =	vst v0  }
0x29: {  	[tilespmem:$0x51A0] =	vst v0  }
0x2a: {  	[tilespmem:$0x51B0] =	vst v0  }
0x2b: {  	[tilespmem:$0x51C0] =	vst v0  }
0x2c: {  	[tilespmem:$0x51D0] =	vst v0  }
0x2d: {  	[tilespmem:$0x51E0] =	vst v0  }
0x2e: {  	[tilespmem:$0x51F0] =	vst v0  }
0x2f: {  	[tilespmem:$0x5200] =	vst v0  }
0x30: {  	[tilespmem:$0x5210] =	vst v0  }
0x31: {  	[tilespmem:$0x5220] =	vst v0  }
0x32: {  	[tilespmem:$0x5230] =	vst v0  }
0x33: {  	[tilespmem:$0x5240] =	vst v0  }
0x34: {  	[tilespmem:$0x5250] =	vst v0  }
0x35: {  	[tilespmem:$0x5260] =	vst v0  }
0x36: {  	[tilespmem:$0x5270] =	vst v0  }
0x37: {  	[spmem:s4] =	stream.linear.scatter [tilespmem:s9], [sflag:$0x2], $0x280, $0x38;
	[tilespmem:$0x5500] =	vst v63  }
0x38: {  	_ =	swait.ge [sflag:s10], $0x280  }
0x39: {  	[sflag:s10] =	ssyncset.done $0x0  }
0x3a: {  	[sflag:s10] =	ssyncadd.s32 $0xFFFFFD80  }
0x3b: {  	[tilespmem:s3], [sflag:$0x2] =	stream.linear.gather [hbm4b:s5+s3], $0x2800, $0x38;
	[tilespmem:$0x5500] =	vst v63  }
0x3c: {  	_ =	swait.ge [sflag:s10], $0x2800  }
0x3d: {  	[sflag:s10] =	ssyncset.done $0x0  }
0x3e: {  	[sflag:s10] =	ssyncadd.s32 $0xFFFFD800  }
0x3f: {  	[tilespmem:s11], [sflag:$0x2] =	stream.linear.gather [hbm4b:s6+s3], $0x2800, $0x38;
	[tilespmem:$0x5500] =	vst v63  }
0x40: {  	_ =	swait.ge [sflag:s10], $0x2800  }
0x41: {  	[sflag:s10] =	ssyncset.done $0x0  }
0x42: {  	[sflag:s10] =	ssyncadd.s32 $0xFFFFD800  }
0x43: {  	s19 =	simm.s32 $0x0;
	s20 =	simm.s32 $0x2800;
	[bflag:$0x0] =	sbarrier.arrive $0xFFFF  }
0x44: {  	[spmem:s2] =	stream.indirect.scatter.add.f32 [tilespmem:s20], [sflag:$0x1], $0x1, s19, s12, $0xb8;
	[tilespmem:$0x5500] =	vst v63  }
0x45: {  	s28 =	simm.s32 $0x2880;
	s29 =	simm.s32 $0x80  }
0x46: {  	[spmem:s2] =	stream.indirect.scatter.add.f32 [tilespmem:s28], [sflag:$0x1], $0x1, s29, s12, $0xb8;
	[tilespmem:$0x5500] =	vst v63  }
0x47: {  	s30 =	simm.s32 $0x2900;
	s31 =	simm.s32 $0x100  }
0x48: {  	[spmem:s2] =	stream.indirect.scatter.add.f32 [tilespmem:s30], [sflag:$0x1], $0x1, s31, s12, $0xb8;
	[tilespmem:$0x5500] =	vst v63  }
0x49: {  	s21 =	simm.s32 $0x2980;
	s22 =	simm.s32 $0x180  }
0x4a: {  	[spmem:s2] =	stream.indirect.scatter.add.f32 [tilespmem:s21], [sflag:$0x1], $0x1, s22, s12, $0xb8;
	[tilespmem:$0x5500] =	vst v63  }
0x4b: {  	s23 =	simm.s32 $0x2A00;
	s24 =	simm.s32 $0x200  }
0x4c: {  	[spmem:s2] =	stream.indirect.scatter.add.f32 [tilespmem:s23], [sflag:$0x1], $0x1, s24, s12, $0xb8;
	[tilespmem:$0x5500] =	vst v63  }
0x4d: {  	s25 =	simm.s32 $0x2A80;
	s26 =	simm.s32 $0x280  }
0x4e: {  	[spmem:s2] =	stream.indirect.scatter.add.f32 [tilespmem:s25], [sflag:$0x1], $0x1, s26, s12, $0xb8;
	[tilespmem:$0x5500] =	vst v63  }
0x4f: {  	s28 =	simm.s32 $0x2B00;
	s29 =	simm.s32 $0x300  }
0x50: {  	[spmem:s2] =	stream.indirect.scatter.add.f32 [tilespmem:s28], [sflag:$0x1], $0x1, s29, s12, $0xb8;
	[tilespmem:$0x5500] =	vst v63  }
0x51: {  	s30 =	simm.s32 $0x2B80;
	s31 =	simm.s32 $0x380  }
0x52: {  	[spmem:s2] =	stream.indirect.scatter.add.f32 [tilespmem:s30], [sflag:$0x1], $0x1, s31, s12, $0xb8;
	[tilespmem:$0x5500] =	vst v63  }
0x53: {  	_ =	swait.ge [sflag:s13], $0x80  }
0x54: {  	[sflag:s13] =	ssyncset.done $0x0  }
0x55: {  	[sflag:s13] =	ssyncadd.s32 $0xFFFFFF80  }
0x56: {  	_ =	swait.ge [sflag:s13], $0x80  }
0x57: {  	[sflag:s13] =	ssyncset.done $0x0  }
0x58: {  	[sflag:s13] =	ssyncadd.s32 $0xFFFFFF80  }
0x59: {  	_ =	swait.ge [sflag:s13], $0x80  }
0x5a: {  	[sflag:s13] =	ssyncset.done $0x0  }
0x5b: {  	[sflag:s13] =	ssyncadd.s32 $0xFFFFFF80  }
0x5c: {  	_ =	swait.ge [sflag:s13], $0x80  }
0x5d: {  	[sflag:s13] =	ssyncset.done $0x0  }
0x5e: {  	[sflag:s13] =	ssyncadd.s32 $0xFFFFFF80  }
0x5f: {  	_ =	swait.ge [sflag:s13], $0x80  }
0x60: {  	[sflag:s13] =	ssyncset.done $0x0  }
0x61: {  	[sflag:s13] =	ssyncadd.s32 $0xFFFFFF80  }
0x62: {  	_ =	swait.ge [sflag:s13], $0x80  }
0x63: {  	[sflag:s13] =	ssyncset.done $0x0  }
0x64: {  	[sflag:s13] =	ssyncadd.s32 $0xFFFFFF80  }
0x65: {  	_ =	swait.ge [sflag:s13], $0x80  }
0x66: {  	[sflag:s13] =	ssyncset.done $0x0  }
0x67: {  	[sflag:s13] =	ssyncadd.s32 $0xFFFFFF80  }
0x68: {  	_ =	swait.ge [sflag:s13], $0x80  }
0x69: {  	s22 =	simm.s32 $0x2000;
	s21 =	simm.s32 $0x400;
	[sflag:s13] =	ssyncset.done $0x0  }
.LBB2_2:
0x6a: {  	s23 =	sadd.s32 $0x2800, s21  }
0x6b: {  	[sflag:s13] =	ssyncadd.s32 $0xFFFFFF80;
	s20 =	smov.u32 s22;
	s19 =	sadd.s32 $0x1000, s22  }
0x6c: {  	[spmem:s2] =	stream.indirect.scatter.add.f32 [tilespmem:s23], [sflag:$0x1], $0x1, s21, s12, $0xb8;
	[tilespmem:$0x5500] =	vst v63  }
0x6d: {  	p0 =	sne.s32 s22, $0x9000;
	s22 =	sadd.s32 $0x2880, s21;
	s23 =	sadd.s32 $0x80, s21  }
0x6e: {  	[spmem:s2] =	stream.indirect.scatter.add.f32 [tilespmem:s22], [sflag:$0x1], $0x1, s23, s12, $0xb8;
	[tilespmem:$0x5500] =	vst v63  }
0x6f: {  	s22 =	sadd.s32 $0x2900, s21;
	s23 =	sadd.s32 $0x100, s21  }
0x70: {  	[spmem:s2] =	stream.indirect.scatter.add.f32 [tilespmem:s22], [sflag:$0x1], $0x1, s23, s12, $0xb8;
	[tilespmem:$0x5500] =	vst v63  }
0x71: {  	s22 =	sadd.s32 $0x2980, s21;
	s23 =	sadd.s32 $0x180, s21  }
0x72: {  	[spmem:s2] =	stream.indirect.scatter.add.f32 [tilespmem:s22], [sflag:$0x1], $0x1, s23, s12, $0xb8;
	[tilespmem:$0x5500] =	vst v63  }
0x73: {  	s22 =	sadd.s32 $0x2A00, s21;
	s23 =	sadd.s32 $0x200, s21  }
0x74: {  	[spmem:s2] =	stream.indirect.scatter.add.f32 [tilespmem:s22], [sflag:$0x1], $0x1, s23, s12, $0xb8;
	[tilespmem:$0x5500] =	vst v63  }
0x75: {  	s22 =	sadd.s32 $0x2A80, s21;
	s23 =	sadd.s32 $0x280, s21  }
0x76: {  	[spmem:s2] =	stream.indirect.scatter.add.f32 [tilespmem:s22], [sflag:$0x1], $0x1, s23, s12, $0xb8;
	[tilespmem:$0x5500] =	vst v63  }
0x77: {  	s22 =	sadd.s32 $0x2B00, s21;
	s23 =	sadd.s32 $0x300, s21  }
0x78: {  	[spmem:s2] =	stream.indirect.scatter.add.f32 [tilespmem:s22], [sflag:$0x1], $0x1, s23, s12, $0xb8;
	[tilespmem:$0x5500] =	vst v63  }
0x79: {  	s22 =	sadd.s32 $0x2B80, s21;
	s21 =	sadd.s32 $0x380, s21  }
0x7a: {  	[spmem:s2] =	stream.indirect.scatter.add.f32 [tilespmem:s22], [sflag:$0x1], $0x1, s21, s12, $0xb8;
	[tilespmem:$0x5500] =	vst v63  }
0x7b: {  	_ =	swait.ge [sflag:s13], $0x80  }
0x7c: {  	[sflag:s13] =	ssyncset.done $0x0  }
0x7d: {  	[sflag:s13] =	ssyncadd.s32 $0xFFFFFF80  }
0x7e: {  	_ =	swait.ge [sflag:s13], $0x80  }
0x7f: {  	[sflag:s13] =	ssyncset.done $0x0  }
0x80: {  	[sflag:s13] =	ssyncadd.s32 $0xFFFFFF80  }
0x81: {  	_ =	swait.ge [sflag:s13], $0x80  }
0x82: {  	[sflag:s13] =	ssyncset.done $0x0  }
0x83: {  	[sflag:s13] =	ssyncadd.s32 $0xFFFFFF80  }
0x84: {  	_ =	swait.ge [sflag:s13], $0x80  }
0x85: {  	[sflag:s13] =	ssyncset.done $0x0  }
0x86: {  	[sflag:s13] =	ssyncadd.s32 $0xFFFFFF80  }
0x87: {  	_ =	swait.ge [sflag:s13], $0x80  }
0x88: {  	[sflag:s13] =	ssyncset.done $0x0  }
0x89: {  	[sflag:s13] =	ssyncadd.s32 $0xFFFFFF80  }
0x8a: {  	_ =	swait.ge [sflag:s13], $0x80  }
0x8b: {  	[sflag:s13] =	ssyncset.done $0x0  }
0x8c: {  	[sflag:s13] =	ssyncadd.s32 $0xFFFFFF80  }
.Ltmp0:
0x8d: {  	_ =	swait.ge [sflag:s13], $0x80;
	(pc) =	sbr.rel @p0 .LBB2_2-.Ltmp0, $4  }
0x8e: {  	[sflag:s13] =	ssyncset.done $0x0  }
0x8f: {  	[sflag:s13] =	ssyncadd.s32 $0xFFFFFF80  }
0x90: {  	_ =	swait.ge [sflag:s13], $0x80  }
0x91: {  	s21 =	sshra.s32 s20, $0x2;
	s22 =	smov.u32 s19;
	[sflag:s13] =	ssyncset.done $0x0  }
0x92: {  	s19 =	sadd.s32 $0x2800, s21;
	[sflag:s13] =	ssyncadd.s32 $0xFFFFFF80  }
0x93: {  	[spmem:s2] =	stream.indirect.scatter.add.f32 [tilespmem:s19], [sflag:$0x1], $0x1, s21, s12, $0xb8;
	[tilespmem:$0x5500] =	vst v63  }
0x94: {  	s29 =	sadd.s32 $0x2880, s21;
	s20 =	sadd.s32 $0x80, s21  }
0x95: {  	[spmem:s2] =	stream.indirect.scatter.add.f32 [tilespmem:s29], [sflag:$0x1], $0x1, s20, s12, $0xb8;
	[tilespmem:$0x5500] =	vst v63  }
0x96: {  	s30 =	sadd.s32 $0x2900, s21;
	s31 =	sadd.s32 $0x100, s21  }
0x97: {  	[spmem:s2] =	stream.indirect.scatter.add.f32 [tilespmem:s30], [sflag:$0x1], $0x1, s31, s12, $0xb8;
	[tilespmem:$0x5500] =	vst v63  }
0x98: {  	s22 =	sadd.s32 $0x180, s21;
	s20 =	sadd.s32 $0x2980, s21  }
0x99: {  	[spmem:s2] =	stream.indirect.scatter.add.f32 [tilespmem:s20], [sflag:$0x1], $0x1, s22, s12, $0xb8;
	[tilespmem:$0x5500] =	vst v63  }
0x9a: {  	s23 =	sadd.s32 $0x2A00, s21;
	s24 =	sadd.s32 $0x200, s21  }
0x9b: {  	[spmem:s2] =	stream.indirect.scatter.add.f32 [tilespmem:s23], [sflag:$0x1], $0x1, s24, s12, $0xb8;
	[tilespmem:$0x5500] =	vst v63  }
0x9c: {  	s25 =	sadd.s32 $0x2A80, s21;
	s26 =	sadd.s32 $0x280, s21  }
0x9d: {  	[spmem:s2] =	stream.indirect.scatter.add.f32 [tilespmem:s25], [sflag:$0x1], $0x1, s26, s12, $0xb8;
	[tilespmem:$0x5500] =	vst v63  }
0x9e: {  	s28 =	sadd.s32 $0x2B00, s21;
	s29 =	sadd.s32 $0x300, s21  }
0x9f: {  	[spmem:s2] =	stream.indirect.scatter.add.f32 [tilespmem:s28], [sflag:$0x1], $0x1, s29, s12, $0xb8;
	[tilespmem:$0x5500] =	vst v63  }
0xa0: {  	s30 =	sadd.s32 $0x2B80, s21;
	s31 =	sadd.s32 $0x380, s21  }
0xa1: {  	[spmem:s2] =	stream.indirect.scatter.add.f32 [tilespmem:s30], [sflag:$0x1], $0x1, s31, s12, $0xb8;
	[tilespmem:$0x5500] =	vst v63  }
0xa2: {  	_ =	swait.ge [sflag:s13], $0x80  }
0xa3: {  	[sflag:s13] =	ssyncset.done $0x0  }
0xa4: {  	[sflag:s13] =	ssyncadd.s32 $0xFFFFFF80  }
0xa5: {  	_ =	swait.ge [sflag:s13], $0x80  }
0xa6: {  	[sflag:s13] =	ssyncset.done $0x0  }
0xa7: {  	[sflag:s13] =	ssyncadd.s32 $0xFFFFFF80  }
0xa8: {  	_ =	swait.ge [sflag:s13], $0x80  }
0xa9: {  	[sflag:s13] =	ssyncset.done $0x0  }
0xaa: {  	[sflag:s13] =	ssyncadd.s32 $0xFFFFFF80  }
0xab: {  	_ =	swait.ge [sflag:s13], $0x80  }
0xac: {  	[sflag:s13] =	ssyncset.done $0x0  }
0xad: {  	[sflag:s13] =	ssyncadd.s32 $0xFFFFFF80  }
0xae: {  	_ =	swait.ge [sflag:s13], $0x80  }
0xaf: {  	[sflag:s13] =	ssyncset.done $0x0  }
0xb0: {  	[sflag:s13] =	ssyncadd.s32 $0xFFFFFF80  }
0xb1: {  	_ =	swait.ge [sflag:s13], $0x80  }
0xb2: {  	[sflag:s13] =	ssyncset.done $0x0  }
0xb3: {  	[sflag:s13] =	ssyncadd.s32 $0xFFFFFF80  }
0xb4: {  	_ =	swait.ge [sflag:s13], $0x80  }
0xb5: {  	[sflag:s13] =	ssyncset.done $0x0  }
0xb6: {  	[sflag:s13] =	ssyncadd.s32 $0xFFFFFF80  }
0xb7: {  	_ =	swait.ge [sflag:s13], $0x80  }
0xb8: {  	s18 =	sadd.s32 $0x1, s18;
	[sflag:s13] =	ssyncset.done $0x0  }
0xb9: {  	p0 =	sne.s32 s18, s8;
	[sflag:s13] =	ssyncadd.s32 $0xFFFFFF80  }
.Ltmp1:
0xba: {  	[bflag:$0x0] =	sbarrier.arrive $0xFFFF;
	(pc) =	sbr.rel @p0 .LBB2_1-.Ltmp1, $4  }
0xbb: {  	[hbm:s7@s16], [sflag:s14] =	dma.strided [spmem:s15@s17], $0x50, s13, $0x10   }
0xbc: {  	_ =	swait.ge [sflag:s10], $0x50  }
0xbd: {  	[sflag:s10] =	ssyncset.done $0x0  }
0xbe: {  	[sflag:s10] =	ssyncadd.s32 $0xFFFFFFB0  }
0xbf: {  	_ =	sfence.sel $0x180000  }
0xc0: {  	[bflag:$0x0] =	sbarrier.arrive $0xFFFF  }
0xc1: {  	p0 =	sne.s32 s0, $0x0;
	_ =	strace $0x90000047  }
0xc2: {  	s0 =	sadd.s32 @!p0 $0x100000, s1;
	[bflag:$0x2] =	sbarrier.arrive $0xFFFF  }
0xc3: {  	[sflag:s0] =	ssyncadd.tile.s32 @!p0 $0x1;
	_ =	shalt  }
.Lfunc_end2:
_tile_overlayer_lowered:
.L_overlay_start_2:
0xc4: {  	(tag) =	ssettag $0x2  }
0xc5: {  	s0 =	rddreg [dreg:$0x0];
	s2 =	stileid.u32  }
0xc6: {  	s1 =	rddreg [dreg:$0x1];
	p0 =	sne.s32 s2, $0x0  }
0xc7: {  	s3 =	rddreg [dreg:$0x2];
	[bflag:$0x3] =	sbarrier.arrive $0xFFFF;
	s2 =	simm.s32 @!p0 $0x1C02  }
0xc8: {  	[timem:s3], [sflag:s2] =	dma.local @!p0 [hbm:s0], s1  }
0xc9: {  	s0 =	simm.s32 @!p0 $0x2  }
0xca: {  	_ =	swait.ge @!p0 [sflag:s0], s1  }
0xcb: {  	s1 =	ssub.s32 @!p0 $0x0, s1;
	[sflag:s0] =	ssyncset.done @!p0 $0x0  }
0xcc: {  	[sflag:s0] =	ssyncadd.s32 @!p0 s1  }
0xcd: {  	[bflag:$0x3] =	sbarrier.arrive $0xFFFF  }
0xce: {  	_ =	shalt  }

// kernel: kernel.9.cloned.1.call-start
scs
__scs_entry_jumppad:
0x0: {  	(pc) =	sbr.rel $0x88, $3  }
0x1: {  	(tag) =	ssettag $0x0;
	lr =	simm.s32 $0x1  }
0x2: {  	[smem:$0x3F99] =	sst lr;
	_ =	strace $0xD0000000  }
0x3: {  	_ = 	snop  }
0x4: {  	_ = 	snop  }
0x5: {  	_ = 	snop  }
0x6: {  	_ = 	snop  }
0x7: {  	_ = 	snop  }
__scs_overlays_trampoline_lowered:
0x8: {  	[smem:$0x3FA8] =	sst s0  }
0x9: {  	[smem:$0x3FA9] =	sst s1  }
0xa: {  	[smem:$0x3FAA] =	sst s2  }
0xb: {  	[smem:$0x3FAB] =	sst s3  }
0xc: {  	[smem:$0x3FAC] =	sst s4  }
0xd: {  	[smem:$0x3FAD] =	sst s5  }
0xe: {  	[smem:$0x3FAE] =	sst s6  }
0xf: {  	[smem:$0x3FAF] =	sst s7  }
0x10: {  	[smem:$0x3FB0] =	sst s8  }
0x11: {  	[smem:$0x3FB1] =	sst s9;
	s0 =	simm.s32 @!p0 $0x0  }
0x12: {  	s1 =	sld [smem:$0x3F97];
	s0 =	simm.s32 @p0 $0x1  }
0x13: {  	[smem:$0x3FB2] =	sst s0;
	s0 =	simm.s32 @!p1 $0x0  }
0x14: {  	s2 =	sld [smem:$0x3F96];
	s0 =	simm.s32 @p1 $0x1  }
0x15: {  	[smem:$0x3FB3] =	sst s0;
	s0 =	simm.s32 @!p2 $0x0  }
0x16: {  	s3 =	sld [smem:$0x3FDB];
	s0 =	simm.s32 @p2 $0x1  }
0x17: {  	s4 =	simm.s32 $0x1BF5;
	[smem:$0x3FB5] =	sst s0  }
0x18: {  	s0 =	sld [smem:$0x3F98];
	_ =	swait.ge [sflag:s4], $0x0  }
0x19: {  	s7 =	sld [smem:$0x3F99]  }
0x1a: {  	s8 =	sadd.s32 $0xFFFFE003, lr  }
0x1b: {  	s9 =	sadd.s32 $0xFFFFFEF7, lr;
	s5 =	simm.s32 $0xFFFFFFFF;
	p2 =	slt.u32 s8, $0xFFFFF086  }
0x1c: {  	p1 =	slt.u32 s9, $0xF7A;
	s5 =	simm.s32 @!p2 $0x0  }
0x1d: {  	s5 =	simm.s32 @p1 $0x1;
	p0 =	seq.s32 s7, s2  }
0x1e: {  	s7 =	smul.u32 @!p0 $0xF7A, s2;
	p2 =	seq.s32 @!p0 s5, $0x0  }
0x1f: {  	s9 =	smul.u32 $0xF7A, s1;
	s8 =	simm.s32 @!p0 $0x1BF5;
	p2 =	por !p2, p0  }
0x20: {  	[sflag:s8] =	ssyncset.s32 @!p0 $0xFFFFF086;
	s6 =	sadd.s32 @!p0 s3, s7;
	s7 =	simm.s32 @!p0 $0x108  }
0x21: {  	s3 =	sadd.s32 s3, s9;
	s6 =	sadd.s32 @!p0 $0x88, s6;
	s7 =	simm.s32 @p2 $0x1082  }
0x22: {  	[simem:s7], [sflag:s8] =	dma.local @!p0 [hbm:s6], $0xF7A  }
0x23: {  	s9 =	sor.u32 $0xD0000000, s2;
	s6 =	simm.s32 $0x108;
	_ =	swait.ge @!p0 [sflag:s8], $0x0  }
0x24: {  	s3 =	sadd.s32 $0x88, s3;
	s6 =	simm.s32 @!p1 $0x1082;
	[sflag:s4] =	ssyncset.s32 $0xFFFFF086  }
0x25: {  	[simem:s6], [sflag:s4] =	dma.local [hbm:s3], $0xF7A  }
0x26: {  	[smem:$0x3F99] =	sst s1;
	(tag) =	ssettag s2;
	_ =	strace s9  }
0x27: {  	s1 =	sld [smem:$0x3FA9]  }
0x28: {  	s2 =	sld [smem:$0x3FAA]  }
0x29: {  	s4 =	sld [smem:$0x3FAC]  }
0x2a: {  	p0 =	seq.s32 s5, $0x0;
	s5 =	sld [smem:$0x3FAD]  }
0x2b: {  	s6 =	sld [smem:$0x3FAE]  }
0x2c: {  	s7 =	sld [smem:$0x3FAF]  }
0x2d: {  	s3 =	simm.s32 $0x108;
	s8 =	sld [smem:$0x3FB0]  }
0x2e: {  	s3 =	simm.s32 @!p0 $0x1082;
	s9 =	sld [smem:$0x3FB1]  }
0x2f: {  	lr =	sadd.s32 s0, s3;
	s0 =	sld [smem:$0x3FA8]  }
0x30: {  	s3 =	sld [smem:$0x3FAB]  }
0x31: {  	[smem:$0x3FB4] =	sst s10  }
0x32: {  	s10 =	sld [smem:$0x3FB2];
	_ =	sdelay $0x3  }
0x33: {  	p0 =	seq.s32 s10, $0x1;
	s10 =	sld [smem:$0x3FB4];
	_ =	sdelay $0x3  }
0x34: {  	[smem:$0x3FB4] =	sst s10  }
0x35: {  	s10 =	sld [smem:$0x3FB3];
	_ =	sdelay $0x3  }
0x36: {  	p1 =	seq.s32 s10, $0x1;
	s10 =	sld [smem:$0x3FB4];
	_ =	sdelay $0x3  }
0x37: {  	[smem:$0x3FB4] =	sst s10  }
0x38: {  	s10 =	sld [smem:$0x3FB5]  }
0x39: {  	_ = 	snop;
	(pc) =	sbr.ind lr, $3  }
0x3a: {  	_ = 	snop  }
0x3b: {  	_ = 	snop  }
0x3c: {  	p2 =	seq.s32 s10, $0x1;
	s10 =	sld [smem:$0x3FB4]  }
0x3d: {  	_ =	shalt  }
0x3e: {  	_ =	shalt  }
0x3f: {  	_ =	shalt  }
0x40: {  	_ =	shalt  }
0x41: {  	_ =	shalt  }
0x42: {  	_ =	shalt  }
0x43: {  	_ =	shalt  }
0x44: {  	_ =	shalt  }
0x45: {  	_ =	shalt  }
0x46: {  	_ =	shalt  }
0x47: {  	_ =	shalt  }
0x48: {  	_ =	shalt  }
0x49: {  	_ =	shalt  }
0x4a: {  	_ =	shalt  }
0x4b: {  	_ =	shalt  }
0x4c: {  	_ =	shalt  }
0x4d: {  	_ =	shalt  }
0x4e: {  	_ =	shalt  }
0x4f: {  	_ =	shalt  }
0x50: {  	_ =	shalt  }
0x51: {  	_ =	shalt  }
0x52: {  	_ =	shalt  }
0x53: {  	_ =	shalt  }
0x54: {  	_ =	shalt  }
0x55: {  	_ =	shalt  }
0x56: {  	_ =	shalt  }
0x57: {  	_ =	shalt  }
0x58: {  	_ =	shalt  }
0x59: {  	_ =	shalt  }
0x5a: {  	_ =	shalt  }
0x5b: {  	_ =	shalt  }
0x5c: {  	_ =	shalt  }
0x5d: {  	_ =	shalt  }
0x5e: {  	_ =	shalt  }
0x5f: {  	_ =	shalt  }
0x60: {  	_ =	shalt  }
0x61: {  	_ =	shalt  }
0x62: {  	_ =	shalt  }
0x63: {  	_ =	shalt  }
0x64: {  	_ =	shalt  }
0x65: {  	_ =	shalt  }
0x66: {  	_ =	shalt  }
0x67: {  	_ =	shalt  }
0x68: {  	_ =	shalt  }
0x69: {  	_ =	shalt  }
0x6a: {  	_ =	shalt  }
0x6b: {  	_ =	shalt  }
0x6c: {  	_ =	shalt  }
0x6d: {  	_ =	shalt  }
0x6e: {  	_ =	shalt  }
0x6f: {  	_ =	shalt  }
0x70: {  	_ =	shalt  }
0x71: {  	_ =	shalt  }
0x72: {  	_ =	shalt  }
0x73: {  	_ =	shalt  }
0x74: {  	_ =	shalt  }
0x75: {  	_ =	shalt  }
0x76: {  	_ =	shalt  }
0x77: {  	_ =	shalt  }
0x78: {  	_ =	shalt  }
0x79: {  	_ =	shalt  }
0x7a: {  	_ =	shalt  }
0x7b: {  	_ =	shalt  }
0x7c: {  	_ =	shalt  }
0x7d: {  	_ =	shalt  }
0x7e: {  	_ =	shalt  }
0x7f: {  	_ =	shalt  }
0x80: {  	_ =	shalt  }
0x81: {  	_ =	shalt  }
0x82: {  	_ =	shalt  }
0x83: {  	_ =	shalt  }
0x84: {  	_ =	shalt  }
0x85: {  	_ =	shalt  }
0x86: {  	_ =	shalt  }
0x87: {  	_ =	shalt  }
.Lfunc_end0:
.L_simem_size_0:
called_computation.1_lowered:
.L_overlay_start_0:
0x88: {  	s2 =	sld [smem:$0x3FD9]  }
0x89: {  	s3 =	sld [smem:$0x3FFE];
	_ =	sdelay $0x1  }
0x8a: {  	s1 =	srdreg.scid  }
0x8b: {  	s0 =	sand.u32 $0x1, s1  }
0x8c: {  	s16 =	sshll.u32 s0, $0xA;
	s2 =	sadd.s32 s3, s2  }
0x8d: {  	s2 =	sadd.s32 s2, s16  }
0x8e: {  	[smem:$0x3FC0] =	sst s2  }
0x8f: {  	_ = 	snop  }
0x90: {  	(tm) =	ssettm $0x1  }
0x91: {  	s17 =	sld [smem:$0x3FFB];
	_ =	sdelay $0x3  }
0x92: {  	_ =	strace s17  }
0x93: {  	s2 =	sld [smem:$0x3FFC];
	_ =	sdelay $0x3  }
0x94: {  	_ =	strace s2  }
0x95: {  	s2 =	sld [smem:$0x3FFD];
	_ =	sdelay $0x3  }
0x96: {  	_ =	strace s2  }
0x97: {  	_ =	strace $0x8FFFFFFF  }
0x98: {  	s18 =	sld [smem:$0x3FDB];
	_ =	sdelay $0x1  }
0x99: {  	s19 =	simm.s32 $_scs_section_size  }
0x9a: {  	s4 =	simm.s32 $_size__tile_overlayer_lowered;
	s5 =	simm.s32 $_tile_overlayer_lowered  }
0x9b: {  	s22 =	simm.s32 $0x1BFF;
	s21 =	sshll.u32 s5, $0x1;
	s2 =	sadd.s32 s19, s18  }
0x9c: {  	s6 =	simm.s32 $0x0;
	s20 =	sshll.u32 s4, $0x1;
	s4 =	sadd.s32 s21, s2  }
0x9d: {  	[timem:s6], [sflag:s22] =	dma.local [hbm:s4], s20  }
0x9e: {  	_ =	swait.ge [sflag:s22], s20  }
0x9f: {  	s3 =	ssub.s32 $0x0, s20;
	[sflag:s22] =	ssyncset.done $0x0  }
0xa0: {  	[sflag:s22] =	ssyncadd.s32 s3;
	_ =	sdelay $0x1  }
0xa1: {  	s23 =	simm.s32 $0x1B8B  }
0xa2: {  	_ =	swait.ge [sflag:s23], $0x1  }
0xa3: {  	[sflag:s23] =	ssyncset.done $0x0  }
0xa4: {  	s25 =	simm.s32 $0x1B8E;
	s24 =	sld [smem:$0x3FFE];
	[sflag:s23] =	ssyncadd.s32 $0xFFFFFFFF  }
0xa5: {  	s26 =	simm.s32 $execute0_lowered;
	[smem:$0x3FD2] =	sst s25  }
0xa6: {  	s4 =	sshll.u32 s26, $0x1;
	_ =	strace $0x80000049;
	[dreg:$0x1] =	wrdreg $0xFFFFFFFF  }
0xa7: {  	s28 =	simm.s32 $_size_execute0_lowered;
	s2 =	sadd.s32 s2, s4;
	[dreg:$0x0] =	wrdreg $0x0  }
0xa8: {  	s4 =	sshll.u32 s28, $0x1;
	[dreg:$0x2] =	wrdreg s2  }
0xa9: {  	[dreg:$0x3] =	wrdreg s4  }
0xaa: {  	[dreg:$0x4] =	wrdreg $0xC0  }
0xab: {  	_ =	task [dreg:s6], $0x5FFFF  }
0xac: {  	[dreg:$0x1] =	wrdreg $0xFFFFFFFF  }
0xad: {  	[dreg:$0x0] =	wrdreg $0x60  }
0xae: {  	[dreg:$0x2] =	wrdreg s24  }
0xaf: {  	[dreg:$0x3] =	wrdreg $0x98000  }
0xb0: {  	[dreg:$0x4] =	wrdreg $0x9  }
0xb1: {  	_ =	task.clear_ibuf [dreg:s6], $0x5FFFF;
	_ =	strace $0x90000049  }
0xb2: {  	s29 =	simm.s32 $0x9;
	_ =	strace $0x8000004B  }
0xb3: {  	_ =	swait.ge [sflag:s29], $0x1  }
0xb4: {  	[sflag:s29] =	ssyncadd.s32 $0xFFFFFFFF  }
0xb5: {  	_ =	strace $0x9000004B  }
0xb6: {  	_ =	sfence  }
0xb7: {  	s30 =	sld [smem:$0x0];
	_ =	sdelay $0x2  }
0xb8: {  	s31 =	sshll.u32 s1, $0xD;
	s1 =	sshrl.u32 s1, $0x2  }
0xb9: {  	s3 =	sand.u32 $0x4000, s31;
	s1 =	sadd.s32 s1, s30  }
0xba: {  	s0 =	sor.u32 s3, s0;
	s1 =	sshll.u32 s1, $0x11  }
0xbb: {  	s0 =	sor.u32 s1, s0  }
0xbc: {  	s0 =	sadd.s32 $0x8F2B, s0  }
0xbd: {  	[sflag:s0] =	ssyncadd.remote.s32 $0x1  }
0xbe: {  	_ =	sfence.sel $0xFFFF  }
0xbf: {  	[dreg:$0x0] =	wrdreg $0xFFFFFFFF;
	(pc) =	sbr.abs _section_cstart, $3  }
0xc0: {  	[dreg:$0x1] =	wrdreg $0xFFFFFFFF  }
0xc1: {  	_ =	task.clear_ibuf [dreg:s6], $0x2FFFF;
	_ =	strace $0x9FFFFFFF  }
0xc2: {  	(tm) =	ssettm $0x7FFFFFFF  }
0xc3: {  	_ =	shalt  }
tec
execute0_lowered:
.L_overlay_start_1:
0x0: {  	(tag) =	ssettag $0x1  }
0x1: {  	s0 =	rddreg [dreg:$0x0]  }
0x2: {  	s1 =	rddreg [dreg:$0x1];
	s2 =	srdreg.scid  }
0x3: {  	s3 =	simm.s32 $0x0;
	s15 =	stileid.u32;
	s19 =	simm.s32 $0x3  }
0x4: {  	s20 =	simm.s32 $0x800;
	s21 =	simm.s32 $0x1000;
	s22 =	simm.s32 $0x80  }
0x5: {  	s23 =	simm.s32 $0x1800;
	s24 =	simm.s32 $0x5800;
	s25 =	simm.s32 $0x1  }
0x6: {  	s26 =	simm.s32 $0x2;
	s28 =	simm.s32 $0x0;
	s7 =	smul.u32 $0x14000, s15  }
0x7: {  	s2 =	sand.u32 $0x1, s2;
	[smem:$0x7FF] =	sst s3;
	s9 =	smul.u32 $0x50000, s15  }
0x8: {  	s4 =	sadd.s32 $0x1FC00, s0;
	s5 =	sadd.s32 $0xBC00, s0;
	s12 =	smul.u32 $0x2800, s15  }
0x9: {  	s11 =	sshll.u32 s15, $0x1;
	s6 =	smul.u32 $0x140000, s2;
	_ =	strace $0x8000004A  }
0xa: {  	s29 =	ssub.s32 $0x2, s2;
	s14 =	sor.u32 s2, s11;
	p0 =	seq.s32 s2, $0x1  }
0xb: {  	s10 =	sshrl.u32 s29, $0x1;
	s30 =	sshrl.u32 s9, $0x2;
	s31 =	sadd.s32 s4, s12  }
0xc: {  	s14 =	smul.u32 $0x2800, s14;
	s2 =	sshll.u32 @!p0 s15, $0x6;
	s8 =	sadd.s32 s7, s6  }
0xd: {  	s6 =	sadd.s32 $0x15C00, s0;
	s7 =	sadd.s32 $0x1C00, s0;
	s16 =	ssub.s32 s29, s10  }
0xe: {  	[dreg:$0x3] =	wrdreg s31;
	s17 =	sor.u32 @!p0 $0x1C03, s2;
	s8 =	sshrl.u32 s8, $0x3  }
0xf: {  	s16 =	smax.u32 s16, $0x1;
	s0 =	sadd.s32 s8, s0;
	s8 =	sadd.s32 s30, s1  }
0x10: {  	s10 =	sadd.s32 $0x4000, s8;
	s11 =	sadd.s32 $0x8000, s8;
	s12 =	sadd.s32 $0xC000, s8  }
0x11: {  	v0 =	vimm.f32 $0.0e+00;
	s13 =	sadd.s32 $0x10000, s8;
	s15 =	sadd.s32 $0x47C00, s0;
	s18 =	sshrl.u32 @!p0 s8, $0x3  }
.LBB2_1:
0x12: {  	s0 =	simm.s32 $0x0;
	s2 =	simm.s32 $0x200  }
.LBB2_2:
0x13: {  	p1 =	sne.s32 s2, $0xFE00;
	[tilespmem:s0+$0x1870] =	vst v0  }
0x14: {  	[tilespmem:s0+$0x1800] =	vst v0  }
0x15: {  	[tilespmem:s0+$0x1810] =	vst v0  }
.Ltmp0:
0x16: {  	[tilespmem:s0+$0x1820] =	vst v0;
	(pc) =	sbr.rel @p1 .LBB2_2-.Ltmp0, $4  }
0x17: {  	[tilespmem:s0+$0x1830] =	vst v0  }
0x18: {  	[tilespmem:s0+$0x1840] =	vst v0  }
0x19: {  	[tilespmem:s0+$0x1850] =	vst v0  }
0x1a: {  	[tilespmem:s0+$0x1860] =	vst v0;
	s0 =	sshra.s32 s2, $0x2;
	s2 =	sadd.s32 $0x200, s2  }
0x1b: {  	[tilespmem:s0+$0x1870] =	vst v0  }
0x1c: {  	[tilespmem:s0+$0x1800] =	vst v0  }
0x1d: {  	[tilespmem:s0+$0x1810] =	vst v0  }
0x1e: {  	[tilespmem:s0+$0x1820] =	vst v0  }
0x1f: {  	[tilespmem:s0+$0x1830] =	vst v0  }
0x20: {  	[tilespmem:s0+$0x1840] =	vst v0  }
0x21: {  	[tilespmem:s0+$0x1850] =	vst v0  }
0x22: {  	[tilespmem:s0+$0x1860] =	vst v0;
	s0 =	simm.s32 @p0 $0x1800;
	s2 =	simm.s32 @p0 $0x3  }
0x23: {  	[spmem:s8] =	stream.linear.scatter @p0 [tilespmem:s0], [sflag:$0x3], $0x4000, $0x38;
	[tilespmem:$0x1D800] =	vst v63  }
0x24: {  	_ =	swait.ge @p0 [sflag:s2], $0x4000  }
0x25: {  	[sflag:s2] =	ssyncset.done @p0 $0x0  }
0x26: {  	[sflag:s2] =	ssyncadd.s32 @p0 $0xFFFFC000  }
0x27: {  	[spmem:s10] =	stream.linear.scatter @p0 [tilespmem:s0], [sflag:$0x3], $0x4000, $0x38;
	[tilespmem:$0x1D800] =	vst v63  }
0x28: {  	_ =	swait.ge @p0 [sflag:s2], $0x4000  }
0x29: {  	[sflag:s2] =	ssyncset.done @p0 $0x0  }
0x2a: {  	[sflag:s2] =	ssyncadd.s32 @p0 $0xFFFFC000  }
0x2b: {  	[spmem:s11] =	stream.linear.scatter @p0 [tilespmem:s0], [sflag:$0x3], $0x4000, $0x38;
	[tilespmem:$0x1D800] =	vst v63  }
0x2c: {  	_ =	swait.ge @p0 [sflag:s2], $0x4000  }
0x2d: {  	[sflag:s2] =	ssyncset.done @p0 $0x0  }
0x2e: {  	[sflag:s2] =	ssyncadd.s32 @p0 $0xFFFFC000  }
0x2f: {  	[spmem:s12] =	stream.linear.scatter @p0 [tilespmem:s0], [sflag:$0x3], $0x4000, $0x38;
	[tilespmem:$0x1D800] =	vst v63  }
0x30: {  	_ =	swait.ge @p0 [sflag:s2], $0x4000  }
0x31: {  	[sflag:s2] =	ssyncset.done @p0 $0x0  }
0x32: {  	[sflag:s2] =	ssyncadd.s32 @p0 $0xFFFFC000  }
0x33: {  	[spmem:s13] =	stream.linear.scatter @p0 [tilespmem:s0], [sflag:$0x3], $0x4000, $0x38;
	[tilespmem:$0x1D800] =	vst v63  }
0x34: {  	_ =	swait.ge @p0 [sflag:s2], $0x4000  }
0x35: {  	[sflag:s2] =	ssyncset.done @p0 $0x0  }
0x36: {  	s0 =	rddreg [dreg:$0x3];
	[sflag:s2] =	ssyncadd.s32 @p0 $0xFFFFC000  }
0x37: {  	[spmem:s18], [sflag:s17] =	dma.local @!p0 [hbm:s0], $0x2800  }
0x38: {  	s0 =	simm.s32 @!p0 $0x3  }
0x39: {  	_ =	swait.ge @!p0 [sflag:s0], $0x2800  }
0x3a: {  	[sflag:s0] =	ssyncset.done @!p0 $0x0  }
0x3b: {  	[sflag:s0] =	ssyncadd.s32 @!p0 $0xFFFFD800  }
0x3c: {  	s29 =	simm.s32 $0x0;
	[bflag:$0x0] =	sbarrier.arrive $0xFFFF  }
.LBB2_4:
0x3d: {  	s0 =	sshll.u32 s29, $0xB  }
0x3e: {  	s0 =	sadd.s32 s14, s0  }
0x3f: {  	s0 =	sshrl.u32 s0, $0x3  }
0x40: {  	s2 =	sadd.s32 s5, s0  }
0x41: {  	[tilespmem:s28], [sflag:$0x3] =	stream.linear.gather [hbm4b:s2+s28], $0x800, $0x38;
	[tilespmem:$0x1D800] =	vst v63  }
0x42: {  	_ =	swait.ge [sflag:s19], $0x800  }
0x43: {  	[sflag:s19] =	ssyncset.done $0x0  }
0x44: {  	s31 =	sadd.s32 s6, s0;
	[sflag:s19] =	ssyncadd.s32 $0xFFFFF800  }
0x45: {  	[tilespmem:s20], [sflag:$0x3] =	stream.linear.gather [hbm4b:s31+s28], $0x800, $0x38;
	[tilespmem:$0x1D800] =	vst v63  }
0x46: {  	_ =	swait.ge [sflag:s19], $0x800  }
0x47: {  	[sflag:s19] =	ssyncset.done $0x0  }
0x48: {  	s0 =	sadd.s32 s7, s0;
	[sflag:s19] =	ssyncadd.s32 $0xFFFFF800  }
0x49: {  	[tilespmem:s21], [sflag:$0x3] =	stream.linear.gather [hbm4b:s0+s28], $0x800, $0x38;
	[tilespmem:$0x1D800] =	vst v63  }
0x4a: {  	_ =	swait.ge [sflag:s19], $0x800  }
0x4b: {  	[sflag:s19] =	ssyncset.done $0x0  }
0x4c: {  	s30 =	simm.s32 $0x0;
	[sflag:s19] =	ssyncadd.s32 $0xFFFFF800  }
0x4d: {  	[tilespmem:s23], [sflag:$0x1] =	stream.indirect.gather [hbm4b:s4+s22], $0x80, s28, s22, $0xb8;
	[tilespmem:$0x1D800] =	vst v63  }
.LBB2_5:
0x4e: {  	s0 =	sshllo.u32 s30, $0x1  }
0x4f: {  	s31 =	sshll.u32 s0, $0x7  }
0x50: {  	[tilespmem:s24], [sflag:$0x2] =	stream.indirect.gather [hbm4b:s4+s22], $0x80, s31, s22, $0xb8;
	[tilespmem:$0x1D800] =	vst v63  }
0x51: {  	_ =	swait.ge [sflag:s25], $0x4000  }
0x52: {  	s9 =	sshll.u32 s30, $0x8;
	[sflag:s25] =	ssyncset.done $0x0  }
0x53: {  	s2 =	simm.s32 $0x1A00;
	v1 =	vmov s9;
	s0 =	simm.s32 $0x7;
	[sflag:s25] =	ssyncadd.s32 $0xFFFFC000  }
.LBB2_6:
0x54: {  	s9 =	sadd.s32 $0xFFFFFFF9, s0  }
0x55: {  	v2 =	vmov s9  }
0x56: {  	s9 =	sadd.s32 $0xFFFFFFFA, s0;
	v2 =	vand.u32 $0x78, v2  }
0x57: {  	v8 =	vmov s0;
	v3 =	vmov s9;
	s9 =	sadd.s32 $0xFFFFFFFB, s0;
	v2 =	vor.u32 v1, v2  }
0x58: {  	v39 =	vld [tilespmem:s2+$0xFFFFFE00];
	v3 =	vand.u32 $0x79, v3;
	v4 =	vmov s9;
	s9 =	sadd.s32 $0xFFFFFFFC, s0;
	v2 =	vbroadcast v2, $0x0  }
0x59: {  	v40 =	vld [tilespmem:s2+$0xFFFFFE80];
	v3 =	vor.u32 v1, v3;
	v4 =	vand.u32 $0x7A, v4;
	v5 =	vmov s9  }
0x5a: {  	v41 =	vld [tilespmem:s2+$0xFFFFFF00];
	s9 =	sadd.s32 $0xFFFFFFFD, s0;
	v3 =	vbroadcast v3, $0x0;
	v4 =	vor.u32 v1, v4;
	v5 =	vand.u32 $0x7B, v5  }
0x5b: {  	v45 =	vld [tilespmem:s2+$0xFFFFFE10];
	v6 =	vmov s9;
	s9 =	sadd.s32 $0xFFFFFFFE, s0;
	v4 =	vbroadcast v4, $0x0;
	v5 =	vor.u32 v1, v5  }
0x5c: {  	v47 =	vld [tilespmem:s2+$0xFFFFFE90];
	v6 =	vand.u32 $0x7C, v6;
	v7 =	vmov s9;
	s9 =	sadd.s32 $0xFFFFFFFF, s0;
	v5 =	vbroadcast v5, $0x0  }
0x5d: {  	v49 =	vld [tilespmem:s2+$0xFFFFFF10];
	v6 =	vor.u32 v1, v6;
	v34 =	vand.u32 $0x7D, v7;
	v35 =	vmov s9  }
0x5e: {  	v61 =	vld [tilespmem:s2+$0xFFFFFE20];
	v10 =	vbroadcast v6, $0x0;
	v6 =	vor.u32 v1, v34;
	v7 =	vand.u32 $0x7E, v35  }
0x5f: {  	v63 =	vld [tilespmem:s2+$0xFFFFFEA0];
	v37 =	vand.u32 $0x7F, v8;
	v11 =	vbroadcast v6, $0x0;
	v36 =	vor.u32 v1, v7  }
0x60: {  	v38 =	vor.u32 v1, v37;
	v8 =	vld.idx.msk [tilespmem:v2+s21+$0x0], $0xffff;
	v2 =	vbroadcast v36, $0x0  }
0x61: {  	v12 =	vbroadcast v38, $0x0;
	v9 =	vld.idx.msk [tilespmem:v3+s21+$0x0], $0xffff  }
0x62: {  	v7 =	vld.idx.msk [tilespmem:v4+s21+$0x0], $0xffff  }
0x63: {  	v6 =	vld.idx.msk [tilespmem:v5+s21+$0x0], $0xffff  }
0x64: {  	v5 =	vld.idx.msk [tilespmem:v10+s21+$0x0], $0xffff  }
0x65: {  	v4 =	vld.idx.msk [tilespmem:v11+s21+$0x0], $0xffff;
	v10 =	vmul.f32 v39, v8  }
0x66: {  	v54 =	vmul.f32 v45, v8;
	v3 =	vld.idx.msk [tilespmem:v2+s21+$0x0], $0xffff  }
0x67: {  	v25 =	vmul.f32 v61, v8;
	v2 =	vld.idx.msk [tilespmem:v12+s21+$0x0], $0xffff;
	[tilespmem:s2+$0xFFFFFE00] =	vst v10  }
0x68: {  	v20 =	vld [tilespmem:s2+$0xFFFFFF20];
	v11 =	vmul.f32 v40, v9;
	[tilespmem:s2+$0xFFFFFE10] =	vst v54  }
0x69: {  	v32 =	vld [tilespmem:s2+$0xFFFFFE30];
	v56 =	vmul.f32 v47, v9;
	[tilespmem:s2+$0xFFFFFE20] =	vst v25  }
0x6a: {  	v36 =	vld [tilespmem:s2+$0xFFFFFF30];
	v27 =	vmul.f32 v63, v9;
	[tilespmem:s2+$0xFFFFFE80] =	vst v11  }
0x6b: {  	v13 =	vld [tilespmem:s2+$0xFFFFFF80];
	v42 =	vmul.f32 v41, v7;
	[tilespmem:s2+$0xFFFFFE90] =	vst v56  }
0x6c: {  	v51 =	vld [tilespmem:s2+$0xFFFFFF90];
	v58 =	vmul.f32 v49, v7;
	[tilespmem:s2+$0xFFFFFEA0] =	vst v27  }
0x6d: {  	v22 =	vld [tilespmem:s2+$0xFFFFFFA0];
	v29 =	vmul.f32 v20, v7;
	[tilespmem:s2+$0xFFFFFF00] =	vst v42  }
0x6e: {  	v38 =	vld [tilespmem:s2+$0xFFFFFFB0];
	v41 =	vmul.f32 v32, v8;
	[tilespmem:s2+$0xFFFFFF10] =	vst v58  }
0x6f: {  	v14 =	vld [tilespmem:s2+$0x0];
	v45 =	vmul.f32 v36, v7;
	[tilespmem:s2+$0xFFFFFF20] =	vst v29  }
0x70: {  	v53 =	vld [tilespmem:s2+$0x10];
	v44 =	vmul.f32 v13, v6;
	[tilespmem:s2+$0xFFFFFE30] =	vst v41  }
0x71: {  	v24 =	vld [tilespmem:s2+$0x20];
	v60 =	vmul.f32 v51, v6;
	[tilespmem:s2+$0xFFFFFF30] =	vst v45  }
0x72: {  	v15 =	vld [tilespmem:s2+$0x80];
	v31 =	vmul.f32 v22, v6;
	[tilespmem:s2+$0xFFFFFF80] =	vst v44  }
0x73: {  	v55 =	vld [tilespmem:s2+$0x90];
	v47 =	vmul.f32 v38, v6;
	[tilespmem:s2+$0xFFFFFF90] =	vst v60  }
0x74: {  	v26 =	vld [tilespmem:s2+$0xA0];
	v46 =	vmul.f32 v14, v5;
	[tilespmem:s2+$0xFFFFFFA0] =	vst v31  }
0x75: {  	v16 =	vld [tilespmem:s2+$0x100];
	v62 =	vmul.f32 v53, v5;
	[tilespmem:s2+$0xFFFFFFB0] =	vst v47  }
0x76: {  	v43 =	vld [tilespmem:s2+$0x180];
	v33 =	vmul.f32 v24, v5;
	[tilespmem:s2+$0x0] =	vst v46  }
0x77: {  	v57 =	vld [tilespmem:s2+$0x110];
	v48 =	vmul.f32 v15, v4;
	[tilespmem:s2+$0x10] =	vst v62  }
0x78: {  	v59 =	vld [tilespmem:s2+$0x190];
	v19 =	vmul.f32 v55, v4;
	[tilespmem:s2+$0x20] =	vst v33  }
0x79: {  	v28 =	vld [tilespmem:s2+$0x120];
	v35 =	vmul.f32 v26, v4;
	[tilespmem:s2+$0x80] =	vst v48  }
0x7a: {  	v30 =	vld [tilespmem:s2+$0x1A0];
	v50 =	vmul.f32 v16, v3;
	[tilespmem:s2+$0x90] =	vst v19  }
0x7b: {  	v34 =	vld [tilespmem:s2+$0xFFFFFEB0];
	v52 =	vmul.f32 v43, v2;
	[tilespmem:s2+$0xA0] =	vst v35  }
0x7c: {  	v40 =	vld [tilespmem:s2+$0x30];
	v21 =	vmul.f32 v57, v3;
	[tilespmem:s2+$0x100] =	vst v50  }
0x7d: {  	v54 =	vld [tilespmem:s2+$0xFFFFFFC0];
	v23 =	vmul.f32 v59, v2;
	[tilespmem:s2+$0x180] =	vst v52  }
0x7e: {  	v20 =	vld [tilespmem:s2+$0xFFFFFE50];
	v37 =	vmul.f32 v28, v3;
	[tilespmem:s2+$0x110] =	vst v21  }
0x7f: {  	v32 =	vld [tilespmem:s2+$0x150];
	v39 =	vmul.f32 v30, v2;
	[tilespmem:s2+$0x190] =	vst v23  }
0x80: {  	v36 =	vld [tilespmem:s2+$0xFFFFFE60];
	v43 =	vmul.f32 v34, v9;
	[tilespmem:s2+$0x120] =	vst v37  }
0x81: {  	v56 =	vld [tilespmem:s2+$0x40];
	v49 =	vmul.f32 v40, v5;
	[tilespmem:s2+$0x1A0] =	vst v39  }
0x82: {  	v22 =	vld [tilespmem:s2+$0xFFFFFED0];
	v63 =	vmul.f32 v54, v6;
	[tilespmem:s2+$0xFFFFFEB0] =	vst v43  }
0x83: {  	v38 =	vld [tilespmem:s2+$0xFFFFFEE0];
	v29 =	vmul.f32 v20, v8;
	[tilespmem:s2+$0x30] =	vst v49  }
0x84: {  	v42 =	vld [tilespmem:s2+$0xB0];
	v41 =	vmul.f32 v32, v3;
	[tilespmem:s2+$0xFFFFFFC0] =	vst v63  }
0x85: {  	v58 =	vld [tilespmem:s2+$0xC0];
	v45 =	vmul.f32 v36, v8;
	[tilespmem:s2+$0xFFFFFE50] =	vst v29  }
0x86: {  	v24 =	vld [tilespmem:s2+$0xFFFFFF50];
	v21 =	vmul.f32 v56, v5;
	[tilespmem:s2+$0x150] =	vst v41  }
0x87: {  	v44 =	vld [tilespmem:s2+$0x130];
	v31 =	vmul.f32 v22, v9;
	[tilespmem:s2+$0xFFFFFE60] =	vst v45  }
0x88: {  	v60 =	vld [tilespmem:s2+$0x140];
	v47 =	vmul.f32 v38, v9;
	[tilespmem:s2+$0x40] =	vst v21  }
0x89: {  	v26 =	vld [tilespmem:s2+$0xFFFFFFD0];
	v51 =	vmul.f32 v42, v4;
	[tilespmem:s2+$0xFFFFFED0] =	vst v31  }
0x8a: {  	v46 =	vld [tilespmem:s2+$0x1B0];
	v23 =	vmul.f32 v58, v4;
	[tilespmem:s2+$0xFFFFFEE0] =	vst v47  }
0x8b: {  	v62 =	vld [tilespmem:s2+$0x1C0];
	v33 =	vmul.f32 v24, v7;
	[tilespmem:s2+$0xB0] =	vst v51  }
0x8c: {  	v28 =	vld [tilespmem:s2+$0x50];
	v53 =	vmul.f32 v44, v3;
	[tilespmem:s2+$0xC0] =	vst v23  }
0x8d: {  	v30 =	vld [tilespmem:s2+$0xD0];
	v25 =	vmul.f32 v60, v3;
	[tilespmem:s2+$0xFFFFFF50] =	vst v33  }
0x8e: {  	v34 =	vld [tilespmem:s2+$0x1D0];
	v35 =	vmul.f32 v26, v6;
	[tilespmem:s2+$0x130] =	vst v53  }
0x8f: {  	v40 =	vld [tilespmem:s2+$0xFFFFFF60];
	v55 =	vmul.f32 v46, v2;
	[tilespmem:s2+$0x140] =	vst v25  }
0x90: {  	v48 =	vld [tilespmem:s2+$0xFFFFFE40];
	v27 =	vmul.f32 v62, v2;
	[tilespmem:s2+$0xFFFFFFD0] =	vst v35  }
0x91: {  	v50 =	vld [tilespmem:s2+$0xFFFFFEC0];
	v37 =	vmul.f32 v28, v5;
	[tilespmem:s2+$0x1B0] =	vst v55  }
0x92: {  	v52 =	vld [tilespmem:s2+$0xFFFFFF40];
	v39 =	vmul.f32 v30, v4;
	[tilespmem:s2+$0x1C0] =	vst v27  }
0x93: {  	v54 =	vld [tilespmem:s2+$0xFFFFFEF0];
	v43 =	vmul.f32 v34, v2;
	[tilespmem:s2+$0x50] =	vst v37  }
0x94: {  	v56 =	vld [tilespmem:s2+$0xFFFFFF70];
	v49 =	vmul.f32 v40, v7;
	[tilespmem:s2+$0xD0] =	vst v39  }
0x95: {  	v42 =	vld [tilespmem:s2+$0xFFFFFFE0];
	v57 =	vmul.f32 v48, v8;
	[tilespmem:s2+$0x1D0] =	vst v43  }
0x96: {  	v58 =	vld [tilespmem:s2+$0xFFFFFFF0];
	v59 =	vmul.f32 v50, v9;
	[tilespmem:s2+$0xFFFFFF60] =	vst v49  }
0x97: {  	v44 =	vld [tilespmem:s2+$0x60];
	v61 =	vmul.f32 v52, v7;
	[tilespmem:s2+$0xFFFFFE40] =	vst v57  }
0x98: {  	v60 =	vld [tilespmem:s2+$0x70];
	v9 =	vmul.f32 v54, v9;
	[tilespmem:s2+$0xFFFFFEC0] =	vst v59  }
0x99: {  	v46 =	vld [tilespmem:s2+$0xE0];
	v7 =	vmul.f32 v56, v7;
	[tilespmem:s2+$0xFFFFFF40] =	vst v61  }
0x9a: {  	v48 =	vld [tilespmem:s2+$0x160];
	v51 =	vmul.f32 v42, v6;
	[tilespmem:s2+$0xFFFFFEF0] =	vst v9  }
0x9b: {  	v62 =	vld [tilespmem:s2+$0x170];
	v6 =	vmul.f32 v58, v6;
	[tilespmem:s2+$0xFFFFFF70] =	vst v7  }
0x9c: {  	v50 =	vld [tilespmem:s2+$0x1E0];
	v53 =	vmul.f32 v44, v5;
	[tilespmem:s2+$0xFFFFFFE0] =	vst v51  }
0x9d: {  	v52 =	vld [tilespmem:s2+$0xFFFFFE70];
	v5 =	vmul.f32 v60, v5;
	[tilespmem:s2+$0xFFFFFFF0] =	vst v6  }
0x9e: {  	v63 =	vld [tilespmem:s2+$0x1F0];
	v55 =	vmul.f32 v46, v4;
	[tilespmem:s2+$0x60] =	vst v53  }
0x9f: {  	v61 =	vld [tilespmem:s2+$0xF0];
	v57 =	vmul.f32 v48, v3;
	[tilespmem:s2+$0x70] =	vst v5  }
0xa0: {  	v3 =	vmul.f32 v62, v3;
	[tilespmem:s2+$0xE0] =	vst v55  }
0xa1: {  	p1 =	sne.s32 s0, $0x7F;
	v59 =	vmul.f32 v50, v2;
	[tilespmem:s2+$0x160] =	vst v57  }
.Ltmp1:
0xa2: {  	v8 =	vmul.f32 v52, v8;
	[tilespmem:s2+$0x170] =	vst v3;
	(pc) =	sbr.rel @p1 .LBB2_6-.Ltmp1, $4  }
0xa3: {  	v2 =	vmul.f32 v63, v2;
	[tilespmem:s2+$0x1E0] =	vst v59  }
0xa4: {  	[tilespmem:s2+$0xFFFFFE70] =	vst v8;
	v4 =	vmul.f32 v61, v4  }
0xa5: {  	[tilespmem:s2+$0x1F0] =	vst v2  }
0xa6: {  	s0 =	sadd.s32 $0x8, s0;
	[tilespmem:s2+$0xF0] =	vst v4;
	s2 =	sadd.s32 $0x400, s2  }
0xa7: {  	s0 =	sshll.u32 s30, $0xA  }
0xa8: {  	s2 =	sshrl.u32 s0, $0x2  }
0xa9: {  	s2 =	sadd.s32 $0x800, s2  }
0xaa: {  	[spmem:s1] =	stream.indirect.scatter.add.f32 [tilespmem:s23], [sflag:$0x3], $0x80, s2, s22, $0xb8;
	[tilespmem:$0x1D800] =	vst v63  }
0xab: {  	p1 =	seq.s32 s30, $0x7;
	_ =	swait.ge [sflag:s19], $0x4000  }
0xac: {  	s0 =	sshrl.u32 @!p1 s0, $0x2;
	s9 =	simm.s32 @!p1 $0x1800;
	[sflag:s19] =	ssyncset.done $0x0  }
0xad: {  	s0 =	sadd.s32 @!p1 $0x100, s0;
	s2 =	simm.s32 @!p1 $0x80;
	[sflag:s19] =	ssyncadd.s32 $0xFFFFC000  }
0xae: {  	[tilespmem:s9], [sflag:$0x1] =	stream.indirect.gather @!p1 [hbm4b:s4+s2], $0x80, s0, s2, $0xb8;
	[tilespmem:$0x1D800] =	vst v63  }
0xaf: {  	_ =	swait.ge [sflag:s26], $0x4000  }
0xb0: {  	[sflag:s26] =	ssyncset.done $0x0  }
0xb1: {  	v1 =	vmov s31;
	s0 =	simm.s32 $0x7;
	s2 =	simm.s32 $0x5A00;
	[sflag:s26] =	ssyncadd.s32 $0xFFFFC000  }
.LBB2_8:
0xb2: {  	s9 =	sadd.s32 $0xFFFFFFF9, s0  }
0xb3: {  	v2 =	vmov s9  }
0xb4: {  	s9 =	sadd.s32 $0xFFFFFFFA, s0;
	v2 =	vand.u32 $0x78, v2  }
0xb5: {  	v8 =	vmov s0;
	v3 =	vmov s9;
	s9 =	sadd.s32 $0xFFFFFFFB, s0;
	v2 =	vor.u32 v1, v2  }
0xb6: {  	v39 =	vld [tilespmem:s2+$0xFFFFFE00];
	v3 =	vand.u32 $0x79, v3;
	v4 =	vmov s9;
	s9 =	sadd.s32 $0xFFFFFFFC, s0;
	v2 =	vbroadcast v2, $0x0  }
0xb7: {  	v40 =	vld [tilespmem:s2+$0xFFFFFE80];
	v3 =	vor.u32 v1, v3;
	v4 =	vand.u32 $0x7A, v4;
	v5 =	vmov s9  }
0xb8: {  	v41 =	vld [tilespmem:s2+$0xFFFFFF00];
	s9 =	sadd.s32 $0xFFFFFFFD, s0;
	v3 =	vbroadcast v3, $0x0;
	v4 =	vor.u32 v1, v4;
	v5 =	vand.u32 $0x7B, v5  }
0xb9: {  	v45 =	vld [tilespmem:s2+$0xFFFFFE10];
	v6 =	vmov s9;
	s9 =	sadd.s32 $0xFFFFFFFE, s0;
	v4 =	vbroadcast v4, $0x0;
	v5 =	vor.u32 v1, v5  }
0xba: {  	v47 =	vld [tilespmem:s2+$0xFFFFFE90];
	v6 =	vand.u32 $0x7C, v6;
	v7 =	vmov s9;
	s9 =	sadd.s32 $0xFFFFFFFF, s0;
	v5 =	vbroadcast v5, $0x0  }
0xbb: {  	v49 =	vld [tilespmem:s2+$0xFFFFFF10];
	v6 =	vor.u32 v1, v6;
	v34 =	vand.u32 $0x7D, v7;
	v35 =	vmov s9  }
0xbc: {  	v61 =	vld [tilespmem:s2+$0xFFFFFE20];
	v10 =	vbroadcast v6, $0x0;
	v6 =	vor.u32 v1, v34;
	v7 =	vand.u32 $0x7E, v35  }
0xbd: {  	v63 =	vld [tilespmem:s2+$0xFFFFFEA0];
	v37 =	vand.u32 $0x7F, v8;
	v11 =	vbroadcast v6, $0x0;
	v36 =	vor.u32 v1, v7  }
0xbe: {  	v38 =	vor.u32 v1, v37;
	v8 =	vld.idx.msk [tilespmem:v2+s21+$0x0], $0xffff;
	v2 =	vbroadcast v36, $0x0  }
0xbf: {  	v12 =	vbroadcast v38, $0x0;
	v9 =	vld.idx.msk [tilespmem:v3+s21+$0x0], $0xffff  }
0xc0: {  	v7 =	vld.idx.msk [tilespmem:v4+s21+$0x0], $0xffff  }
0xc1: {  	v6 =	vld.idx.msk [tilespmem:v5+s21+$0x0], $0xffff  }
0xc2: {  	v5 =	vld.idx.msk [tilespmem:v10+s21+$0x0], $0xffff  }
0xc3: {  	v4 =	vld.idx.msk [tilespmem:v11+s21+$0x0], $0xffff;
	v10 =	vmul.f32 v39, v8  }
0xc4: {  	v54 =	vmul.f32 v45, v8;
	v3 =	vld.idx.msk [tilespmem:v2+s21+$0x0], $0xffff  }
0xc5: {  	v25 =	vmul.f32 v61, v8;
	v2 =	vld.idx.msk [tilespmem:v12+s21+$0x0], $0xffff;
	[tilespmem:s2+$0xFFFFFE00] =	vst v10  }
0xc6: {  	v20 =	vld [tilespmem:s2+$0xFFFFFF20];
	v11 =	vmul.f32 v40, v9;
	[tilespmem:s2+$0xFFFFFE10] =	vst v54  }
0xc7: {  	v32 =	vld [tilespmem:s2+$0xFFFFFE30];
	v56 =	vmul.f32 v47, v9;
	[tilespmem:s2+$0xFFFFFE20] =	vst v25  }
0xc8: {  	v36 =	vld [tilespmem:s2+$0xFFFFFF30];
	v27 =	vmul.f32 v63, v9;
	[tilespmem:s2+$0xFFFFFE80] =	vst v11  }
0xc9: {  	v13 =	vld [tilespmem:s2+$0xFFFFFF80];
	v42 =	vmul.f32 v41, v7;
	[tilespmem:s2+$0xFFFFFE90] =	vst v56  }
0xca: {  	v51 =	vld [tilespmem:s2+$0xFFFFFF90];
	v58 =	vmul.f32 v49, v7;
	[tilespmem:s2+$0xFFFFFEA0] =	vst v27  }
0xcb: {  	v22 =	vld [tilespmem:s2+$0xFFFFFFA0];
	v29 =	vmul.f32 v20, v7;
	[tilespmem:s2+$0xFFFFFF00] =	vst v42  }
0xcc: {  	v38 =	vld [tilespmem:s2+$0xFFFFFFB0];
	v41 =	vmul.f32 v32, v8;
	[tilespmem:s2+$0xFFFFFF10] =	vst v58  }
0xcd: {  	v14 =	vld [tilespmem:s2+$0x0];
	v45 =	vmul.f32 v36, v7;
	[tilespmem:s2+$0xFFFFFF20] =	vst v29  }
0xce: {  	v53 =	vld [tilespmem:s2+$0x10];
	v44 =	vmul.f32 v13, v6;
	[tilespmem:s2+$0xFFFFFE30] =	vst v41  }
0xcf: {  	v24 =	vld [tilespmem:s2+$0x20];
	v60 =	vmul.f32 v51, v6;
	[tilespmem:s2+$0xFFFFFF30] =	vst v45  }
0xd0: {  	v15 =	vld [tilespmem:s2+$0x80];
	v31 =	vmul.f32 v22, v6;
	[tilespmem:s2+$0xFFFFFF80] =	vst v44  }
0xd1: {  	v55 =	vld [tilespmem:s2+$0x90];
	v47 =	vmul.f32 v38, v6;
	[tilespmem:s2+$0xFFFFFF90] =	vst v60  }
0xd2: {  	v26 =	vld [tilespmem:s2+$0xA0];
	v46 =	vmul.f32 v14, v5;
	[tilespmem:s2+$0xFFFFFFA0] =	vst v31  }
0xd3: {  	v16 =	vld [tilespmem:s2+$0x100];
	v62 =	vmul.f32 v53, v5;
	[tilespmem:s2+$0xFFFFFFB0] =	vst v47  }
0xd4: {  	v43 =	vld [tilespmem:s2+$0x180];
	v33 =	vmul.f32 v24, v5;
	[tilespmem:s2+$0x0] =	vst v46  }
0xd5: {  	v57 =	vld [tilespmem:s2+$0x110];
	v48 =	vmul.f32 v15, v4;
	[tilespmem:s2+$0x10] =	vst v62  }
0xd6: {  	v59 =	vld [tilespmem:s2+$0x190];
	v19 =	vmul.f32 v55, v4;
	[tilespmem:s2+$0x20] =	vst v33  }
0xd7: {  	v28 =	vld [tilespmem:s2+$0x120];
	v35 =	vmul.f32 v26, v4;
	[tilespmem:s2+$0x80] =	vst v48  }
0xd8: {  	v30 =	vld [tilespmem:s2+$0x1A0];
	v50 =	vmul.f32 v16, v3;
	[tilespmem:s2+$0x90] =	vst v19  }
0xd9: {  	v34 =	vld [tilespmem:s2+$0xFFFFFEB0];
	v52 =	vmul.f32 v43, v2;
	[tilespmem:s2+$0xA0] =	vst v35  }
0xda: {  	v40 =	vld [tilespmem:s2+$0x30];
	v21 =	vmul.f32 v57, v3;
	[tilespmem:s2+$0x100] =	vst v50  }
0xdb: {  	v54 =	vld [tilespmem:s2+$0xFFFFFFC0];
	v23 =	vmul.f32 v59, v2;
	[tilespmem:s2+$0x180] =	vst v52  }
0xdc: {  	v20 =	vld [tilespmem:s2+$0xFFFFFE50];
	v37 =	vmul.f32 v28, v3;
	[tilespmem:s2+$0x110] =	vst v21  }
0xdd: {  	v32 =	vld [tilespmem:s2+$0x150];
	v39 =	vmul.f32 v30, v2;
	[tilespmem:s2+$0x190] =	vst v23  }
0xde: {  	v36 =	vld [tilespmem:s2+$0xFFFFFE60];
	v43 =	vmul.f32 v34, v9;
	[tilespmem:s2+$0x120] =	vst v37  }
0xdf: {  	v56 =	vld [tilespmem:s2+$0x40];
	v49 =	vmul.f32 v40, v5;
	[tilespmem:s2+$0x1A0] =	vst v39  }
0xe0: {  	v22 =	vld [tilespmem:s2+$0xFFFFFED0];
	v63 =	vmul.f32 v54, v6;
	[tilespmem:s2+$0xFFFFFEB0] =	vst v43  }
0xe1: {  	v38 =	vld [tilespmem:s2+$0xFFFFFEE0];
	v29 =	vmul.f32 v20, v8;
	[tilespmem:s2+$0x30] =	vst v49  }
0xe2: {  	v42 =	vld [tilespmem:s2+$0xB0];
	v41 =	vmul.f32 v32, v3;
	[tilespmem:s2+$0xFFFFFFC0] =	vst v63  }
0xe3: {  	v58 =	vld [tilespmem:s2+$0xC0];
	v45 =	vmul.f32 v36, v8;
	[tilespmem:s2+$0xFFFFFE50] =	vst v29  }
0xe4: {  	v24 =	vld [tilespmem:s2+$0xFFFFFF50];
	v21 =	vmul.f32 v56, v5;
	[tilespmem:s2+$0x150] =	vst v41  }
0xe5: {  	v44 =	vld [tilespmem:s2+$0x130];
	v31 =	vmul.f32 v22, v9;
	[tilespmem:s2+$0xFFFFFE60] =	vst v45  }
0xe6: {  	v60 =	vld [tilespmem:s2+$0x140];
	v47 =	vmul.f32 v38, v9;
	[tilespmem:s2+$0x40] =	vst v21  }
0xe7: {  	v26 =	vld [tilespmem:s2+$0xFFFFFFD0];
	v51 =	vmul.f32 v42, v4;
	[tilespmem:s2+$0xFFFFFED0] =	vst v31  }
0xe8: {  	v46 =	vld [tilespmem:s2+$0x1B0];
	v23 =	vmul.f32 v58, v4;
	[tilespmem:s2+$0xFFFFFEE0] =	vst v47  }
0xe9: {  	v62 =	vld [tilespmem:s2+$0x1C0];
	v33 =	vmul.f32 v24, v7;
	[tilespmem:s2+$0xB0] =	vst v51  }
0xea: {  	v28 =	vld [tilespmem:s2+$0x50];
	v53 =	vmul.f32 v44, v3;
	[tilespmem:s2+$0xC0] =	vst v23  }
0xeb: {  	v30 =	vld [tilespmem:s2+$0xD0];
	v25 =	vmul.f32 v60, v3;
	[tilespmem:s2+$0xFFFFFF50] =	vst v33  }
0xec: {  	v34 =	vld [tilespmem:s2+$0x1D0];
	v35 =	vmul.f32 v26, v6;
	[tilespmem:s2+$0x130] =	vst v53  }
0xed: {  	v40 =	vld [tilespmem:s2+$0xFFFFFF60];
	v55 =	vmul.f32 v46, v2;
	[tilespmem:s2+$0x140] =	vst v25  }
0xee: {  	v48 =	vld [tilespmem:s2+$0xFFFFFE40];
	v27 =	vmul.f32 v62, v2;
	[tilespmem:s2+$0xFFFFFFD0] =	vst v35  }
0xef: {  	v50 =	vld [tilespmem:s2+$0xFFFFFEC0];
	v37 =	vmul.f32 v28, v5;
	[tilespmem:s2+$0x1B0] =	vst v55  }
0xf0: {  	v52 =	vld [tilespmem:s2+$0xFFFFFF40];
	v39 =	vmul.f32 v30, v4;
	[tilespmem:s2+$0x1C0] =	vst v27  }
0xf1: {  	v54 =	vld [tilespmem:s2+$0xFFFFFEF0];
	v43 =	vmul.f32 v34, v2;
	[tilespmem:s2+$0x50] =	vst v37  }
0xf2: {  	v56 =	vld [tilespmem:s2+$0xFFFFFF70];
	v49 =	vmul.f32 v40, v7;
	[tilespmem:s2+$0xD0] =	vst v39  }
0xf3: {  	v42 =	vld [tilespmem:s2+$0xFFFFFFE0];
	v57 =	vmul.f32 v48, v8;
	[tilespmem:s2+$0x1D0] =	vst v43  }
0xf4: {  	v58 =	vld [tilespmem:s2+$0xFFFFFFF0];
	v59 =	vmul.f32 v50, v9;
	[tilespmem:s2+$0xFFFFFF60] =	vst v49  }
0xf5: {  	v44 =	vld [tilespmem:s2+$0x60];
	v61 =	vmul.f32 v52, v7;
	[tilespmem:s2+$0xFFFFFE40] =	vst v57  }
0xf6: {  	v60 =	vld [tilespmem:s2+$0x70];
	v9 =	vmul.f32 v54, v9;
	[tilespmem:s2+$0xFFFFFEC0] =	vst v59  }
0xf7: {  	v46 =	vld [tilespmem:s2+$0xE0];
	v7 =	vmul.f32 v56, v7;
	[tilespmem:s2+$0xFFFFFF40] =	vst v61  }
0xf8: {  	v48 =	vld [tilespmem:s2+$0x160];
	v51 =	vmul.f32 v42, v6;
	[tilespmem:s2+$0xFFFFFEF0] =	vst v9  }
0xf9: {  	v62 =	vld [tilespmem:s2+$0x170];
	v6 =	vmul.f32 v58, v6;
	[tilespmem:s2+$0xFFFFFF70] =	vst v7  }
0xfa: {  	v50 =	vld [tilespmem:s2+$0x1E0];
	v53 =	vmul.f32 v44, v5;
	[tilespmem:s2+$0xFFFFFFE0] =	vst v51  }
0xfb: {  	v52 =	vld [tilespmem:s2+$0xFFFFFE70];
	v5 =	vmul.f32 v60, v5;
	[tilespmem:s2+$0xFFFFFFF0] =	vst v6  }
0xfc: {  	v63 =	vld [tilespmem:s2+$0x1F0];
	v55 =	vmul.f32 v46, v4;
	[tilespmem:s2+$0x60] =	vst v53  }
0xfd: {  	v61 =	vld [tilespmem:s2+$0xF0];
	v57 =	vmul.f32 v48, v3;
	[tilespmem:s2+$0x70] =	vst v5  }
0xfe: {  	v3 =	vmul.f32 v62, v3;
	[tilespmem:s2+$0xE0] =	vst v55  }
0xff: {  	p1 =	sne.s32 s0, $0x7F;
	v59 =	vmul.f32 v50, v2;
	[tilespmem:s2+$0x160] =	vst v57  }
.Ltmp2:
0x100: {  	v8 =	vmul.f32 v52, v8;
	[tilespmem:s2+$0x170] =	vst v3;
	(pc) =	sbr.rel @p1 .LBB2_8-.Ltmp2, $4  }
0x101: {  	v2 =	vmul.f32 v63, v2;
	[tilespmem:s2+$0x1E0] =	vst v59  }
0x102: {  	[tilespmem:s2+$0xFFFFFE70] =	vst v8;
	v4 =	vmul.f32 v61, v4  }
0x103: {  	[tilespmem:s2+$0x1F0] =	vst v2  }
0x104: {  	s0 =	sadd.s32 $0x8, s0;
	[tilespmem:s2+$0xF0] =	vst v4;
	s2 =	sadd.s32 $0x400, s2  }
0x105: {  	s30 =	sadd.s32 $0x1, s30  }
0x106: {  	p1 =	sne.s32 s30, $0x8  }
.Ltmp3:
0x107: {  	s0 =	sadd.s32 $0x800, s31;
	(pc) =	sbr.rel @p1 .LBB2_5-.Ltmp3, $4  }
0x108: {  	[spmem:s1] =	stream.indirect.scatter.add.f32 [tilespmem:s24], [sflag:$0x3], $0x80, s0, s22, $0xb8;
	[tilespmem:$0x1D800] =	vst v63  }
0x109: {  	_ =	swait.ge [sflag:s19], $0x4000  }
0x10a: {  	[sflag:s19] =	ssyncset.done $0x0  }
0x10b: {  	[sflag:s19] =	ssyncadd.s32 $0xFFFFC000  }
0x10c: {  	s29 =	sadd.s32 $0x1, s29  }
0x10d: {  	p1 =	sne.s32 s29, $0x5  }
.Ltmp4:
0x10e: {  	_ = 	snop;
	(pc) =	sbr.rel @p1 .LBB2_4-.Ltmp4, $1  }
0x10f: {  	_ =	sdelay $0x3  }
0x110: {  	s0 =	stileid.u32;
	s3 =	sadd.s32 $0x1, s3  }
0x111: {  	[bflag:$0x0] =	sbarrier.arrive $0xFFFF;
	s0 =	sshll.u32 s0, $0x6;
	p1 =	sne.s32 s3, s16  }
.Ltmp5:
0x112: {  	s2 =	sshrl.u32 s8, $0x3;
	s0 =	sor.u32 $0x1C03, s0;
	(pc) =	sbr.rel @p1 .LBB2_1-.Ltmp5, $4  }
0x113: {  	[hbm:s15], [sflag:s0] =	dma.local [spmem:s2], $0x2800  }
0x114: {  	_ =	swait.ge [sflag:s19], $0x2800  }
0x115: {  	[sflag:s19] =	ssyncset.done $0x0  }
0x116: {  	[sflag:s19] =	ssyncadd.s32 $0xFFFFD800  }
0x117: {  	_ =	sfence.sel $0x180000  }
0x118: {  	[bflag:$0x0] =	sbarrier.arrive $0xFFFF  }
0x119: {  	_ =	strace $0x9000004A  }
0x11a: {  	s0 =	stileid.u32;
	[bflag:$0x2] =	sbarrier.arrive $0xFFFF  }
0x11b: {  	p0 =	sne.s32 s0, $0x0;
	s0 =	rddreg [dreg:$0x2]  }
0x11c: {  	s0 =	sadd.s32 @!p0 $0x100000, s0  }
0x11d: {  	[sflag:s0] =	ssyncadd.tile.s32 @!p0 $0x1;
	_ =	shalt  }
.Lfunc_end2:
_tile_overlayer_lowered:
.L_overlay_start_2:
0x11e: {  	(tag) =	ssettag $0x2  }
0x11f: {  	s0 =	rddreg [dreg:$0x0];
	s2 =	stileid.u32  }
0x120: {  	s1 =	rddreg [dreg:$0x1];
	p0 =	sne.s32 s2, $0x0  }
0x121: {  	s3 =	rddreg [dreg:$0x2];
	[bflag:$0x3] =	sbarrier.arrive $0xFFFF;
	s2 =	simm.s32 @!p0 $0x1C03  }
0x122: {  	[timem:s3], [sflag:s2] =	dma.local @!p0 [hbm:s0], s1  }
0x123: {  	s0 =	simm.s32 @!p0 $0x3  }
0x124: {  	_ =	swait.ge @!p0 [sflag:s0], s1  }
0x125: {  	s1 =	ssub.s32 @!p0 $0x0, s1;
	[sflag:s0] =	ssyncset.done @!p0 $0x0  }
0x126: {  	[sflag:s0] =	ssyncadd.s32 @!p0 s1  }
0x127: {  	[bflag:$0x3] =	sbarrier.arrive $0xFFFF  }
0x128: {  	_ =	shalt  }

</sc_bundles>
